<compile_context>
chip_gen: v7x
topology: tpu7x:2x2x1
jax: 0.10.2.dev20260603
libtpu: 0.0.44.dev20260713+nightly
codegen_flags: <defaults>
</compile_context>

<pallas_src>
import jax
import jax.numpy as jnp
from jax import lax
from jax.experimental import pallas as pl
from jax.experimental.pallas import tpu as pltpu
from jax.experimental.pallas import tpu_sc as plsc

N = 100000
D_X = 128
PE_DIM = 8
HID = 128
OUT = 16
G = 512

BLK = 2000
NB = N // BLK

N_SC = 76000
NB_TC0 = N_SC // BLK

NW = 32
NOCT = N_SC // 8
BASE_O = NOCT // NW
EXTRA_O = NOCT % NW
CHUNK = 128
NFULL = 18
REM_LO = BASE_O - NFULL * (CHUNK // 8)
REM_HI = REM_LO + 1


def _sc_segsum_body(x_hbm, b_hbm, out_hbm, rb0, rb1, ib0, ib1, acc,
                    sem0, sem1):
    wid = lax.axis_index("c") * 16 + lax.axis_index("s")
    start_o = wid * BASE_O + jnp.minimum(wid, EXTRA_O)
    count_o = BASE_O + (wid < EXTRA_O).astype(jnp.int32)
    row0 = pl.multiple_of(start_o * 8, 8)
    rem_o = count_o - NFULL * (CHUNK // 8)

    @pl.loop(0, G)
    def _zero(r):
        for k in range(D_X // 16):
            acc[r, pl.ds(16 * k, 16)] = jnp.zeros((16,), jnp.float32)

    def _start(c, rb, ib, sem):
        s = pl.multiple_of(row0 + c * CHUNK, 8)
        pltpu.async_copy(x_hbm.at[pl.ds(s, CHUNK)], rb, sem)
        pltpu.async_copy(b_hbm.at[pl.ds(s, CHUNK)],
                         ib.at[pl.ds(0, CHUNK)], sem)

    def _wait(c, rb, ib, sem):
        s = pl.multiple_of(row0 + c * CHUNK, 8)
        pltpu.make_async_copy(x_hbm.at[pl.ds(s, CHUNK)], rb, sem).wait()
        pltpu.make_async_copy(b_hbm.at[pl.ds(s, CHUNK)],
                              ib.at[pl.ds(0, CHUNK)], sem).wait()

    def _body(i, rb, ib):
        seg = ib[pl.ds(i, 16)][0]
        for k in range(D_X // 16):
            v = rb[i, pl.ds(16 * k, 16)]
            plsc.addupdate(acc.at[seg, pl.ds(16 * k, 16)], v)

    def _process(rb, ib):
        @plsc.parallel_loop(0, CHUNK, 1, unroll=8)
        def _row(i):
            _body(i, rb, ib)

    _start(0, rb0, ib0, sem0)

    @pl.loop(0, NFULL, step=2)
    def _chunk(c):
        _start(c + 1, rb1, ib1, sem1)
        _wait(c, rb0, ib0, sem0)
        _process(rb0, ib0)

        @pl.when(c + 2 < NFULL)
        def _():
            _start(c + 2, rb0, ib0, sem0)

        _wait(c + 1, rb1, ib1, sem1)
        _process(rb1, ib1)

    s_t = pl.multiple_of(row0 + NFULL * CHUNK, 8)
    rows_t = rem_o * 8

    @pl.when(rem_o == REM_LO)
    def _tail_lo():
        pltpu.sync_copy(x_hbm.at[pl.ds(s_t, REM_LO * 8)],
                        rb0.at[pl.ds(0, REM_LO * 8)])
        pltpu.sync_copy(b_hbm.at[pl.ds(s_t, REM_LO * 8)],
                        ib0.at[pl.ds(0, REM_LO * 8)])

    @pl.when(rem_o == REM_HI)
    def _tail_hi():
        pltpu.sync_copy(x_hbm.at[pl.ds(s_t, REM_HI * 8)],
                        rb0.at[pl.ds(0, REM_HI * 8)])
        pltpu.sync_copy(b_hbm.at[pl.ds(s_t, REM_HI * 8)],
                        ib0.at[pl.ds(0, REM_HI * 8)])

    @pl.loop(0, rows_t)
    def _tailrow(i):
        _body(i, rb0, ib0)

    pltpu.sync_copy(acc, out_hbm.at[wid])


def _sc_segsum(x, b32):
    mesh = plsc.VectorSubcoreMesh(core_axis_name="c", subcore_axis_name="s")
    return pl.kernel(
        _sc_segsum_body,
        out_type=jax.ShapeDtypeStruct((NW, G, D_X), jnp.float32),
        mesh=mesh,
        scratch_types=[
            pltpu.VMEM((CHUNK, D_X), jnp.float32),
            pltpu.VMEM((CHUNK, D_X), jnp.float32),
            pltpu.VMEM((CHUNK + 16,), jnp.int32),
            pltpu.VMEM((CHUNK + 16,), jnp.int32),
            pltpu.VMEM((G, D_X), jnp.float32),
            pltpu.SemaphoreType.DMA,
            pltpu.SemaphoreType.DMA,
        ],
    )(x, b32)


def _tc_pe_body(peT_ref, b_ref, accp):
    seg = lax.broadcasted_iota(jnp.int32, (1, G), 1)
    acc = jnp.zeros((PE_DIM + 1, G), jnp.float32)
    for j in range(NB):
        ids = b_ref[0, pl.ds(j * BLK, BLK)]
        onehot = (ids[:, None] == seg).astype(jnp.float32)
        peb = peT_ref[:, pl.ds(j * BLK, BLK)]
        pe1 = jnp.concatenate(
            [peb, jnp.ones((1, BLK), jnp.float32)], axis=0)
        acc += lax.dot_general(
            pe1, onehot, (((1,), (0,)), ((), ())),
            preferred_element_type=jnp.float32)
    accp[...] = acc


def _tc_pe(peT, b32):
    return pl.pallas_call(
        _tc_pe_body,
        out_shape=jax.ShapeDtypeStruct((PE_DIM + 1, G), jnp.float32),
    )(peT, b32.reshape(1, N))


def _tc_x_body(xb, bb, accx):
    step = pl.program_id(0)

    @pl.when(step == 0)
    def _init():
        accx[...] = jnp.zeros_like(accx)

    ids = bb[0, 0, :]
    seg = lax.broadcasted_iota(jnp.int32, (1, G), 1)
    onehot = (ids[:, None] == seg).astype(jnp.float32)
    accx[...] += lax.dot_general(
        onehot, xb[...], (((0,), (0,)), ((), ())),
        preferred_element_type=jnp.float32)


def _tc_x(x, batch3):
    return pl.pallas_call(
        _tc_x_body,
        grid=(NB - NB_TC0,),
        in_specs=[
            pl.BlockSpec((BLK, D_X), lambda i: (i + NB_TC0, 0)),
            pl.BlockSpec((1, 1, BLK), lambda i: (i + NB_TC0, 0, 0)),
        ],
        out_specs=pl.BlockSpec((G, D_X), lambda i: (0, 0)),
        out_shape=jax.ShapeDtypeStruct((G, D_X), jnp.float32),
    )(x, batch3)


def _tc_combine_body(parts, accx2, accp9, W_enc, b_enc, W1, b1, W2, b2,
                     out_ref):
    psum = jnp.sum(parts[...], axis=0) + accx2[...]
    gi = lax.broadcasted_iota(jnp.int32, (G, G), 0)
    gj = lax.broadcasted_iota(jnp.int32, (G, G), 1)
    ident = (gi == gj).astype(jnp.float32)
    cnt_col = lax.dot_general(
        ident, accp9[PE_DIM:PE_DIM + 1, :],
        (((1,), (1,)), ((), ())),
        preferred_element_type=jnp.float32)
    cnt = jnp.maximum(cnt_col, 1.0)
    pre = (lax.dot_general(psum, W_enc[:, :D_X],
                           (((1,), (1,)), ((), ())),
                           preferred_element_type=jnp.float32)
           + lax.dot_general(accp9[:PE_DIM, :], W_enc[:, D_X:],
                             (((0,), (1,)), ((), ())),
                             preferred_element_type=jnp.float32))
    h = pre / cnt + b_enc[...]
    h1 = jnp.maximum(
        lax.dot_general(h, W1[...], (((1,), (1,)), ((), ())),
                        preferred_element_type=jnp.float32) + b1[...], 0.0)
    out_ref[...] = (
        lax.dot_general(h1, W2[...], (((1,), (1,)), ((), ())),
                        preferred_element_type=jnp.float32) + b2[...])


def _tc_combine(parts, accx2, accp9, W_enc, b_enc, W1, b1, W2, b2):
    return pl.pallas_call(
        _tc_combine_body,
        out_shape=jax.ShapeDtypeStruct((G, OUT), jnp.float32),
    )(parts, accx2, accp9, W_enc, b_enc.reshape(1, HID), W1,
      b1.reshape(1, HID), W2, b2.reshape(1, OUT))


def kernel(x, pe, batch, W_enc, b_enc, W1, b1, W2, b2):
    b32 = batch.astype(jnp.int32)
    parts = _sc_segsum(x, b32)
    accp9 = _tc_pe(pe.T, b32)
    accx2 = _tc_x(x, b32.reshape(NB, 1, BLK))
    return _tc_combine(parts, accx2, accp9, W_enc, b_enc, W1, b1, W2, b2)

# --- scband reference (transcript-rebuilt; emitter-appended) ---
"""Pipeline reference for scband-base-graph-transformer-7705171329695 (READ-ONLY COPY).

The authoritative reference and input builder live on the scoring server;
editing this copy changes nothing except your own understanding.
"""

import jax, jax.numpy as jnp
import numpy as np

N = 100000
D_IN = 128
PE_DIM = 8
HID = 128
OUT = 16
NUM_GRAPHS = 512


def setup_inputs(seed: int = 0) -> dict:
    key = jax.random.key(seed)
    ks = jax.random.split(key, 9)
    x = jax.random.normal(ks[0], (N, D_IN), dtype=jnp.float32)
    pe = jax.random.normal(ks[1], (N, PE_DIM), dtype=jnp.float32)
    batch = jnp.sort(jax.random.randint(ks[2], (N,), 0, NUM_GRAPHS)).astype(jnp.int64)
    W_enc = jax.random.normal(ks[3], (HID, D_IN + PE_DIM), dtype=jnp.float32) * 0.05
    b_enc = jnp.zeros((HID,), dtype=jnp.float32)
    W1 = jax.random.normal(ks[4], (HID, HID), dtype=jnp.float32) * 0.05
    b1 = jnp.zeros((HID,), dtype=jnp.float32)
    W2 = jax.random.normal(ks[5], (OUT, HID), dtype=jnp.float32) * 0.05
    b2 = jnp.zeros((OUT,), dtype=jnp.float32)
    return {"x": x, "pe": pe, "batch": batch, "W_enc": W_enc, "b_enc": b_enc,
            "W1": W1, "b1": b1, "W2": W2, "b2": b2}


def reference(x, pe, batch, W_enc, b_enc, W1, b1, W2, b2):
    # encode_input: concat node features with positional encodings, linear encode
    h = jnp.concatenate([x, pe], axis=-1) @ W_enc.T + b_enc  # [N, HID]
    # dropout p=0.0 -> identity
    # pool_graph with pooling_type='mean' (global_mean_pool == segment mean)
    sums = jax.ops.segment_sum(h, batch, num_segments=NUM_GRAPHS)          # [G, HID]
    counts = jax.ops.segment_sum(jnp.ones((h.shape[0], 1), dtype=h.dtype), batch,
                                 num_segments=NUM_GRAPHS)                  # [G, 1]
    pooled = sums / jnp.maximum(counts, 1.0)
    # output_head (graph_classification): Linear -> ReLU -> Dropout(0) -> Linear
    h1 = jax.nn.relu(pooled @ W1.T + b1)
    out = h1 @ W2.T + b2  # [G, OUT]
    return out

if __name__ == "__main__":
    import jax
    _d = setup_inputs()
    print(jax.jit(kernel)(*tuple(_d.values())))

</pallas_src>

<mosaic_0001>
#map = affine_map<(d0, d1) -> (0, 0)>
#map1 = affine_map<(d0, d1) -> (0)>
#map2 = affine_map<(d0, d1) -> (0, 0, 0)>
module attributes {stable_mosaic.version = 14 : i64} {
  func.func @_sc_segsum_body(%arg0: i32, %arg1: i32, %arg2: memref<100000x128xf32, #tpu.memory_space<hbm>>, %arg3: memref<100000xi32, #tpu.memory_space<hbm>>, %arg4: memref<32x512x128xf32, #tpu.memory_space<hbm>>, %arg5: memref<128x128xf32, #tpu.memory_space<vmem>>, %arg6: memref<128x128xf32, #tpu.memory_space<vmem>>, %arg7: memref<144xi32, #tpu.memory_space<vmem>>, %arg8: memref<144xi32, #tpu.memory_space<vmem>>, %arg9: memref<512x128xf32, #tpu.memory_space<vmem>>, %arg10: memref<!tpu.dma_semaphore, #tpu.memory_space<semaphore_mem>>, %arg11: memref<!tpu.dma_semaphore, #tpu.memory_space<semaphore_mem>>) attributes {dimension_semantics = [#tpu.dimension_semantics<core_parallel>, #tpu.dimension_semantics<subcore_parallel>], iteration_bounds = array<i64: 2, 16>, scalar_prefetch = 0 : i64, scratch_operands = 7 : i64, tpu.core_type = #tpu.core_type<sc_vector_subcore>, window_params = [{transform_indices = #map}, {transform_indices = #map1}, {transform_indices = #map2}]} {
    %mul3A = arith.constant 16 : i32
    %mul3A_0 = arith.muli %arg0, %mul3A : i32
    %add3A = arith.addi %mul3A_0, %arg1 : i32
    %mul3A_1 = arith.constant 296 : i32
    %mul3A_2 = arith.muli %add3A, %mul3A_1 : i32
    %min3A = arith.constant 28 : i32
    %min3A_3 = arith.minsi %add3A, %min3A : i32
    %add3A_4 = arith.addi %mul3A_2, %min3A_3 : i32
    %lt3A = arith.constant 28 : i32
    %lt3A_5 = arith.cmpi slt, %add3A, %lt3A : i32
    %convert_element_type3A = arith.extui %lt3A_5 : i1 to i32
    %add3A_6 = arith.constant 296 : i32
    %add3A_7 = arith.addi %add3A_6, %convert_element_type3A : i32
    %mul3A_8 = arith.constant 8 : i32
    %mul3A_9 = arith.muli %add3A_4, %mul3A_8 : i32
    %multiple_of3A = tpu.assume_multiple %mul3A_9, 8 : i32
    %sub3A = arith.constant 288 : i32
    %sub3A_10 = arith.subi %add3A_7, %sub3A : i32
    %scan3A = arith.constant 0 : i32
    %scan3A_11 = arith.constant 512 : i32
    %scan3A_12 = arith.addi %scan3A, %scan3A_11 : i32
    %scan3A_13 = arith.constant 1 : i32
    scf.for %scan3A_62 = %scan3A to %scan3A_12 step %scan3A_13  : i32 {
      %mul3A_63 = arith.constant 1 : i32
      %mul3A_64 = arith.muli %scan3A_62, %mul3A_63 : i32
      %add3A_65 = arith.constant 0 : i32
      %add3A_66 = arith.addi %add3A_65, %mul3A_64 : i32
      %broadcast_in_dim3A = arith.constant 0.000000e+00 : f32
      %broadcast_in_dim3A_67 = vector.broadcast %broadcast_in_dim3A : f32 to vector<16xf32>
      %swap3A = arith.index_cast %add3A_66 : i32 to index
      %swap3A_68 = arith.constant 0 : index
      %swap3A_69 = tpu.vector_load %arg9[%swap3A, %swap3A_68] {strides = array<i32>} : memref<512x128xf32, #tpu.memory_space<vmem>>, vector<1x16xf32>,
      %swap3A_70 = vector.shape_cast %swap3A_69 : vector<1x16xf32> to vector<16xf32>
      %swap3A_71 = vector.shape_cast %broadcast_in_dim3A_67 : vector<16xf32> to vector<1x16xf32>
      tpu.vector_store %arg9[%swap3A, %swap3A_68], %swap3A_71 {strides = array<i32>} : memref<512x128xf32, #tpu.memory_space<vmem>>, vector<1x16xf32>,
      %broadcast_in_dim3A_72 = arith.constant 0.000000e+00 : f32
      %broadcast_in_dim3A_73 = vector.broadcast %broadcast_in_dim3A_72 : f32 to vector<16xf32>
      %swap3A_74 = arith.index_cast %add3A_66 : i32 to index
      %swap3A_75 = arith.constant 16 : index
      %swap3A_76 = tpu.vector_load %arg9[%swap3A_74, %swap3A_75] {strides = array<i32>} : memref<512x128xf32, #tpu.memory_space<vmem>>, vector<1x16xf32>,
      %swap3A_77 = vector.shape_cast %swap3A_76 : vector<1x16xf32> to vector<16xf32>
      %swap3A_78 = vector.shape_cast %broadcast_in_dim3A_73 : vector<16xf32> to vector<1x16xf32>
      tpu.vector_store %arg9[%swap3A_74, %swap3A_75], %swap3A_78 {strides = array<i32>} : memref<512x128xf32, #tpu.memory_space<vmem>>, vector<1x16xf32>,
      %broadcast_in_dim3A_79 = arith.constant 0.000000e+00 : f32
      %broadcast_in_dim3A_80 = vector.broadcast %broadcast_in_dim3A_79 : f32 to vector<16xf32>
      %swap3A_81 = arith.index_cast %add3A_66 : i32 to index
      %swap3A_82 = arith.constant 32 : index
      %swap3A_83 = tpu.vector_load %arg9[%swap3A_81, %swap3A_82] {strides = array<i32>} : memref<512x128xf32, #tpu.memory_space<vmem>>, vector<1x16xf32>,
      %swap3A_84 = vector.shape_cast %swap3A_83 : vector<1x16xf32> to vector<16xf32>
      %swap3A_85 = vector.shape_cast %broadcast_in_dim3A_80 : vector<16xf32> to vector<1x16xf32>
      tpu.vector_store %arg9[%swap3A_81, %swap3A_82], %swap3A_85 {strides = array<i32>} : memref<512x128xf32, #tpu.memory_space<vmem>>, vector<1x16xf32>,
      %broadcast_in_dim3A_86 = arith.constant 0.000000e+00 : f32
      %broadcast_in_dim3A_87 = vector.broadcast %broadcast_in_dim3A_86 : f32 to vector<16xf32>
      %swap3A_88 = arith.index_cast %add3A_66 : i32 to index
      %swap3A_89 = arith.constant 48 : index
      %swap3A_90 = tpu.vector_load %arg9[%swap3A_88, %swap3A_89] {strides = array<i32>} : memref<512x128xf32, #tpu.memory_space<vmem>>, vector<1x16xf32>,
      %swap3A_91 = vector.shape_cast %swap3A_90 : vector<1x16xf32> to vector<16xf32>
      %swap3A_92 = vector.shape_cast %broadcast_in_dim3A_87 : vector<16xf32> to vector<1x16xf32>
      tpu.vector_store %arg9[%swap3A_88, %swap3A_89], %swap3A_92 {strides = array<i32>} : memref<512x128xf32, #tpu.memory_space<vmem>>, vector<1x16xf32>,
      %broadcast_in_dim3A_93 = arith.constant 0.000000e+00 : f32
      %broadcast_in_dim3A_94 = vector.broadcast %broadcast_in_dim3A_93 : f32 to vector<16xf32>
      %swap3A_95 = arith.index_cast %add3A_66 : i32 to index
      %swap3A_96 = arith.constant 64 : index
      %swap3A_97 = tpu.vector_load %arg9[%swap3A_95, %swap3A_96] {strides = array<i32>} : memref<512x128xf32, #tpu.memory_space<vmem>>, vector<1x16xf32>,
      %swap3A_98 = vector.shape_cast %swap3A_97 : vector<1x16xf32> to vector<16xf32>
      %swap3A_99 = vector.shape_cast %broadcast_in_dim3A_94 : vector<16xf32> to vector<1x16xf32>
      tpu.vector_store %arg9[%swap3A_95, %swap3A_96], %swap3A_99 {strides = array<i32>} : memref<512x128xf32, #tpu.memory_space<vmem>>, vector<1x16xf32>,
      %broadcast_in_dim3A_100 = arith.constant 0.000000e+00 : f32
      %broadcast_in_dim3A_101 = vector.broadcast %broadcast_in_dim3A_100 : f32 to vector<16xf32>
      %swap3A_102 = arith.index_cast %add3A_66 : i32 to index
      %swap3A_103 = arith.constant 80 : index
      %swap3A_104 = tpu.vector_load %arg9[%swap3A_102, %swap3A_103] {strides = array<i32>} : memref<512x128xf32, #tpu.memory_space<vmem>>, vector<1x16xf32>,
      %swap3A_105 = vector.shape_cast %swap3A_104 : vector<1x16xf32> to vector<16xf32>
      %swap3A_106 = vector.shape_cast %broadcast_in_dim3A_101 : vector<16xf32> to vector<1x16xf32>
      tpu.vector_store %arg9[%swap3A_102, %swap3A_103], %swap3A_106 {strides = array<i32>} : memref<512x128xf32, #tpu.memory_space<vmem>>, vector<1x16xf32>,
      %broadcast_in_dim3A_107 = arith.constant 0.000000e+00 : f32
      %broadcast_in_dim3A_108 = vector.broadcast %broadcast_in_dim3A_107 : f32 to vector<16xf32>
      %swap3A_109 = arith.index_cast %add3A_66 : i32 to index
      %swap3A_110 = arith.constant 96 : index
      %swap3A_111 = tpu.vector_load %arg9[%swap3A_109, %swap3A_110] {strides = array<i32>} : memref<512x128xf32, #tpu.memory_space<vmem>>, vector<1x16xf32>,
      %swap3A_112 = vector.shape_cast %swap3A_111 : vector<1x16xf32> to vector<16xf32>
      %swap3A_113 = vector.shape_cast %broadcast_in_dim3A_108 : vector<16xf32> to vector<1x16xf32>
      tpu.vector_store %arg9[%swap3A_109, %swap3A_110], %swap3A_113 {strides = array<i32>} : memref<512x128xf32, #tpu.memory_space<vmem>>, vector<1x16xf32>,
      %broadcast_in_dim3A_114 = arith.constant 0.000000e+00 : f32
      %broadcast_in_dim3A_115 = vector.broadcast %broadcast_in_dim3A_114 : f32 to vector<16xf32>
      %swap3A_116 = arith.index_cast %add3A_66 : i32 to index
      %swap3A_117 = arith.constant 112 : index
      %swap3A_118 = tpu.vector_load %arg9[%swap3A_116, %swap3A_117] {strides = array<i32>} : memref<512x128xf32, #tpu.memory_space<vmem>>, vector<1x16xf32>,
      %swap3A_119 = vector.shape_cast %swap3A_118 : vector<1x16xf32> to vector<16xf32>
      %swap3A_120 = vector.shape_cast %broadcast_in_dim3A_115 : vector<16xf32> to vector<1x16xf32>
      tpu.vector_store %arg9[%swap3A_116, %swap3A_117], %swap3A_120 {strides = array<i32>} : memref<512x128xf32, #tpu.memory_space<vmem>>, vector<1x16xf32>,
    }
    %scan3A_14 = arith.constant 512 : i32
    %add3A_15 = arith.constant 0 : i32
    %add3A_16 = arith.addi %multiple_of3A, %add3A_15 : i32
    %multiple_of3A_17 = tpu.assume_multiple %add3A_16, 8 : i32
    %dma_start3A = arith.constant 0 : i32
    %dma_start3A_18 = tpu.memref_slice %arg2[%multiple_of3A_17, %dma_start3A] : memref<100000x128xf32, #tpu.memory_space<hbm>> -> memref<128x128xf32, #tpu.memory_space<hbm>>
    %dma_start3A_19 = arith.constant 0 : i32
    %dma_start3A_20 = tpu.memref_slice %arg2[%multiple_of3A_17, %dma_start3A_19] : memref<100000x128xf32, #tpu.memory_space<hbm>> -> memref<128x128xf32, #tpu.memory_space<hbm>>
    tpu.enqueue_dma source(%dma_start3A_20 : memref<128x128xf32, #tpu.memory_space<hbm>>) target(%arg5 : memref<128x128xf32, #tpu.memory_space<vmem>>) target_semaphore(%arg10 : memref<!tpu.dma_semaphore, #tpu.memory_space<semaphore_mem>>)
    %dma_start3A_21 = arith.constant 0 : i32
    %dma_start3A_22 = tpu.memref_slice %arg7[%dma_start3A_21] : memref<144xi32, #tpu.memory_space<vmem>> -> memref<128xi32, #tpu.memory_space<vmem>>
    %dma_start3A_23 = tpu.memref_slice %arg3[%multiple_of3A_17] : memref<100000xi32, #tpu.memory_space<hbm>> -> memref<128xi32, #tpu.memory_space<hbm>>
    %dma_start3A_24 = arith.constant 0 : i32
    %dma_start3A_25 = tpu.memref_slice %arg7[%dma_start3A_24] : memref<144xi32, #tpu.memory_space<vmem>> -> memref<128xi32, #tpu.memory_space<vmem>>
    %dma_start3A_26 = tpu.memref_slice %arg3[%multiple_of3A_17] : memref<100000xi32, #tpu.memory_space<hbm>> -> memref<128xi32, #tpu.memory_space<hbm>>
    tpu.enqueue_dma source(%dma_start3A_26 : memref<128xi32, #tpu.memory_space<hbm>>) target(%dma_start3A_25 : memref<128xi32, #tpu.memory_space<vmem>>) target_semaphore(%arg10 : memref<!tpu.dma_semaphore, #tpu.memory_space<semaphore_mem>>)
    %scan3A_27 = arith.constant 0 : i32
    %scan3A_28 = arith.constant 9 : i32
    %scan3A_29 = arith.addi %scan3A_27, %scan3A_28 : i32
    %scan3A_30 = arith.constant 1 : i32
    scf.for %scan3A_62 = %scan3A_27 to %scan3A_29 step %scan3A_30  : i32 {
      %mul3A_63 = arith.constant 2 : i32
      %mul3A_64 = arith.muli %scan3A_62, %mul3A_63 : i32
      %add3A_65 = arith.constant 0 : i32
      %add3A_66 = arith.addi %add3A_65, %mul3A_64 : i32
      %add3A_67 = arith.constant 1 : i32
      %add3A_68 = arith.addi %add3A_66, %add3A_67 : i32
      %mul3A_69 = arith.constant 128 : i32
      %mul3A_70 = arith.muli %add3A_68, %mul3A_69 : i32
      %add3A_71 = arith.addi %multiple_of3A, %mul3A_70 : i32
      %multiple_of3A_72 = tpu.assume_multiple %add3A_71, 8 : i32
      %dma_start3A_73 = arith.constant 0 : i32
      %dma_start3A_74 = tpu.memref_slice %arg2[%multiple_of3A_72, %dma_start3A_73] : memref<100000x128xf32, #tpu.memory_space<hbm>> -> memref<128x128xf32, #tpu.memory_space<hbm>>
      %dma_start3A_75 = arith.constant 0 : i32
      %dma_start3A_76 = tpu.memref_slice %arg2[%multiple_of3A_72, %dma_start3A_75] : memref<100000x128xf32, #tpu.memory_space<hbm>> -> memref<128x128xf32, #tpu.memory_space<hbm>>
      tpu.enqueue_dma source(%dma_start3A_76 : memref<128x128xf32, #tpu.memory_space<hbm>>) target(%arg6 : memref<128x128xf32, #tpu.memory_space<vmem>>) target_semaphore(%arg11 : memref<!tpu.dma_semaphore, #tpu.memory_space<semaphore_mem>>)
      %dma_start3A_77 = arith.constant 0 : i32
      %dma_start3A_78 = tpu.memref_slice %arg8[%dma_start3A_77] : memref<144xi32, #tpu.memory_space<vmem>> -> memref<128xi32, #tpu.memory_space<vmem>>
      %dma_start3A_79 = tpu.memref_slice %arg3[%multiple_of3A_72] : memref<100000xi32, #tpu.memory_space<hbm>> -> memref<128xi32, #tpu.memory_space<hbm>>
      %dma_start3A_80 = arith.constant 0 : i32
      %dma_start3A_81 = tpu.memref_slice %arg8[%dma_start3A_80] : memref<144xi32, #tpu.memory_space<vmem>> -> memref<128xi32, #tpu.memory_space<vmem>>
      %dma_start3A_82 = tpu.memref_slice %arg3[%multiple_of3A_72] : memref<100000xi32, #tpu.memory_space<hbm>> -> memref<128xi32, #tpu.memory_space<hbm>>
      tpu.enqueue_dma source(%dma_start3A_82 : memref<128xi32, #tpu.memory_space<hbm>>) target(%dma_start3A_81 : memref<128xi32, #tpu.memory_space<vmem>>) target_semaphore(%arg11 : memref<!tpu.dma_semaphore, #tpu.memory_space<semaphore_mem>>)
      %mul3A_83 = arith.constant 128 : i32
      %mul3A_84 = arith.muli %add3A_66, %mul3A_83 : i32
      %add3A_85 = arith.addi %multiple_of3A, %mul3A_84 : i32
      %multiple_of3A_86 = tpu.assume_multiple %add3A_85, 8 : i32
      %dma_wait3A = arith.constant 0 : i32
      %dma_wait3A_87 = tpu.memref_slice %arg2[%multiple_of3A_86, %dma_wait3A] : memref<100000x128xf32, #tpu.memory_space<hbm>> -> memref<128x128xf32, #tpu.memory_space<hbm>>
      %dma_wait3A_88 = arith.constant 0 : i32
      %dma_wait3A_89 = tpu.memref_slice %arg2[%multiple_of3A_86, %dma_wait3A_88] : memref<100000x128xf32, #tpu.memory_space<hbm>> -> memref<128x128xf32, #tpu.memory_space<hbm>>
      tpu.wait_dma2 semaphore(%arg10 : memref<!tpu.dma_semaphore, #tpu.memory_space<semaphore_mem>>) src(%dma_wait3A_89 : memref<128x128xf32, #tpu.memory_space<hbm>>) dst(%arg5 : memref<128x128xf32, #tpu.memory_space<vmem>>)
      %dma_wait3A_90 = arith.constant 0 : i32
      %dma_wait3A_91 = tpu.memref_slice %arg7[%dma_wait3A_90] : memref<144xi32, #tpu.memory_space<vmem>> -> memref<128xi32, #tpu.memory_space<vmem>>
      %dma_wait3A_92 = tpu.memref_slice %arg3[%multiple_of3A_86] : memref<100000xi32, #tpu.memory_space<hbm>> -> memref<128xi32, #tpu.memory_space<hbm>>
      %dma_wait3A_93 = arith.constant 0 : i32
      %dma_wait3A_94 = tpu.memref_slice %arg7[%dma_wait3A_93] : memref<144xi32, #tpu.memory_space<vmem>> -> memref<128xi32, #tpu.memory_space<vmem>>
      %dma_wait3A_95 = tpu.memref_slice %arg3[%multiple_of3A_86] : memref<100000xi32, #tpu.memory_space<hbm>> -> memref<128xi32, #tpu.memory_space<hbm>>
      tpu.wait_dma2 semaphore(%arg10 : memref<!tpu.dma_semaphore, #tpu.memory_space<semaphore_mem>>) src(%dma_wait3A_95 : memref<128xi32, #tpu.memory_space<hbm>>) dst(%dma_wait3A_94 : memref<128xi32, #tpu.memory_space<vmem>>)
      %parallel_loop3A = arith.constant 0 : i32
      %parallel_loop3A_96 = arith.constant 128 : i32
      %parallel_loop3A_97 = arith.constant 1 : i32
      scf.for %parallel_loop3A_124 = %parallel_loop3A to %parallel_loop3A_96 step %parallel_loop3A_97  : i32 {
        %parallel_loop3A_125 = arith.index_cast %parallel_loop3A_124 : i32 to index
        %parallel_loop3A_126 = tpu.vector_load %arg7[%parallel_loop3A_125] {strides = array<i32>} : memref<144xi32, #tpu.memory_space<vmem>>, vector<16xi32>,
        %parallel_loop3A_127 = vector.shape_cast %parallel_loop3A_126 : vector<16xi32> to vector<16xi32>
        %parallel_loop3A_128 = vector.extract_strided_slice %parallel_loop3A_127 {offsets = [0], sizes = [1], strides = [1]} : vector<16xi32> to vector<1xi32>
        %parallel_loop3A_129 = vector.extract %parallel_loop3A_128[0] : i32 from vector<1xi32>
        %parallel_loop3A_130 = arith.index_cast %parallel_loop3A_124 : i32 to index
        %parallel_loop3A_131 = arith.constant 0 : index
        %parallel_loop3A_132 = tpu.vector_load %arg5[%parallel_loop3A_130, %parallel_loop3A_131] {strides = array<i32>} : memref<128x128xf32, #tpu.memory_space<vmem>>, vector<1x16xf32>,
        %parallel_loop3A_133 = vector.shape_cast %parallel_loop3A_132 : vector<1x16xf32> to vector<16xf32>
        %parallel_loop3A_134 = arith.index_cast %parallel_loop3A_129 : i32 to index
        %parallel_loop3A_135 = arith.constant 0 : index
        %parallel_loop3A_136 = tpu.vector_load %arg9[%parallel_loop3A_134, %parallel_loop3A_135] {strides = array<i32>} : memref<512x128xf32, #tpu.memory_space<vmem>>, vector<1x16xf32>,
        %parallel_loop3A_137 = vector.shape_cast %parallel_loop3A_136 : vector<1x16xf32> to vector<16xf32>
        %parallel_loop3A_138 = vector.shape_cast %parallel_loop3A_133 : vector<16xf32> to vector<1x16xf32>
        tpu.vector_store %arg9[%parallel_loop3A_134, %parallel_loop3A_135], %parallel_loop3A_138 {add = true, strides = array<i32>} : memref<512x128xf32, #tpu.memory_space<vmem>>, vector<1x16xf32>,
        %parallel_loop3A_139 = arith.index_cast %parallel_loop3A_124 : i32 to index
        %parallel_loop3A_140 = arith.constant 16 : index
        %parallel_loop3A_141 = tpu.vector_load %arg5[%parallel_loop3A_139, %parallel_loop3A_140] {strides = array<i32>} : memref<128x128xf32, #tpu.memory_space<vmem>>, vector<1x16xf32>,
        %parallel_loop3A_142 = vector.shape_cast %parallel_loop3A_141 : vector<1x16xf32> to vector<16xf32>
        %parallel_loop3A_143 = arith.index_cast %parallel_loop3A_129 : i32 to index
        %parallel_loop3A_144 = arith.constant 16 : index
        %parallel_loop3A_145 = tpu.vector_load %arg9[%parallel_loop3A_143, %parallel_loop3A_144] {strides = array<i32>} : memref<512x128xf32, #tpu.memory_space<vmem>>, vector<1x16xf32>,
        %parallel_loop3A_146 = vector.shape_cast %parallel_loop3A_145 : vector<1x16xf32> to vector<16xf32>
        %parallel_loop3A_147 = vector.shape_cast %parallel_loop3A_142 : vector<16xf32> to vector<1x16xf32>
        tpu.vector_store %arg9[%parallel_loop3A_143, %parallel_loop3A_144], %parallel_loop3A_147 {add = true, strides = array<i32>} : memref<512x128xf32, #tpu.memory_space<vmem>>, vector<1x16xf32>,
        %parallel_loop3A_148 = arith.index_cast %parallel_loop3A_124 : i32 to index
        %parallel_loop3A_149 = arith.constant 32 : index
        %parallel_loop3A_150 = tpu.vector_load %arg5[%parallel_loop3A_148, %parallel_loop3A_149] {strides = array<i32>} : memref<128x128xf32, #tpu.memory_space<vmem>>, vector<1x16xf32>,
        %parallel_loop3A_151 = vector.shape_cast %parallel_loop3A_150 : vector<1x16xf32> to vector<16xf32>
        %parallel_loop3A_152 = arith.index_cast %parallel_loop3A_129 : i32 to index
        %parallel_loop3A_153 = arith.constant 32 : index
        %parallel_loop3A_154 = tpu.vector_load %arg9[%parallel_loop3A_152, %parallel_loop3A_153] {strides = array<i32>} : memref<512x128xf32, #tpu.memory_space<vmem>>, vector<1x16xf32>,
        %parallel_loop3A_155 = vector.shape_cast %parallel_loop3A_154 : vector<1x16xf32> to vector<16xf32>
        %parallel_loop3A_156 = vector.shape_cast %parallel_loop3A_151 : vector<16xf32> to vector<1x16xf32>
        tpu.vector_store %arg9[%parallel_loop3A_152, %parallel_loop3A_153], %parallel_loop3A_156 {add = true, strides = array<i32>} : memref<512x128xf32, #tpu.memory_space<vmem>>, vector<1x16xf32>,
        %parallel_loop3A_157 = arith.index_cast %parallel_loop3A_124 : i32 to index
        %parallel_loop3A_158 = arith.constant 48 : index
        %parallel_loop3A_159 = tpu.vector_load %arg5[%parallel_loop3A_157, %parallel_loop3A_158] {strides = array<i32>} : memref<128x128xf32, #tpu.memory_space<vmem>>, vector<1x16xf32>,
        %parallel_loop3A_160 = vector.shape_cast %parallel_loop3A_159 : vector<1x16xf32> to vector<16xf32>
        %parallel_loop3A_161 = arith.index_cast %parallel_loop3A_129 : i32 to index
        %parallel_loop3A_162 = arith.constant 48 : index
        %parallel_loop3A_163 = tpu.vector_load %arg9[%parallel_loop3A_161, %parallel_loop3A_162] {strides = array<i32>} : memref<512x128xf32, #tpu.memory_space<vmem>>, vector<1x16xf32>,
        %parallel_loop3A_164 = vector.shape_cast %parallel_loop3A_163 : vector<1x16xf32> to vector<16xf32>
        %parallel_loop3A_165 = vector.shape_cast %parallel_loop3A_160 : vector<16xf32> to vector<1x16xf32>
        tpu.vector_store %arg9[%parallel_loop3A_161, %parallel_loop3A_162], %parallel_loop3A_165 {add = true, strides = array<i32>} : memref<512x128xf32, #tpu.memory_space<vmem>>, vector<1x16xf32>,
        %parallel_loop3A_166 = arith.index_cast %parallel_loop3A_124 : i32 to index
        %parallel_loop3A_167 = arith.constant 64 : index
        %parallel_loop3A_168 = tpu.vector_load %arg5[%parallel_loop3A_166, %parallel_loop3A_167] {strides = array<i32>} : memref<128x128xf32, #tpu.memory_space<vmem>>, vector<1x16xf32>,
        %parallel_loop3A_169 = vector.shape_cast %parallel_loop3A_168 : vector<1x16xf32> to vector<16xf32>
        %parallel_loop3A_170 = arith.index_cast %parallel_loop3A_129 : i32 to index
        %parallel_loop3A_171 = arith.constant 64 : index
        %parallel_loop3A_172 = tpu.vector_load %arg9[%parallel_loop3A_170, %parallel_loop3A_171] {strides = array<i32>} : memref<512x128xf32, #tpu.memory_space<vmem>>, vector<1x16xf32>,
        %parallel_loop3A_173 = vector.shape_cast %parallel_loop3A_172 : vector<1x16xf32> to vector<16xf32>
        %parallel_loop3A_174 = vector.shape_cast %parallel_loop3A_169 : vector<16xf32> to vector<1x16xf32>
        tpu.vector_store %arg9[%parallel_loop3A_170, %parallel_loop3A_171], %parallel_loop3A_174 {add = true, strides = array<i32>} : memref<512x128xf32, #tpu.memory_space<vmem>>, vector<1x16xf32>,
        %parallel_loop3A_175 = arith.index_cast %parallel_loop3A_124 : i32 to index
        %parallel_loop3A_176 = arith.constant 80 : index
        %parallel_loop3A_177 = tpu.vector_load %arg5[%parallel_loop3A_175, %parallel_loop3A_176] {strides = array<i32>} : memref<128x128xf32, #tpu.memory_space<vmem>>, vector<1x16xf32>,
        %parallel_loop3A_178 = vector.shape_cast %parallel_loop3A_177 : vector<1x16xf32> to vector<16xf32>
        %parallel_loop3A_179 = arith.index_cast %parallel_loop3A_129 : i32 to index
        %parallel_loop3A_180 = arith.constant 80 : index
        %parallel_loop3A_181 = tpu.vector_load %arg9[%parallel_loop3A_179, %parallel_loop3A_180] {strides = array<i32>} : memref<512x128xf32, #tpu.memory_space<vmem>>, vector<1x16xf32>,
        %parallel_loop3A_182 = vector.shape_cast %parallel_loop3A_181 : vector<1x16xf32> to vector<16xf32>
        %parallel_loop3A_183 = vector.shape_cast %parallel_loop3A_178 : vector<16xf32> to vector<1x16xf32>
        tpu.vector_store %arg9[%parallel_loop3A_179, %parallel_loop3A_180], %parallel_loop3A_183 {add = true, strides = array<i32>} : memref<512x128xf32, #tpu.memory_space<vmem>>, vector<1x16xf32>,
        %parallel_loop3A_184 = arith.index_cast %parallel_loop3A_124 : i32 to index
        %parallel_loop3A_185 = arith.constant 96 : index
        %parallel_loop3A_186 = tpu.vector_load %arg5[%parallel_loop3A_184, %parallel_loop3A_185] {strides = array<i32>} : memref<128x128xf32, #tpu.memory_space<vmem>>, vector<1x16xf32>,
        %parallel_loop3A_187 = vector.shape_cast %parallel_loop3A_186 : vector<1x16xf32> to vector<16xf32>
        %parallel_loop3A_188 = arith.index_cast %parallel_loop3A_129 : i32 to index
        %parallel_loop3A_189 = arith.constant 96 : index
        %parallel_loop3A_190 = tpu.vector_load %arg9[%parallel_loop3A_188, %parallel_loop3A_189] {strides = array<i32>} : memref<512x128xf32, #tpu.memory_space<vmem>>, vector<1x16xf32>,
        %parallel_loop3A_191 = vector.shape_cast %parallel_loop3A_190 : vector<1x16xf32> to vector<16xf32>
        %parallel_loop3A_192 = vector.shape_cast %parallel_loop3A_187 : vector<16xf32> to vector<1x16xf32>
        tpu.vector_store %arg9[%parallel_loop3A_188, %parallel_loop3A_189], %parallel_loop3A_192 {add = true, strides = array<i32>} : memref<512x128xf32, #tpu.memory_space<vmem>>, vector<1x16xf32>,
        %parallel_loop3A_193 = arith.index_cast %parallel_loop3A_124 : i32 to index
        %parallel_loop3A_194 = arith.constant 112 : index
        %parallel_loop3A_195 = tpu.vector_load %arg5[%parallel_loop3A_193, %parallel_loop3A_194] {strides = array<i32>} : memref<128x128xf32, #tpu.memory_space<vmem>>, vector<1x16xf32>,
        %parallel_loop3A_196 = vector.shape_cast %parallel_loop3A_195 : vector<1x16xf32> to vector<16xf32>
        %parallel_loop3A_197 = arith.index_cast %parallel_loop3A_129 : i32 to index
        %parallel_loop3A_198 = arith.constant 112 : index
        %parallel_loop3A_199 = tpu.vector_load %arg9[%parallel_loop3A_197, %parallel_loop3A_198] {strides = array<i32>} : memref<512x128xf32, #tpu.memory_space<vmem>>, vector<1x16xf32>,
        %parallel_loop3A_200 = vector.shape_cast %parallel_loop3A_199 : vector<1x16xf32> to vector<16xf32>
        %parallel_loop3A_201 = vector.shape_cast %parallel_loop3A_196 : vector<16xf32> to vector<1x16xf32>
        tpu.vector_store %arg9[%parallel_loop3A_197, %parallel_loop3A_198], %parallel_loop3A_201 {add = true, strides = array<i32>} : memref<512x128xf32, #tpu.memory_space<vmem>>, vector<1x16xf32>,
      } {sc.loop_unroll_factor = 8 : i64, sc.parallel_access}
      %add3A_98 = arith.constant 2 : i32
      %add3A_99 = arith.addi %add3A_66, %add3A_98 : i32
      %lt3A_100 = arith.constant 18 : i32
      %lt3A_101 = arith.cmpi slt, %add3A_99, %lt3A_100 : i32
      %convert_element_type3A_102 = arith.extui %lt3A_101 : i1 to i32
      %cond3A_103 = arith.constant 0 : i32
      %cond3A_104 = arith.cmpi ne, %convert_element_type3A_102, %cond3A_103 : i32
      scf.if %cond3A_104 {
        %add3A_124 = arith.constant 2 : i32
        %add3A_125 = arith.addi %add3A_66, %add3A_124 : i32
        %mul3A_126 = arith.constant 128 : i32
        %mul3A_127 = arith.muli %add3A_125, %mul3A_126 : i32
        %add3A_128 = arith.addi %multiple_of3A, %mul3A_127 : i32
        %multiple_of3A_129 = tpu.assume_multiple %add3A_128, 8 : i32
        %dma_start3A_130 = arith.constant 0 : i32
        %dma_start3A_131 = tpu.memref_slice %arg2[%multiple_of3A_129, %dma_start3A_130] : memref<100000x128xf32, #tpu.memory_space<hbm>> -> memref<128x128xf32, #tpu.memory_space<hbm>>
        %dma_start3A_132 = arith.constant 0 : i32
        %dma_start3A_133 = tpu.memref_slice %arg2[%multiple_of3A_129, %dma_start3A_132] : memref<100000x128xf32, #tpu.memory_space<hbm>> -> memref<128x128xf32, #tpu.memory_space<hbm>>
        tpu.enqueue_dma source(%dma_start3A_133 : memref<128x128xf32, #tpu.memory_space<hbm>>) target(%arg5 : memref<128x128xf32, #tpu.memory_space<vmem>>) target_semaphore(%arg10 : memref<!tpu.dma_semaphore, #tpu.memory_space<semaphore_mem>>)
        %dma_start3A_134 = arith.constant 0 : i32
        %dma_start3A_135 = tpu.memref_slice %arg7[%dma_start3A_134] : memref<144xi32, #tpu.memory_space<vmem>> -> memref<128xi32, #tpu.memory_space<vmem>>
        %dma_start3A_136 = tpu.memref_slice %arg3[%multiple_of3A_129] : memref<100000xi32, #tpu.memory_space<hbm>> -> memref<128xi32, #tpu.memory_space<hbm>>
        %dma_start3A_137 = arith.constant 0 : i32
        %dma_start3A_138 = tpu.memref_slice %arg7[%dma_start3A_137] : memref<144xi32, #tpu.memory_space<vmem>> -> memref<128xi32, #tpu.memory_space<vmem>>
        %dma_start3A_139 = tpu.memref_slice %arg3[%multiple_of3A_129] : memref<100000xi32, #tpu.memory_space<hbm>> -> memref<128xi32, #tpu.memory_space<hbm>>
        tpu.enqueue_dma source(%dma_start3A_139 : memref<128xi32, #tpu.memory_space<hbm>>) target(%dma_start3A_138 : memref<128xi32, #tpu.memory_space<vmem>>) target_semaphore(%arg10 : memref<!tpu.dma_semaphore, #tpu.memory_space<semaphore_mem>>)
      } else {
      }
      %add3A_105 = arith.constant 1 : i32
      %add3A_106 = arith.addi %add3A_66, %add3A_105 : i32
      %mul3A_107 = arith.constant 128 : i32
      %mul3A_108 = arith.muli %add3A_106, %mul3A_107 : i32
      %add3A_109 = arith.addi %multiple_of3A, %mul3A_108 : i32
      %multiple_of3A_110 = tpu.assume_multiple %add3A_109, 8 : i32
      %dma_wait3A_111 = arith.constant 0 : i32
      %dma_wait3A_112 = tpu.memref_slice %arg2[%multiple_of3A_110, %dma_wait3A_111] : memref<100000x128xf32, #tpu.memory_space<hbm>> -> memref<128x128xf32, #tpu.memory_space<hbm>>
      %dma_wait3A_113 = arith.constant 0 : i32
      %dma_wait3A_114 = tpu.memref_slice %arg2[%multiple_of3A_110, %dma_wait3A_113] : memref<100000x128xf32, #tpu.memory_space<hbm>> -> memref<128x128xf32, #tpu.memory_space<hbm>>
      tpu.wait_dma2 semaphore(%arg11 : memref<!tpu.dma_semaphore, #tpu.memory_space<semaphore_mem>>) src(%dma_wait3A_114 : memref<128x128xf32, #tpu.memory_space<hbm>>) dst(%arg6 : memref<128x128xf32, #tpu.memory_space<vmem>>)
      %dma_wait3A_115 = arith.constant 0 : i32
      %dma_wait3A_116 = tpu.memref_slice %arg8[%dma_wait3A_115] : memref<144xi32, #tpu.memory_space<vmem>> -> memref<128xi32, #tpu.memory_space<vmem>>
      %dma_wait3A_117 = tpu.memref_slice %arg3[%multiple_of3A_110] : memref<100000xi32, #tpu.memory_space<hbm>> -> memref<128xi32, #tpu.memory_space<hbm>>
      %dma_wait3A_118 = arith.constant 0 : i32
      %dma_wait3A_119 = tpu.memref_slice %arg8[%dma_wait3A_118] : memref<144xi32, #tpu.memory_space<vmem>> -> memref<128xi32, #tpu.memory_space<vmem>>
      %dma_wait3A_120 = tpu.memref_slice %arg3[%multiple_of3A_110] : memref<100000xi32, #tpu.memory_space<hbm>> -> memref<128xi32, #tpu.memory_space<hbm>>
      tpu.wait_dma2 semaphore(%arg11 : memref<!tpu.dma_semaphore, #tpu.memory_space<semaphore_mem>>) src(%dma_wait3A_120 : memref<128xi32, #tpu.memory_space<hbm>>) dst(%dma_wait3A_119 : memref<128xi32, #tpu.memory_space<vmem>>)
      %parallel_loop3A_121 = arith.constant 0 : i32
      %parallel_loop3A_122 = arith.constant 128 : i32
      %parallel_loop3A_123 = arith.constant 1 : i32
      scf.for %parallel_loop3A_124 = %parallel_loop3A_121 to %parallel_loop3A_122 step %parallel_loop3A_123  : i32 {
        %parallel_loop3A_125 = arith.index_cast %parallel_loop3A_124 : i32 to index
        %parallel_loop3A_126 = tpu.vector_load %arg8[%parallel_loop3A_125] {strides = array<i32>} : memref<144xi32, #tpu.memory_space<vmem>>, vector<16xi32>,
        %parallel_loop3A_127 = vector.shape_cast %parallel_loop3A_126 : vector<16xi32> to vector<16xi32>
        %parallel_loop3A_128 = vector.extract_strided_slice %parallel_loop3A_127 {offsets = [0], sizes = [1], strides = [1]} : vector<16xi32> to vector<1xi32>
        %parallel_loop3A_129 = vector.extract %parallel_loop3A_128[0] : i32 from vector<1xi32>
        %parallel_loop3A_130 = arith.index_cast %parallel_loop3A_124 : i32 to index
        %parallel_loop3A_131 = arith.constant 0 : index
        %parallel_loop3A_132 = tpu.vector_load %arg6[%parallel_loop3A_130, %parallel_loop3A_131] {strides = array<i32>} : memref<128x128xf32, #tpu.memory_space<vmem>>, vector<1x16xf32>,
        %parallel_loop3A_133 = vector.shape_cast %parallel_loop3A_132 : vector<1x16xf32> to vector<16xf32>
        %parallel_loop3A_134 = arith.index_cast %parallel_loop3A_129 : i32 to index
        %parallel_loop3A_135 = arith.constant 0 : index
        %parallel_loop3A_136 = tpu.vector_load %arg9[%parallel_loop3A_134, %parallel_loop3A_135] {strides = array<i32>} : memref<512x128xf32, #tpu.memory_space<vmem>>, vector<1x16xf32>,
        %parallel_loop3A_137 = vector.shape_cast %parallel_loop3A_136 : vector<1x16xf32> to vector<16xf32>
        %parallel_loop3A_138 = vector.shape_cast %parallel_loop3A_133 : vector<16xf32> to vector<1x16xf32>
        tpu.vector_store %arg9[%parallel_loop3A_134, %parallel_loop3A_135], %parallel_loop3A_138 {add = true, strides = array<i32>} : memref<512x128xf32, #tpu.memory_space<vmem>>, vector<1x16xf32>,
        %parallel_loop3A_139 = arith.index_cast %parallel_loop3A_124 : i32 to index
        %parallel_loop3A_140 = arith.constant 16 : index
        %parallel_loop3A_141 = tpu.vector_load %arg6[%parallel_loop3A_139, %parallel_loop3A_140] {strides = array<i32>} : memref<128x128xf32, #tpu.memory_space<vmem>>, vector<1x16xf32>,
        %parallel_loop3A_142 = vector.shape_cast %parallel_loop3A_141 : vector<1x16xf32> to vector<16xf32>
        %parallel_loop3A_143 = arith.index_cast %parallel_loop3A_129 : i32 to index
        %parallel_loop3A_144 = arith.constant 16 : index
        %parallel_loop3A_145 = tpu.vector_load %arg9[%parallel_loop3A_143, %parallel_loop3A_144] {strides = array<i32>} : memref<512x128xf32, #tpu.memory_space<vmem>>, vector<1x16xf32>,
        %parallel_loop3A_146 = vector.shape_cast %parallel_loop3A_145 : vector<1x16xf32> to vector<16xf32>
        %parallel_loop3A_147 = vector.shape_cast %parallel_loop3A_142 : vector<16xf32> to vector<1x16xf32>
        tpu.vector_store %arg9[%parallel_loop3A_143, %parallel_loop3A_144], %parallel_loop3A_147 {add = true, strides = array<i32>} : memref<512x128xf32, #tpu.memory_space<vmem>>, vector<1x16xf32>,
        %parallel_loop3A_148 = arith.index_cast %parallel_loop3A_124 : i32 to index
        %parallel_loop3A_149 = arith.constant 32 : index
        %parallel_loop3A_150 = tpu.vector_load %arg6[%parallel_loop3A_148, %parallel_loop3A_149] {strides = array<i32>} : memref<128x128xf32, #tpu.memory_space<vmem>>, vector<1x16xf32>,
        %parallel_loop3A_151 = vector.shape_cast %parallel_loop3A_150 : vector<1x16xf32> to vector<16xf32>
        %parallel_loop3A_152 = arith.index_cast %parallel_loop3A_129 : i32 to index
        %parallel_loop3A_153 = arith.constant 32 : index
        %parallel_loop3A_154 = tpu.vector_load %arg9[%parallel_loop3A_152, %parallel_loop3A_153] {strides = array<i32>} : memref<512x128xf32, #tpu.memory_space<vmem>>, vector<1x16xf32>,
        %parallel_loop3A_155 = vector.shape_cast %parallel_loop3A_154 : vector<1x16xf32> to vector<16xf32>
        %parallel_loop3A_156 = vector.shape_cast %parallel_loop3A_151 : vector<16xf32> to vector<1x16xf32>
        tpu.vector_store %arg9[%parallel_loop3A_152, %parallel_loop3A_153], %parallel_loop3A_156 {add = true, strides = array<i32>} : memref<512x128xf32, #tpu.memory_space<vmem>>, vector<1x16xf32>,
        %parallel_loop3A_157 = arith.index_cast %parallel_loop3A_124 : i32 to index
        %parallel_loop3A_158 = arith.constant 48 : index
        %parallel_loop3A_159 = tpu.vector_load %arg6[%parallel_loop3A_157, %parallel_loop3A_158] {strides = array<i32>} : memref<128x128xf32, #tpu.memory_space<vmem>>, vector<1x16xf32>,
        %parallel_loop3A_160 = vector.shape_cast %parallel_loop3A_159 : vector<1x16xf32> to vector<16xf32>
        %parallel_loop3A_161 = arith.index_cast %parallel_loop3A_129 : i32 to index
        %parallel_loop3A_162 = arith.constant 48 : index
        %parallel_loop3A_163 = tpu.vector_load %arg9[%parallel_loop3A_161, %parallel_loop3A_162] {strides = array<i32>} : memref<512x128xf32, #tpu.memory_space<vmem>>, vector<1x16xf32>,
        %parallel_loop3A_164 = vector.shape_cast %parallel_loop3A_163 : vector<1x16xf32> to vector<16xf32>
        %parallel_loop3A_165 = vector.shape_cast %parallel_loop3A_160 : vector<16xf32> to vector<1x16xf32>
        tpu.vector_store %arg9[%parallel_loop3A_161, %parallel_loop3A_162], %parallel_loop3A_165 {add = true, strides = array<i32>} : memref<512x128xf32, #tpu.memory_space<vmem>>, vector<1x16xf32>,
        %parallel_loop3A_166 = arith.index_cast %parallel_loop3A_124 : i32 to index
        %parallel_loop3A_167 = arith.constant 64 : index
        %parallel_loop3A_168 = tpu.vector_load %arg6[%parallel_loop3A_166, %parallel_loop3A_167] {strides = array<i32>} : memref<128x128xf32, #tpu.memory_space<vmem>>, vector<1x16xf32>,
        %parallel_loop3A_169 = vector.shape_cast %parallel_loop3A_168 : vector<1x16xf32> to vector<16xf32>
        %parallel_loop3A_170 = arith.index_cast %parallel_loop3A_129 : i32 to index
        %parallel_loop3A_171 = arith.constant 64 : index
        %parallel_loop3A_172 = tpu.vector_load %arg9[%parallel_loop3A_170, %parallel_loop3A_171] {strides = array<i32>} : memref<512x128xf32, #tpu.memory_space<vmem>>, vector<1x16xf32>,
        %parallel_loop3A_173 = vector.shape_cast %parallel_loop3A_172 : vector<1x16xf32> to vector<16xf32>
        %parallel_loop3A_174 = vector.shape_cast %parallel_loop3A_169 : vector<16xf32> to vector<1x16xf32>
        tpu.vector_store %arg9[%parallel_loop3A_170, %parallel_loop3A_171], %parallel_loop3A_174 {add = true, strides = array<i32>} : memref<512x128xf32, #tpu.memory_space<vmem>>, vector<1x16xf32>,
        %parallel_loop3A_175 = arith.index_cast %parallel_loop3A_124 : i32 to index
        %parallel_loop3A_176 = arith.constant 80 : index
        %parallel_loop3A_177 = tpu.vector_load %arg6[%parallel_loop3A_175, %parallel_loop3A_176] {strides = array<i32>} : memref<128x128xf32, #tpu.memory_space<vmem>>, vector<1x16xf32>,
        %parallel_loop3A_178 = vector.shape_cast %parallel_loop3A_177 : vector<1x16xf32> to vector<16xf32>
        %parallel_loop3A_179 = arith.index_cast %parallel_loop3A_129 : i32 to index
        %parallel_loop3A_180 = arith.constant 80 : index
        %parallel_loop3A_181 = tpu.vector_load %arg9[%parallel_loop3A_179, %parallel_loop3A_180] {strides = array<i32>} : memref<512x128xf32, #tpu.memory_space<vmem>>, vector<1x16xf32>,
        %parallel_loop3A_182 = vector.shape_cast %parallel_loop3A_181 : vector<1x16xf32> to vector<16xf32>
        %parallel_loop3A_183 = vector.shape_cast %parallel_loop3A_178 : vector<16xf32> to vector<1x16xf32>
        tpu.vector_store %arg9[%parallel_loop3A_179, %parallel_loop3A_180], %parallel_loop3A_183 {add = true, strides = array<i32>} : memref<512x128xf32, #tpu.memory_space<vmem>>, vector<1x16xf32>,
        %parallel_loop3A_184 = arith.index_cast %parallel_loop3A_124 : i32 to index
        %parallel_loop3A_185 = arith.constant 96 : index
        %parallel_loop3A_186 = tpu.vector_load %arg6[%parallel_loop3A_184, %parallel_loop3A_185] {strides = array<i32>} : memref<128x128xf32, #tpu.memory_space<vmem>>, vector<1x16xf32>,
        %parallel_loop3A_187 = vector.shape_cast %parallel_loop3A_186 : vector<1x16xf32> to vector<16xf32>
        %parallel_loop3A_188 = arith.index_cast %parallel_loop3A_129 : i32 to index
        %parallel_loop3A_189 = arith.constant 96 : index
        %parallel_loop3A_190 = tpu.vector_load %arg9[%parallel_loop3A_188, %parallel_loop3A_189] {strides = array<i32>} : memref<512x128xf32, #tpu.memory_space<vmem>>, vector<1x16xf32>,
        %parallel_loop3A_191 = vector.shape_cast %parallel_loop3A_190 : vector<1x16xf32> to vector<16xf32>
        %parallel_loop3A_192 = vector.shape_cast %parallel_loop3A_187 : vector<16xf32> to vector<1x16xf32>
        tpu.vector_store %arg9[%parallel_loop3A_188, %parallel_loop3A_189], %parallel_loop3A_192 {add = true, strides = array<i32>} : memref<512x128xf32, #tpu.memory_space<vmem>>, vector<1x16xf32>,
        %parallel_loop3A_193 = arith.index_cast %parallel_loop3A_124 : i32 to index
        %parallel_loop3A_194 = arith.constant 112 : index
        %parallel_loop3A_195 = tpu.vector_load %arg6[%parallel_loop3A_193, %parallel_loop3A_194] {strides = array<i32>} : memref<128x128xf32, #tpu.memory_space<vmem>>, vector<1x16xf32>,
        %parallel_loop3A_196 = vector.shape_cast %parallel_loop3A_195 : vector<1x16xf32> to vector<16xf32>
        %parallel_loop3A_197 = arith.index_cast %parallel_loop3A_129 : i32 to index
        %parallel_loop3A_198 = arith.constant 112 : index
        %parallel_loop3A_199 = tpu.vector_load %arg9[%parallel_loop3A_197, %parallel_loop3A_198] {strides = array<i32>} : memref<512x128xf32, #tpu.memory_space<vmem>>, vector<1x16xf32>,
        %parallel_loop3A_200 = vector.shape_cast %parallel_loop3A_199 : vector<1x16xf32> to vector<16xf32>
        %parallel_loop3A_201 = vector.shape_cast %parallel_loop3A_196 : vector<16xf32> to vector<1x16xf32>
        tpu.vector_store %arg9[%parallel_loop3A_197, %parallel_loop3A_198], %parallel_loop3A_201 {add = true, strides = array<i32>} : memref<512x128xf32, #tpu.memory_space<vmem>>, vector<1x16xf32>,
      } {sc.loop_unroll_factor = 8 : i64, sc.parallel_access}
    }
    %scan3A_31 = arith.constant 9 : i32
    %add3A_32 = arith.constant 2304 : i32
    %add3A_33 = arith.addi %multiple_of3A, %add3A_32 : i32
    %multiple_of3A_34 = tpu.assume_multiple %add3A_33, 8 : i32
    %mul3A_35 = arith.constant 8 : i32
    %mul3A_36 = arith.muli %sub3A_10, %mul3A_35 : i32
    %eq3A = arith.constant 8 : i32
    %eq3A_37 = arith.cmpi eq, %sub3A_10, %eq3A : i32
    %convert_element_type3A_38 = arith.extui %eq3A_37 : i1 to i32
    %cond3A = arith.constant 0 : i32
    %cond3A_39 = arith.cmpi ne, %convert_element_type3A_38, %cond3A : i32
    scf.if %cond3A_39 {
      "tpu.region"() ({
        %run_scoped3A = tpu.sem_alloc : memref<!tpu.dma_semaphore, #tpu.memory_space<semaphore_mem>>
        %dma_start3A_62 = arith.constant 0 : i32
        %dma_start3A_63 = arith.constant 0 : i32
        %dma_start3A_64 = tpu.memref_slice %arg5[%dma_start3A_62, %dma_start3A_63] : memref<128x128xf32, #tpu.memory_space<vmem>> -> memref<64x128xf32, #tpu.memory_space<vmem>>
        %dma_start3A_65 = arith.constant 0 : i32
        %dma_start3A_66 = tpu.memref_slice %arg2[%multiple_of3A_34, %dma_start3A_65] : memref<100000x128xf32, #tpu.memory_space<hbm>> -> memref<64x128xf32, #tpu.memory_space<hbm>>
        %dma_start3A_67 = arith.constant 0 : i32
        %dma_start3A_68 = arith.constant 0 : i32
        %dma_start3A_69 = tpu.memref_slice %arg5[%dma_start3A_67, %dma_start3A_68] : memref<128x128xf32, #tpu.memory_space<vmem>> -> memref<64x128xf32, #tpu.memory_space<vmem>>
        %dma_start3A_70 = arith.constant 0 : i32
        %dma_start3A_71 = tpu.memref_slice %arg2[%multiple_of3A_34, %dma_start3A_70] : memref<100000x128xf32, #tpu.memory_space<hbm>> -> memref<64x128xf32, #tpu.memory_space<hbm>>
        tpu.enqueue_dma source(%dma_start3A_71 : memref<64x128xf32, #tpu.memory_space<hbm>>) target(%dma_start3A_69 : memref<64x128xf32, #tpu.memory_space<vmem>>) target_semaphore(%run_scoped3A : memref<!tpu.dma_semaphore, #tpu.memory_space<semaphore_mem>>)
        %dma_wait3A = arith.constant 0 : i32
        %dma_wait3A_72 = arith.constant 0 : i32
        %dma_wait3A_73 = tpu.memref_slice %arg5[%dma_wait3A, %dma_wait3A_72] : memref<128x128xf32, #tpu.memory_space<vmem>> -> memref<64x128xf32, #tpu.memory_space<vmem>>
        %dma_wait3A_74 = arith.constant 0 : i32
        %dma_wait3A_75 = tpu.memref_slice %arg2[%multiple_of3A_34, %dma_wait3A_74] : memref<100000x128xf32, #tpu.memory_space<hbm>> -> memref<64x128xf32, #tpu.memory_space<hbm>>
        %dma_wait3A_76 = arith.constant 0 : i32
        %dma_wait3A_77 = arith.constant 0 : i32
        %dma_wait3A_78 = tpu.memref_slice %arg5[%dma_wait3A_76, %dma_wait3A_77] : memref<128x128xf32, #tpu.memory_space<vmem>> -> memref<64x128xf32, #tpu.memory_space<vmem>>
        %dma_wait3A_79 = arith.constant 0 : i32
        %dma_wait3A_80 = tpu.memref_slice %arg2[%multiple_of3A_34, %dma_wait3A_79] : memref<100000x128xf32, #tpu.memory_space<hbm>> -> memref<64x128xf32, #tpu.memory_space<hbm>>
        tpu.wait_dma2 semaphore(%run_scoped3A : memref<!tpu.dma_semaphore, #tpu.memory_space<semaphore_mem>>) src(%dma_wait3A_80 : memref<64x128xf32, #tpu.memory_space<hbm>>) dst(%dma_wait3A_78 : memref<64x128xf32, #tpu.memory_space<vmem>>)
        tpu.yield
      }) : () -> ()
      "tpu.region"() ({
        %run_scoped3A = tpu.sem_alloc : memref<!tpu.dma_semaphore, #tpu.memory_space<semaphore_mem>>
        %dma_start3A_62 = arith.constant 0 : i32
        %dma_start3A_63 = tpu.memref_slice %arg7[%dma_start3A_62] : memref<144xi32, #tpu.memory_space<vmem>> -> memref<64xi32, #tpu.memory_space<vmem>>
        %dma_start3A_64 = tpu.memref_slice %arg3[%multiple_of3A_34] : memref<100000xi32, #tpu.memory_space<hbm>> -> memref<64xi32, #tpu.memory_space<hbm>>
        %dma_start3A_65 = arith.constant 0 : i32
        %dma_start3A_66 = tpu.memref_slice %arg7[%dma_start3A_65] : memref<144xi32, #tpu.memory_space<vmem>> -> memref<64xi32, #tpu.memory_space<vmem>>
        %dma_start3A_67 = tpu.memref_slice %arg3[%multiple_of3A_34] : memref<100000xi32, #tpu.memory_space<hbm>> -> memref<64xi32, #tpu.memory_space<hbm>>
        tpu.enqueue_dma source(%dma_start3A_67 : memref<64xi32, #tpu.memory_space<hbm>>) target(%dma_start3A_66 : memref<64xi32, #tpu.memory_space<vmem>>) target_semaphore(%run_scoped3A : memref<!tpu.dma_semaphore, #tpu.memory_space<semaphore_mem>>)
        %dma_wait3A = arith.constant 0 : i32
        %dma_wait3A_68 = tpu.memref_slice %arg7[%dma_wait3A] : memref<144xi32, #tpu.memory_space<vmem>> -> memref<64xi32, #tpu.memory_space<vmem>>
        %dma_wait3A_69 = tpu.memref_slice %arg3[%multiple_of3A_34] : memref<100000xi32, #tpu.memory_space<hbm>> -> memref<64xi32, #tpu.memory_space<hbm>>
        %dma_wait3A_70 = arith.constant 0 : i32
        %dma_wait3A_71 = tpu.memref_slice %arg7[%dma_wait3A_70] : memref<144xi32, #tpu.memory_space<vmem>> -> memref<64xi32, #tpu.memory_space<vmem>>
        %dma_wait3A_72 = tpu.memref_slice %arg3[%multiple_of3A_34] : memref<100000xi32, #tpu.memory_space<hbm>> -> memref<64xi32, #tpu.memory_space<hbm>>
        tpu.wait_dma2 semaphore(%run_scoped3A : memref<!tpu.dma_semaphore, #tpu.memory_space<semaphore_mem>>) src(%dma_wait3A_72 : memref<64xi32, #tpu.memory_space<hbm>>) dst(%dma_wait3A_71 : memref<64xi32, #tpu.memory_space<vmem>>)
        tpu.yield
      }) : () -> ()
    } else {
    }
    %eq3A_40 = arith.constant 9 : i32
    %eq3A_41 = arith.cmpi eq, %sub3A_10, %eq3A_40 : i32
    %convert_element_type3A_42 = arith.extui %eq3A_41 : i1 to i32
    %cond3A_43 = arith.constant 0 : i32
    %cond3A_44 = arith.cmpi ne, %convert_element_type3A_42, %cond3A_43 : i32
    scf.if %cond3A_44 {
      "tpu.region"() ({
        %run_scoped3A = tpu.sem_alloc : memref<!tpu.dma_semaphore, #tpu.memory_space<semaphore_mem>>
        %dma_start3A_62 = arith.constant 0 : i32
        %dma_start3A_63 = arith.constant 0 : i32
        %dma_start3A_64 = tpu.memref_slice %arg5[%dma_start3A_62, %dma_start3A_63] : memref<128x128xf32, #tpu.memory_space<vmem>> -> memref<72x128xf32, #tpu.memory_space<vmem>>
        %dma_start3A_65 = arith.constant 0 : i32
        %dma_start3A_66 = tpu.memref_slice %arg2[%multiple_of3A_34, %dma_start3A_65] : memref<100000x128xf32, #tpu.memory_space<hbm>> -> memref<72x128xf32, #tpu.memory_space<hbm>>
        %dma_start3A_67 = arith.constant 0 : i32
        %dma_start3A_68 = arith.constant 0 : i32
        %dma_start3A_69 = tpu.memref_slice %arg5[%dma_start3A_67, %dma_start3A_68] : memref<128x128xf32, #tpu.memory_space<vmem>> -> memref<72x128xf32, #tpu.memory_space<vmem>>
        %dma_start3A_70 = arith.constant 0 : i32
        %dma_start3A_71 = tpu.memref_slice %arg2[%multiple_of3A_34, %dma_start3A_70] : memref<100000x128xf32, #tpu.memory_space<hbm>> -> memref<72x128xf32, #tpu.memory_space<hbm>>
        tpu.enqueue_dma source(%dma_start3A_71 : memref<72x128xf32, #tpu.memory_space<hbm>>) target(%dma_start3A_69 : memref<72x128xf32, #tpu.memory_space<vmem>>) target_semaphore(%run_scoped3A : memref<!tpu.dma_semaphore, #tpu.memory_space<semaphore_mem>>)
        %dma_wait3A = arith.constant 0 : i32
        %dma_wait3A_72 = arith.constant 0 : i32
        %dma_wait3A_73 = tpu.memref_slice %arg5[%dma_wait3A, %dma_wait3A_72] : memref<128x128xf32, #tpu.memory_space<vmem>> -> memref<72x128xf32, #tpu.memory_space<vmem>>
        %dma_wait3A_74 = arith.constant 0 : i32
        %dma_wait3A_75 = tpu.memref_slice %arg2[%multiple_of3A_34, %dma_wait3A_74] : memref<100000x128xf32, #tpu.memory_space<hbm>> -> memref<72x128xf32, #tpu.memory_space<hbm>>
        %dma_wait3A_76 = arith.constant 0 : i32
        %dma_wait3A_77 = arith.constant 0 : i32
        %dma_wait3A_78 = tpu.memref_slice %arg5[%dma_wait3A_76, %dma_wait3A_77] : memref<128x128xf32, #tpu.memory_space<vmem>> -> memref<72x128xf32, #tpu.memory_space<vmem>>
        %dma_wait3A_79 = arith.constant 0 : i32
        %dma_wait3A_80 = tpu.memref_slice %arg2[%multiple_of3A_34, %dma_wait3A_79] : memref<100000x128xf32, #tpu.memory_space<hbm>> -> memref<72x128xf32, #tpu.memory_space<hbm>>
        tpu.wait_dma2 semaphore(%run_scoped3A : memref<!tpu.dma_semaphore, #tpu.memory_space<semaphore_mem>>) src(%dma_wait3A_80 : memref<72x128xf32, #tpu.memory_space<hbm>>) dst(%dma_wait3A_78 : memref<72x128xf32, #tpu.memory_space<vmem>>)
        tpu.yield
      }) : () -> ()
      "tpu.region"() ({
        %run_scoped3A = tpu.sem_alloc : memref<!tpu.dma_semaphore, #tpu.memory_space<semaphore_mem>>
        %dma_start3A_62 = arith.constant 0 : i32
        %dma_start3A_63 = tpu.memref_slice %arg7[%dma_start3A_62] : memref<144xi32, #tpu.memory_space<vmem>> -> memref<72xi32, #tpu.memory_space<vmem>>
        %dma_start3A_64 = tpu.memref_slice %arg3[%multiple_of3A_34] : memref<100000xi32, #tpu.memory_space<hbm>> -> memref<72xi32, #tpu.memory_space<hbm>>
        %dma_start3A_65 = arith.constant 0 : i32
        %dma_start3A_66 = tpu.memref_slice %arg7[%dma_start3A_65] : memref<144xi32, #tpu.memory_space<vmem>> -> memref<72xi32, #tpu.memory_space<vmem>>
        %dma_start3A_67 = tpu.memref_slice %arg3[%multiple_of3A_34] : memref<100000xi32, #tpu.memory_space<hbm>> -> memref<72xi32, #tpu.memory_space<hbm>>
        tpu.enqueue_dma source(%dma_start3A_67 : memref<72xi32, #tpu.memory_space<hbm>>) target(%dma_start3A_66 : memref<72xi32, #tpu.memory_space<vmem>>) target_semaphore(%run_scoped3A : memref<!tpu.dma_semaphore, #tpu.memory_space<semaphore_mem>>)
        %dma_wait3A = arith.constant 0 : i32
        %dma_wait3A_68 = tpu.memref_slice %arg7[%dma_wait3A] : memref<144xi32, #tpu.memory_space<vmem>> -> memref<72xi32, #tpu.memory_space<vmem>>
        %dma_wait3A_69 = tpu.memref_slice %arg3[%multiple_of3A_34] : memref<100000xi32, #tpu.memory_space<hbm>> -> memref<72xi32, #tpu.memory_space<hbm>>
        %dma_wait3A_70 = arith.constant 0 : i32
        %dma_wait3A_71 = tpu.memref_slice %arg7[%dma_wait3A_70] : memref<144xi32, #tpu.memory_space<vmem>> -> memref<72xi32, #tpu.memory_space<vmem>>
        %dma_wait3A_72 = tpu.memref_slice %arg3[%multiple_of3A_34] : memref<100000xi32, #tpu.memory_space<hbm>> -> memref<72xi32, #tpu.memory_space<hbm>>
        tpu.wait_dma2 semaphore(%run_scoped3A : memref<!tpu.dma_semaphore, #tpu.memory_space<semaphore_mem>>) src(%dma_wait3A_72 : memref<72xi32, #tpu.memory_space<hbm>>) dst(%dma_wait3A_71 : memref<72xi32, #tpu.memory_space<vmem>>)
        tpu.yield
      }) : () -> ()
    } else {
    }
    %sub3A_45 = arith.constant 0 : i32
    %sub3A_46 = arith.subi %mul3A_36, %sub3A_45 : i32
    %sub3A_47 = arith.constant 1 : i32
    %sub3A_48 = arith.constant 1 : i32
    %sub3A_49 = arith.subi %sub3A_47, %sub3A_48 : i32
    %add3A_50 = arith.addi %sub3A_46, %sub3A_49 : i32
    %div3A = arith.constant 1 : i32
    %div3A_51 = arith.divsi %add3A_50, %div3A : i32
    %while3A = arith.constant 1 : i32
    %while3A_52 = arith.constant 0 : i32
    %while3A_53 = arith.constant 0 : i32
    %while3A_54 = arith.subi %div3A_51, %while3A_53 : i32
    %while3A_55 = arith.addi %while3A_53, %while3A_54 : i32
    %while3A_56 = arith.constant 1 : i32
    %while3A_57 = arith.divsi %while3A_54, %while3A_56 : i32
    %while3A_58 = arith.muli %while3A_57, %while3A_56 : i32
    %while3A_59 = arith.addi %while3A_53, %while3A_58 : i32
    %while3A_60 = arith.constant 1 : i32
    scf.for %while3A_62 = %while3A_53 to %while3A_59 step %while3A_60  : i32 {
      %mul3A_63 = arith.muli %while3A_62, %while3A : i32
      %add3A_64 = arith.addi %while3A_52, %mul3A_63 : i32
      %get3A = arith.index_cast %add3A_64 : i32 to index
      %get3A_65 = tpu.vector_load %arg7[%get3A] {strides = array<i32>} : memref<144xi32, #tpu.memory_space<vmem>>, vector<16xi32>,
      %get3A_66 = vector.shape_cast %get3A_65 : vector<16xi32> to vector<16xi32>
      %slice3A = vector.extract_strided_slice %get3A_66 {offsets = [0], sizes = [1], strides = [1]} : vector<16xi32> to vector<1xi32>
      %squeeze3A = vector.extract %slice3A[0] : i32 from vector<1xi32>
      %get3A_67 = arith.index_cast %add3A_64 : i32 to index
      %get3A_68 = arith.constant 0 : index
      %get3A_69 = tpu.vector_load %arg5[%get3A_67, %get3A_68] {strides = array<i32>} : memref<128x128xf32, #tpu.memory_space<vmem>>, vector<1x16xf32>,
      %get3A_70 = vector.shape_cast %get3A_69 : vector<1x16xf32> to vector<16xf32>
      %swap3A = arith.index_cast %squeeze3A : i32 to index
      %swap3A_71 = arith.constant 0 : index
      %swap3A_72 = tpu.vector_load %arg9[%swap3A, %swap3A_71] {strides = array<i32>} : memref<512x128xf32, #tpu.memory_space<vmem>>, vector<1x16xf32>,
      %swap3A_73 = vector.shape_cast %swap3A_72 : vector<1x16xf32> to vector<16xf32>
      %swap3A_74 = vector.shape_cast %get3A_70 : vector<16xf32> to vector<1x16xf32>
      tpu.vector_store %arg9[%swap3A, %swap3A_71], %swap3A_74 {add = true, strides = array<i32>} : memref<512x128xf32, #tpu.memory_space<vmem>>, vector<1x16xf32>,
      %get3A_75 = arith.index_cast %add3A_64 : i32 to index
      %get3A_76 = arith.constant 16 : index
      %get3A_77 = tpu.vector_load %arg5[%get3A_75, %get3A_76] {strides = array<i32>} : memref<128x128xf32, #tpu.memory_space<vmem>>, vector<1x16xf32>,
      %get3A_78 = vector.shape_cast %get3A_77 : vector<1x16xf32> to vector<16xf32>
      %swap3A_79 = arith.index_cast %squeeze3A : i32 to index
      %swap3A_80 = arith.constant 16 : index
      %swap3A_81 = tpu.vector_load %arg9[%swap3A_79, %swap3A_80] {strides = array<i32>} : memref<512x128xf32, #tpu.memory_space<vmem>>, vector<1x16xf32>,
      %swap3A_82 = vector.shape_cast %swap3A_81 : vector<1x16xf32> to vector<16xf32>
      %swap3A_83 = vector.shape_cast %get3A_78 : vector<16xf32> to vector<1x16xf32>
      tpu.vector_store %arg9[%swap3A_79, %swap3A_80], %swap3A_83 {add = true, strides = array<i32>} : memref<512x128xf32, #tpu.memory_space<vmem>>, vector<1x16xf32>,
      %get3A_84 = arith.index_cast %add3A_64 : i32 to index
      %get3A_85 = arith.constant 32 : index
      %get3A_86 = tpu.vector_load %arg5[%get3A_84, %get3A_85] {strides = array<i32>} : memref<128x128xf32, #tpu.memory_space<vmem>>, vector<1x16xf32>,
      %get3A_87 = vector.shape_cast %get3A_86 : vector<1x16xf32> to vector<16xf32>
      %swap3A_88 = arith.index_cast %squeeze3A : i32 to index
      %swap3A_89 = arith.constant 32 : index
      %swap3A_90 = tpu.vector_load %arg9[%swap3A_88, %swap3A_89] {strides = array<i32>} : memref<512x128xf32, #tpu.memory_space<vmem>>, vector<1x16xf32>,
      %swap3A_91 = vector.shape_cast %swap3A_90 : vector<1x16xf32> to vector<16xf32>
      %swap3A_92 = vector.shape_cast %get3A_87 : vector<16xf32> to vector<1x16xf32>
      tpu.vector_store %arg9[%swap3A_88, %swap3A_89], %swap3A_92 {add = true, strides = array<i32>} : memref<512x128xf32, #tpu.memory_space<vmem>>, vector<1x16xf32>,
      %get3A_93 = arith.index_cast %add3A_64 : i32 to index
      %get3A_94 = arith.constant 48 : index
      %get3A_95 = tpu.vector_load %arg5[%get3A_93, %get3A_94] {strides = array<i32>} : memref<128x128xf32, #tpu.memory_space<vmem>>, vector<1x16xf32>,
      %get3A_96 = vector.shape_cast %get3A_95 : vector<1x16xf32> to vector<16xf32>
      %swap3A_97 = arith.index_cast %squeeze3A : i32 to index
      %swap3A_98 = arith.constant 48 : index
      %swap3A_99 = tpu.vector_load %arg9[%swap3A_97, %swap3A_98] {strides = array<i32>} : memref<512x128xf32, #tpu.memory_space<vmem>>, vector<1x16xf32>,
      %swap3A_100 = vector.shape_cast %swap3A_99 : vector<1x16xf32> to vector<16xf32>
      %swap3A_101 = vector.shape_cast %get3A_96 : vector<16xf32> to vector<1x16xf32>
      tpu.vector_store %arg9[%swap3A_97, %swap3A_98], %swap3A_101 {add = true, strides = array<i32>} : memref<512x128xf32, #tpu.memory_space<vmem>>, vector<1x16xf32>,
      %get3A_102 = arith.index_cast %add3A_64 : i32 to index
      %get3A_103 = arith.constant 64 : index
      %get3A_104 = tpu.vector_load %arg5[%get3A_102, %get3A_103] {strides = array<i32>} : memref<128x128xf32, #tpu.memory_space<vmem>>, vector<1x16xf32>,
      %get3A_105 = vector.shape_cast %get3A_104 : vector<1x16xf32> to vector<16xf32>
      %swap3A_106 = arith.index_cast %squeeze3A : i32 to index
      %swap3A_107 = arith.constant 64 : index
      %swap3A_108 = tpu.vector_load %arg9[%swap3A_106, %swap3A_107] {strides = array<i32>} : memref<512x128xf32, #tpu.memory_space<vmem>>, vector<1x16xf32>,
      %swap3A_109 = vector.shape_cast %swap3A_108 : vector<1x16xf32> to vector<16xf32>
      %swap3A_110 = vector.shape_cast %get3A_105 : vector<16xf32> to vector<1x16xf32>
      tpu.vector_store %arg9[%swap3A_106, %swap3A_107], %swap3A_110 {add = true, strides = array<i32>} : memref<512x128xf32, #tpu.memory_space<vmem>>, vector<1x16xf32>,
      %get3A_111 = arith.index_cast %add3A_64 : i32 to index
      %get3A_112 = arith.constant 80 : index
      %get3A_113 = tpu.vector_load %arg5[%get3A_111, %get3A_112] {strides = array<i32>} : memref<128x128xf32, #tpu.memory_space<vmem>>, vector<1x16xf32>,
      %get3A_114 = vector.shape_cast %get3A_113 : vector<1x16xf32> to vector<16xf32>
      %swap3A_115 = arith.index_cast %squeeze3A : i32 to index
      %swap3A_116 = arith.constant 80 : index
      %swap3A_117 = tpu.vector_load %arg9[%swap3A_115, %swap3A_116] {strides = array<i32>} : memref<512x128xf32, #tpu.memory_space<vmem>>, vector<1x16xf32>,
      %swap3A_118 = vector.shape_cast %swap3A_117 : vector<1x16xf32> to vector<16xf32>
      %swap3A_119 = vector.shape_cast %get3A_114 : vector<16xf32> to vector<1x16xf32>
      tpu.vector_store %arg9[%swap3A_115, %swap3A_116], %swap3A_119 {add = true, strides = array<i32>} : memref<512x128xf32, #tpu.memory_space<vmem>>, vector<1x16xf32>,
      %get3A_120 = arith.index_cast %add3A_64 : i32 to index
      %get3A_121 = arith.constant 96 : index
      %get3A_122 = tpu.vector_load %arg5[%get3A_120, %get3A_121] {strides = array<i32>} : memref<128x128xf32, #tpu.memory_space<vmem>>, vector<1x16xf32>,
      %get3A_123 = vector.shape_cast %get3A_122 : vector<1x16xf32> to vector<16xf32>
      %swap3A_124 = arith.index_cast %squeeze3A : i32 to index
      %swap3A_125 = arith.constant 96 : index
      %swap3A_126 = tpu.vector_load %arg9[%swap3A_124, %swap3A_125] {strides = array<i32>} : memref<512x128xf32, #tpu.memory_space<vmem>>, vector<1x16xf32>,
      %swap3A_127 = vector.shape_cast %swap3A_126 : vector<1x16xf32> to vector<16xf32>
      %swap3A_128 = vector.shape_cast %get3A_123 : vector<16xf32> to vector<1x16xf32>
      tpu.vector_store %arg9[%swap3A_124, %swap3A_125], %swap3A_128 {add = true, strides = array<i32>} : memref<512x128xf32, #tpu.memory_space<vmem>>, vector<1x16xf32>,
      %get3A_129 = arith.index_cast %add3A_64 : i32 to index
      %get3A_130 = arith.constant 112 : index
      %get3A_131 = tpu.vector_load %arg5[%get3A_129, %get3A_130] {strides = array<i32>} : memref<128x128xf32, #tpu.memory_space<vmem>>, vector<1x16xf32>,
      %get3A_132 = vector.shape_cast %get3A_131 : vector<1x16xf32> to vector<16xf32>
      %swap3A_133 = arith.index_cast %squeeze3A : i32 to index
      %swap3A_134 = arith.constant 112 : index
      %swap3A_135 = tpu.vector_load %arg9[%swap3A_133, %swap3A_134] {strides = array<i32>} : memref<512x128xf32, #tpu.memory_space<vmem>>, vector<1x16xf32>,
      %swap3A_136 = vector.shape_cast %swap3A_135 : vector<1x16xf32> to vector<16xf32>
      %swap3A_137 = vector.shape_cast %get3A_132 : vector<16xf32> to vector<1x16xf32>
      tpu.vector_store %arg9[%swap3A_133, %swap3A_134], %swap3A_137 {add = true, strides = array<i32>} : memref<512x128xf32, #tpu.memory_space<vmem>>, vector<1x16xf32>,
    }
    %while3A_61 = arith.constant 1 : i32
    scf.for %while3A_62 = %while3A_59 to %while3A_55 step %while3A_61  : i32 {
      %mul3A_63 = arith.muli %while3A_62, %while3A : i32
      %add3A_64 = arith.addi %while3A_52, %mul3A_63 : i32
      %get3A = arith.index_cast %add3A_64 : i32 to index
      %get3A_65 = tpu.vector_load %arg7[%get3A] {strides = array<i32>} : memref<144xi32, #tpu.memory_space<vmem>>, vector<16xi32>,
      %get3A_66 = vector.shape_cast %get3A_65 : vector<16xi32> to vector<16xi32>
      %slice3A = vector.extract_strided_slice %get3A_66 {offsets = [0], sizes = [1], strides = [1]} : vector<16xi32> to vector<1xi32>
      %squeeze3A = vector.extract %slice3A[0] : i32 from vector<1xi32>
      %get3A_67 = arith.index_cast %add3A_64 : i32 to index
      %get3A_68 = arith.constant 0 : index
      %get3A_69 = tpu.vector_load %arg5[%get3A_67, %get3A_68] {strides = array<i32>} : memref<128x128xf32, #tpu.memory_space<vmem>>, vector<1x16xf32>,
      %get3A_70 = vector.shape_cast %get3A_69 : vector<1x16xf32> to vector<16xf32>
      %swap3A = arith.index_cast %squeeze3A : i32 to index
      %swap3A_71 = arith.constant 0 : index
      %swap3A_72 = tpu.vector_load %arg9[%swap3A, %swap3A_71] {strides = array<i32>} : memref<512x128xf32, #tpu.memory_space<vmem>>, vector<1x16xf32>,
      %swap3A_73 = vector.shape_cast %swap3A_72 : vector<1x16xf32> to vector<16xf32>
      %swap3A_74 = vector.shape_cast %get3A_70 : vector<16xf32> to vector<1x16xf32>
      tpu.vector_store %arg9[%swap3A, %swap3A_71], %swap3A_74 {add = true, strides = array<i32>} : memref<512x128xf32, #tpu.memory_space<vmem>>, vector<1x16xf32>,
      %get3A_75 = arith.index_cast %add3A_64 : i32 to index
      %get3A_76 = arith.constant 16 : index
      %get3A_77 = tpu.vector_load %arg5[%get3A_75, %get3A_76] {strides = array<i32>} : memref<128x128xf32, #tpu.memory_space<vmem>>, vector<1x16xf32>,
      %get3A_78 = vector.shape_cast %get3A_77 : vector<1x16xf32> to vector<16xf32>
      %swap3A_79 = arith.index_cast %squeeze3A : i32 to index
      %swap3A_80 = arith.constant 16 : index
      %swap3A_81 = tpu.vector_load %arg9[%swap3A_79, %swap3A_80] {strides = array<i32>} : memref<512x128xf32, #tpu.memory_space<vmem>>, vector<1x16xf32>,
      %swap3A_82 = vector.shape_cast %swap3A_81 : vector<1x16xf32> to vector<16xf32>
      %swap3A_83 = vector.shape_cast %get3A_78 : vector<16xf32> to vector<1x16xf32>
      tpu.vector_store %arg9[%swap3A_79, %swap3A_80], %swap3A_83 {add = true, strides = array<i32>} : memref<512x128xf32, #tpu.memory_space<vmem>>, vector<1x16xf32>,
      %get3A_84 = arith.index_cast %add3A_64 : i32 to index
      %get3A_85 = arith.constant 32 : index
      %get3A_86 = tpu.vector_load %arg5[%get3A_84, %get3A_85] {strides = array<i32>} : memref<128x128xf32, #tpu.memory_space<vmem>>, vector<1x16xf32>,
      %get3A_87 = vector.shape_cast %get3A_86 : vector<1x16xf32> to vector<16xf32>
      %swap3A_88 = arith.index_cast %squeeze3A : i32 to index
      %swap3A_89 = arith.constant 32 : index
      %swap3A_90 = tpu.vector_load %arg9[%swap3A_88, %swap3A_89] {strides = array<i32>} : memref<512x128xf32, #tpu.memory_space<vmem>>, vector<1x16xf32>,
      %swap3A_91 = vector.shape_cast %swap3A_90 : vector<1x16xf32> to vector<16xf32>
      %swap3A_92 = vector.shape_cast %get3A_87 : vector<16xf32> to vector<1x16xf32>
      tpu.vector_store %arg9[%swap3A_88, %swap3A_89], %swap3A_92 {add = true, strides = array<i32>} : memref<512x128xf32, #tpu.memory_space<vmem>>, vector<1x16xf32>,
      %get3A_93 = arith.index_cast %add3A_64 : i32 to index
      %get3A_94 = arith.constant 48 : index
      %get3A_95 = tpu.vector_load %arg5[%get3A_93, %get3A_94] {strides = array<i32>} : memref<128x128xf32, #tpu.memory_space<vmem>>, vector<1x16xf32>,
      %get3A_96 = vector.shape_cast %get3A_95 : vector<1x16xf32> to vector<16xf32>
      %swap3A_97 = arith.index_cast %squeeze3A : i32 to index
      %swap3A_98 = arith.constant 48 : index
      %swap3A_99 = tpu.vector_load %arg9[%swap3A_97, %swap3A_98] {strides = array<i32>} : memref<512x128xf32, #tpu.memory_space<vmem>>, vector<1x16xf32>,
      %swap3A_100 = vector.shape_cast %swap3A_99 : vector<1x16xf32> to vector<16xf32>
      %swap3A_101 = vector.shape_cast %get3A_96 : vector<16xf32> to vector<1x16xf32>
      tpu.vector_store %arg9[%swap3A_97, %swap3A_98], %swap3A_101 {add = true, strides = array<i32>} : memref<512x128xf32, #tpu.memory_space<vmem>>, vector<1x16xf32>,
      %get3A_102 = arith.index_cast %add3A_64 : i32 to index
      %get3A_103 = arith.constant 64 : index
      %get3A_104 = tpu.vector_load %arg5[%get3A_102, %get3A_103] {strides = array<i32>} : memref<128x128xf32, #tpu.memory_space<vmem>>, vector<1x16xf32>,
      %get3A_105 = vector.shape_cast %get3A_104 : vector<1x16xf32> to vector<16xf32>
      %swap3A_106 = arith.index_cast %squeeze3A : i32 to index
      %swap3A_107 = arith.constant 64 : index
      %swap3A_108 = tpu.vector_load %arg9[%swap3A_106, %swap3A_107] {strides = array<i32>} : memref<512x128xf32, #tpu.memory_space<vmem>>, vector<1x16xf32>,
      %swap3A_109 = vector.shape_cast %swap3A_108 : vector<1x16xf32> to vector<16xf32>
      %swap3A_110 = vector.shape_cast %get3A_105 : vector<16xf32> to vector<1x16xf32>
      tpu.vector_store %arg9[%swap3A_106, %swap3A_107], %swap3A_110 {add = true, strides = array<i32>} : memref<512x128xf32, #tpu.memory_space<vmem>>, vector<1x16xf32>,
      %get3A_111 = arith.index_cast %add3A_64 : i32 to index
      %get3A_112 = arith.constant 80 : index
      %get3A_113 = tpu.vector_load %arg5[%get3A_111, %get3A_112] {strides = array<i32>} : memref<128x128xf32, #tpu.memory_space<vmem>>, vector<1x16xf32>,
      %get3A_114 = vector.shape_cast %get3A_113 : vector<1x16xf32> to vector<16xf32>
      %swap3A_115 = arith.index_cast %squeeze3A : i32 to index
      %swap3A_116 = arith.constant 80 : index
      %swap3A_117 = tpu.vector_load %arg9[%swap3A_115, %swap3A_116] {strides = array<i32>} : memref<512x128xf32, #tpu.memory_space<vmem>>, vector<1x16xf32>,
      %swap3A_118 = vector.shape_cast %swap3A_117 : vector<1x16xf32> to vector<16xf32>
      %swap3A_119 = vector.shape_cast %get3A_114 : vector<16xf32> to vector<1x16xf32>
      tpu.vector_store %arg9[%swap3A_115, %swap3A_116], %swap3A_119 {add = true, strides = array<i32>} : memref<512x128xf32, #tpu.memory_space<vmem>>, vector<1x16xf32>,
      %get3A_120 = arith.index_cast %add3A_64 : i32 to index
      %get3A_121 = arith.constant 96 : index
      %get3A_122 = tpu.vector_load %arg5[%get3A_120, %get3A_121] {strides = array<i32>} : memref<128x128xf32, #tpu.memory_space<vmem>>, vector<1x16xf32>,
      %get3A_123 = vector.shape_cast %get3A_122 : vector<1x16xf32> to vector<16xf32>
      %swap3A_124 = arith.index_cast %squeeze3A : i32 to index
      %swap3A_125 = arith.constant 96 : index
      %swap3A_126 = tpu.vector_load %arg9[%swap3A_124, %swap3A_125] {strides = array<i32>} : memref<512x128xf32, #tpu.memory_space<vmem>>, vector<1x16xf32>,
      %swap3A_127 = vector.shape_cast %swap3A_126 : vector<1x16xf32> to vector<16xf32>
      %swap3A_128 = vector.shape_cast %get3A_123 : vector<16xf32> to vector<1x16xf32>
      tpu.vector_store %arg9[%swap3A_124, %swap3A_125], %swap3A_128 {add = true, strides = array<i32>} : memref<512x128xf32, #tpu.memory_space<vmem>>, vector<1x16xf32>,
      %get3A_129 = arith.index_cast %add3A_64 : i32 to index
      %get3A_130 = arith.constant 112 : index
      %get3A_131 = tpu.vector_load %arg5[%get3A_129, %get3A_130] {strides = array<i32>} : memref<128x128xf32, #tpu.memory_space<vmem>>, vector<1x16xf32>,
      %get3A_132 = vector.shape_cast %get3A_131 : vector<1x16xf32> to vector<16xf32>
      %swap3A_133 = arith.index_cast %squeeze3A : i32 to index
      %swap3A_134 = arith.constant 112 : index
      %swap3A_135 = tpu.vector_load %arg9[%swap3A_133, %swap3A_134] {strides = array<i32>} : memref<512x128xf32, #tpu.memory_space<vmem>>, vector<1x16xf32>,
      %swap3A_136 = vector.shape_cast %swap3A_135 : vector<1x16xf32> to vector<16xf32>
      %swap3A_137 = vector.shape_cast %get3A_132 : vector<16xf32> to vector<1x16xf32>
      tpu.vector_store %arg9[%swap3A_133, %swap3A_134], %swap3A_137 {add = true, strides = array<i32>} : memref<512x128xf32, #tpu.memory_space<vmem>>, vector<1x16xf32>,
    }
    "tpu.region"() ({
      %run_scoped3A = tpu.sem_alloc : memref<!tpu.dma_semaphore, #tpu.memory_space<semaphore_mem>>
      %dma_start3A_62 = arith.constant 0 : i32
      %dma_start3A_63 = arith.constant 0 : i32
      %dma_start3A_64 = tpu.memref_slice %arg4[%add3A, %dma_start3A_62, %dma_start3A_63] : memref<32x512x128xf32, #tpu.memory_space<hbm>> -> memref<1x512x128xf32, #tpu.memory_space<hbm>>
      %dma_start3A_65 = tpu.memref_squeeze %dma_start3A_64 : memref<1x512x128xf32, #tpu.memory_space<hbm>> -> memref<512x128xf32, #tpu.memory_space<hbm>>
      %dma_start3A_66 = arith.constant 0 : i32
      %dma_start3A_67 = arith.constant 0 : i32
      %dma_start3A_68 = tpu.memref_slice %arg4[%add3A, %dma_start3A_66, %dma_start3A_67] : memref<32x512x128xf32, #tpu.memory_space<hbm>> -> memref<1x512x128xf32, #tpu.memory_space<hbm>>
      %dma_start3A_69 = tpu.memref_squeeze %dma_start3A_68 : memref<1x512x128xf32, #tpu.memory_space<hbm>> -> memref<512x128xf32, #tpu.memory_space<hbm>>
      tpu.enqueue_dma source(%arg9 : memref<512x128xf32, #tpu.memory_space<vmem>>) target(%dma_start3A_69 : memref<512x128xf32, #tpu.memory_space<hbm>>) target_semaphore(%run_scoped3A : memref<!tpu.dma_semaphore, #tpu.memory_space<semaphore_mem>>)
      %dma_wait3A = arith.constant 0 : i32
      %dma_wait3A_70 = arith.constant 0 : i32
      %dma_wait3A_71 = tpu.memref_slice %arg4[%add3A, %dma_wait3A, %dma_wait3A_70] : memref<32x512x128xf32, #tpu.memory_space<hbm>> -> memref<1x512x128xf32, #tpu.memory_space<hbm>>
      %dma_wait3A_72 = tpu.memref_squeeze %dma_wait3A_71 : memref<1x512x128xf32, #tpu.memory_space<hbm>> -> memref<512x128xf32, #tpu.memory_space<hbm>>
      %dma_wait3A_73 = arith.constant 0 : i32
      %dma_wait3A_74 = arith.constant 0 : i32
      %dma_wait3A_75 = tpu.memref_slice %arg4[%add3A, %dma_wait3A_73, %dma_wait3A_74] : memref<32x512x128xf32, #tpu.memory_space<hbm>> -> memref<1x512x128xf32, #tpu.memory_space<hbm>>
      %dma_wait3A_76 = tpu.memref_squeeze %dma_wait3A_75 : memref<1x512x128xf32, #tpu.memory_space<hbm>> -> memref<512x128xf32, #tpu.memory_space<hbm>>
      tpu.wait_dma2 semaphore(%run_scoped3A : memref<!tpu.dma_semaphore, #tpu.memory_space<semaphore_mem>>) src(%arg9 : memref<512x128xf32, #tpu.memory_space<vmem>>) dst(%dma_wait3A_76 : memref<512x128xf32, #tpu.memory_space<hbm>>)
      tpu.yield
    }) : () -> ()
    return
  }
}

module attributes {stable_mosaic.version = 14 : i64} {
  func.func @_tc_x_body(%arg0: i32, %arg1: memref<2000x128xf32, #tpu.memory_space<vmem>>, %arg2: memref<1x1x2000xi32, #tpu.memory_space<vmem>>, %arg3: memref<512x128xf32, #tpu.memory_space<vmem>>) attributes {dimension_semantics = [#tpu.dimension_semantics<arbitrary>], iteration_bounds = array<i64: 12>, scalar_prefetch = 0 : i64, scratch_operands = 0 : i64, tpu.core_type = #tpu.core_type<tc>, window_params = [{transform_indices = @transform_0, window_bounds = array<i64: 2000, 128>}, {transform_indices = @transform_1, window_bounds = array<i64: 1, 1, 2000>}, {pipeline_mode = #tpu.pipeline_mode<synchronous>, transform_indices = @transform_2, window_bounds = array<i64: 512, 128>}]} {
    %eq3A = arith.constant 0 : i32
    %eq3A_0 = arith.cmpi eq, %arg0, %eq3A : i32
    %convert_element_type3A = arith.extui %eq3A_0 : i1 to i32
    %cond3A = arith.constant 0 : i32
    %cond3A_1 = arith.cmpi ne, %convert_element_type3A, %cond3A : i32
    scf.if %cond3A_1 {
      %broadcast_in_dim3A_20 = arith.constant 0.000000e+00 : f32
      %broadcast_in_dim3A_21 = vector.broadcast %broadcast_in_dim3A_20 : f32 to vector<512x128xf32>
      %swap3A_22 = arith.constant 0 : index
      %swap3A_23 = arith.constant 0 : index
      %swap3A_24 = vector.load %arg3[%swap3A_22, %swap3A_23] : memref<512x128xf32, #tpu.memory_space<vmem>>, vector<512x128xf32>
      tpu.vector_store %arg3[%swap3A_22, %swap3A_23], %broadcast_in_dim3A_21 {strides = array<i32>} : memref<512x128xf32, #tpu.memory_space<vmem>>, vector<512x128xf32>,
    } else {
    }
    %get3A = arith.constant 0 : index
    %get3A_2 = arith.constant 0 : index
    %get3A_3 = arith.constant 0 : index
    %get3A_4 = vector.load %arg2[%get3A, %get3A_2, %get3A_3] : memref<1x1x2000xi32, #tpu.memory_space<vmem>>, vector<1x1x2000xi32>
    %get3A_5 = vector.shape_cast %get3A_4 : vector<1x1x2000xi32> to vector<2000xi32>
    %iota3A = tpu.iota {dimensions = array<i32: 1>} : vector<1x512xi32>
    %broadcast_in_dim3A = vector.shape_cast %get3A_5 : vector<2000xi32> to vector<2000x1xi32>
    %eq3A_6 = vector.broadcast %broadcast_in_dim3A : vector<2000x1xi32> to vector<2000x512xi32>
    %eq3A_7 = vector.broadcast %iota3A : vector<1x512xi32> to vector<2000x512xi32>
    %eq3A_8 = arith.cmpi eq, %eq3A_6, %eq3A_7 : vector<2000x512xi32>
    %convert_element_type3A_9 = arith.extui %eq3A_8 : vector<2000x512xi1> to vector<2000x512xi32>
    %convert_element_type3A_10 = arith.sitofp %convert_element_type3A_9 : vector<2000x512xi32> to vector<2000x512xf32>
    %get3A_11 = arith.constant 0 : index
    %get3A_12 = arith.constant 0 : index
    %get3A_13 = vector.load %arg3[%get3A_11, %get3A_12] : memref<512x128xf32, #tpu.memory_space<vmem>>, vector<512x128xf32>
    %get3A_14 = arith.constant 0 : index
    %get3A_15 = arith.constant 0 : index
    %get3A_16 = vector.load %arg1[%get3A_14, %get3A_15] : memref<2000x128xf32, #tpu.memory_space<vmem>>, vector<2000x128xf32>
    %dot_general3A = arith.constant dense<0.000000e+00> : vector<512x128xf32>
    %dot_general3A_17 = tpu.matmul %convert_element_type3A_10, %get3A_16, %dot_general3A {dimension_numbers = #tpu.dot_dimension_numbers<[0], [0], [1], [1], [0, 1, 1, 1], [], []>, transpose_lhs_hint = false} : vector<2000x512xf32>, vector<2000x128xf32>, vector<512x128xf32> -> vector<512x128xf32>
    %add3A = arith.addf %get3A_13, %dot_general3A_17 : vector<512x128xf32>
    %swap3A = arith.constant 0 : index
    %swap3A_18 = arith.constant 0 : index
    %swap3A_19 = vector.load %arg3[%swap3A, %swap3A_18] : memref<512x128xf32, #tpu.memory_space<vmem>>, vector<512x128xf32>
    tpu.vector_store %arg3[%swap3A, %swap3A_18], %add3A {strides = array<i32>} : memref<512x128xf32, #tpu.memory_space<vmem>>, vector<512x128xf32>,
    return
  }
  func.func @transform_0(%arg0: i32) -> (i32, i32) {
    %add3A = arith.constant 38 : i32
    %add3A_0 = arith.addi %arg0, %add3A : i32
    %c0_i32 = arith.constant 0 : i32
    %c0_i32_1 = arith.constant 0 : i32
    return %add3A_0, %c0_i32 : i32, i32
  }
  func.func @transform_1(%arg0: i32) -> (i32, i32, i32) {
    %add3A = arith.constant 38 : i32
    %add3A_0 = arith.addi %arg0, %add3A : i32
    %c0_i32 = arith.constant 0 : i32
    %c0_i32_1 = arith.constant 0 : i32
    %c0_i32_2 = arith.constant 0 : i32
    return %add3A_0, %c0_i32, %c0_i32_1 : i32, i32, i32
  }
  func.func @transform_2(%arg0: i32) -> (i32, i32) {
    %c0_i32 = arith.constant 0 : i32
    %c0_i32_0 = arith.constant 0 : i32
    %c0_i32_1 = arith.constant 0 : i32
    return %c0_i32, %c0_i32_0 : i32, i32
  }
}

module attributes {stable_mosaic.version = 14 : i64} {
  func.func @_tc_pe_body(%arg0: memref<8x100000xf32, #tpu.memory_space<vmem>>, %arg1: memref<1x100000xi32, #tpu.memory_space<vmem>>, %arg2: memref<9x512xf32, #tpu.memory_space<vmem>>) attributes {dimension_semantics = [], scalar_prefetch = 0 : i64, scratch_operands = 0 : i64, tpu.core_type = #tpu.core_type<tc>} {
    %iota3A = tpu.iota {dimensions = array<i32: 1>} : vector<1x512xi32>
    %broadcast_in_dim3A = arith.constant 0.000000e+00 : f32
    %broadcast_in_dim3A_0 = vector.broadcast %broadcast_in_dim3A : f32 to vector<9x512xf32>
    %get3A = arith.constant 0 : index
    %get3A_1 = arith.constant 0 : index
    %get3A_2 = vector.load %arg1[%get3A, %get3A_1] : memref<1x100000xi32, #tpu.memory_space<vmem>>, vector<1x2000xi32>
    %get3A_3 = vector.shape_cast %get3A_2 : vector<1x2000xi32> to vector<2000xi32>
    %broadcast_in_dim3A_4 = vector.shape_cast %get3A_3 : vector<2000xi32> to vector<2000x1xi32>
    %eq3A = vector.broadcast %broadcast_in_dim3A_4 : vector<2000x1xi32> to vector<2000x512xi32>
    %eq3A_5 = vector.broadcast %iota3A : vector<1x512xi32> to vector<2000x512xi32>
    %eq3A_6 = arith.cmpi eq, %eq3A, %eq3A_5 : vector<2000x512xi32>
    %convert_element_type3A = arith.extui %eq3A_6 : vector<2000x512xi1> to vector<2000x512xi32>
    %convert_element_type3A_7 = arith.sitofp %convert_element_type3A : vector<2000x512xi32> to vector<2000x512xf32>
    %get3A_8 = arith.constant 0 : index
    %get3A_9 = arith.constant 0 : index
    %get3A_10 = vector.load %arg0[%get3A_8, %get3A_9] : memref<8x100000xf32, #tpu.memory_space<vmem>>, vector<8x2000xf32>
    %broadcast_in_dim3A_11 = arith.constant 1.000000e+00 : f32
    %broadcast_in_dim3A_12 = vector.broadcast %broadcast_in_dim3A_11 : f32 to vector<1x2000xf32>
    %concatenate3A = tpu.concatenate %get3A_10, %broadcast_in_dim3A_12 in 0 : vector<8x2000xf32>, vector<1x2000xf32> -> vector<9x2000xf32>
    %dot_general3A = arith.constant dense<0.000000e+00> : vector<9x512xf32>
    %dot_general3A_13 = tpu.matmul %concatenate3A, %convert_element_type3A_7, %dot_general3A {dimension_numbers = #tpu.dot_dimension_numbers<[1], [0], [0], [1], [0, 0, 1, 1], [], []>, transpose_lhs_hint = false} : vector<9x2000xf32>, vector<2000x512xf32>, vector<9x512xf32> -> vector<9x512xf32>
    %add3A = arith.addf %broadcast_in_dim3A_0, %dot_general3A_13 : vector<9x512xf32>
    %get3A_14 = arith.constant 0 : index
    %get3A_15 = arith.constant 2000 : index
    %get3A_16 = vector.load %arg1[%get3A_14, %get3A_15] : memref<1x100000xi32, #tpu.memory_space<vmem>>, vector<1x2000xi32>
    %get3A_17 = vector.shape_cast %get3A_16 : vector<1x2000xi32> to vector<2000xi32>
    %broadcast_in_dim3A_18 = vector.shape_cast %get3A_17 : vector<2000xi32> to vector<2000x1xi32>
    %eq3A_19 = vector.broadcast %broadcast_in_dim3A_18 : vector<2000x1xi32> to vector<2000x512xi32>
    %eq3A_20 = vector.broadcast %iota3A : vector<1x512xi32> to vector<2000x512xi32>
    %eq3A_21 = arith.cmpi eq, %eq3A_19, %eq3A_20 : vector<2000x512xi32>
    %convert_element_type3A_22 = arith.extui %eq3A_21 : vector<2000x512xi1> to vector<2000x512xi32>
    %convert_element_type3A_23 = arith.sitofp %convert_element_type3A_22 : vector<2000x512xi32> to vector<2000x512xf32>
    %get3A_24 = arith.constant 0 : index
    %get3A_25 = arith.constant 2000 : index
    %get3A_26 = vector.load %arg0[%get3A_24, %get3A_25] : memref<8x100000xf32, #tpu.memory_space<vmem>>, vector<8x2000xf32>
    %broadcast_in_dim3A_27 = arith.constant 1.000000e+00 : f32
    %broadcast_in_dim3A_28 = vector.broadcast %broadcast_in_dim3A_27 : f32 to vector<1x2000xf32>
    %concatenate3A_29 = tpu.concatenate %get3A_26, %broadcast_in_dim3A_28 in 0 : vector<8x2000xf32>, vector<1x2000xf32> -> vector<9x2000xf32>
    %dot_general3A_30 = arith.constant dense<0.000000e+00> : vector<9x512xf32>
    %dot_general3A_31 = tpu.matmul %concatenate3A_29, %convert_element_type3A_23, %dot_general3A_30 {dimension_numbers = #tpu.dot_dimension_numbers<[1], [0], [0], [1], [0, 0, 1, 1], [], []>, transpose_lhs_hint = false} : vector<9x2000xf32>, vector<2000x512xf32>, vector<9x512xf32> -> vector<9x512xf32>
    %add3A_32 = arith.addf %add3A, %dot_general3A_31 : vector<9x512xf32>
    %get3A_33 = arith.constant 0 : index
    %get3A_34 = arith.constant 4000 : index
    %get3A_35 = vector.load %arg1[%get3A_33, %get3A_34] : memref<1x100000xi32, #tpu.memory_space<vmem>>, vector<1x2000xi32>
    %get3A_36 = vector.shape_cast %get3A_35 : vector<1x2000xi32> to vector<2000xi32>
    %broadcast_in_dim3A_37 = vector.shape_cast %get3A_36 : vector<2000xi32> to vector<2000x1xi32>
    %eq3A_38 = vector.broadcast %broadcast_in_dim3A_37 : vector<2000x1xi32> to vector<2000x512xi32>
    %eq3A_39 = vector.broadcast %iota3A : vector<1x512xi32> to vector<2000x512xi32>
    %eq3A_40 = arith.cmpi eq, %eq3A_38, %eq3A_39 : vector<2000x512xi32>
    %convert_element_type3A_41 = arith.extui %eq3A_40 : vector<2000x512xi1> to vector<2000x512xi32>
    %convert_element_type3A_42 = arith.sitofp %convert_element_type3A_41 : vector<2000x512xi32> to vector<2000x512xf32>
    %get3A_43 = arith.constant 0 : index
    %get3A_44 = arith.constant 4000 : index
    %get3A_45 = vector.load %arg0[%get3A_43, %get3A_44] : memref<8x100000xf32, #tpu.memory_space<vmem>>, vector<8x2000xf32>
    %broadcast_in_dim3A_46 = arith.constant 1.000000e+00 : f32
    %broadcast_in_dim3A_47 = vector.broadcast %broadcast_in_dim3A_46 : f32 to vector<1x2000xf32>
    %concatenate3A_48 = tpu.concatenate %get3A_45, %broadcast_in_dim3A_47 in 0 : vector<8x2000xf32>, vector<1x2000xf32> -> vector<9x2000xf32>
    %dot_general3A_49 = arith.constant dense<0.000000e+00> : vector<9x512xf32>
    %dot_general3A_50 = tpu.matmul %concatenate3A_48, %convert_element_type3A_42, %dot_general3A_49 {dimension_numbers = #tpu.dot_dimension_numbers<[1], [0], [0], [1], [0, 0, 1, 1], [], []>, transpose_lhs_hint = false} : vector<9x2000xf32>, vector<2000x512xf32>, vector<9x512xf32> -> vector<9x512xf32>
    %add3A_51 = arith.addf %add3A_32, %dot_general3A_50 : vector<9x512xf32>
    %get3A_52 = arith.constant 0 : index
    %get3A_53 = arith.constant 6000 : index
    %get3A_54 = vector.load %arg1[%get3A_52, %get3A_53] : memref<1x100000xi32, #tpu.memory_space<vmem>>, vector<1x2000xi32>
    %get3A_55 = vector.shape_cast %get3A_54 : vector<1x2000xi32> to vector<2000xi32>
    %broadcast_in_dim3A_56 = vector.shape_cast %get3A_55 : vector<2000xi32> to vector<2000x1xi32>
    %eq3A_57 = vector.broadcast %broadcast_in_dim3A_56 : vector<2000x1xi32> to vector<2000x512xi32>
    %eq3A_58 = vector.broadcast %iota3A : vector<1x512xi32> to vector<2000x512xi32>
    %eq3A_59 = arith.cmpi eq, %eq3A_57, %eq3A_58 : vector<2000x512xi32>
    %convert_element_type3A_60 = arith.extui %eq3A_59 : vector<2000x512xi1> to vector<2000x512xi32>
    %convert_element_type3A_61 = arith.sitofp %convert_element_type3A_60 : vector<2000x512xi32> to vector<2000x512xf32>
    %get3A_62 = arith.constant 0 : index
    %get3A_63 = arith.constant 6000 : index
    %get3A_64 = vector.load %arg0[%get3A_62, %get3A_63] : memref<8x100000xf32, #tpu.memory_space<vmem>>, vector<8x2000xf32>
    %broadcast_in_dim3A_65 = arith.constant 1.000000e+00 : f32
    %broadcast_in_dim3A_66 = vector.broadcast %broadcast_in_dim3A_65 : f32 to vector<1x2000xf32>
    %concatenate3A_67 = tpu.concatenate %get3A_64, %broadcast_in_dim3A_66 in 0 : vector<8x2000xf32>, vector<1x2000xf32> -> vector<9x2000xf32>
    %dot_general3A_68 = arith.constant dense<0.000000e+00> : vector<9x512xf32>
    %dot_general3A_69 = tpu.matmul %concatenate3A_67, %convert_element_type3A_61, %dot_general3A_68 {dimension_numbers = #tpu.dot_dimension_numbers<[1], [0], [0], [1], [0, 0, 1, 1], [], []>, transpose_lhs_hint = false} : vector<9x2000xf32>, vector<2000x512xf32>, vector<9x512xf32> -> vector<9x512xf32>
    %add3A_70 = arith.addf %add3A_51, %dot_general3A_69 : vector<9x512xf32>
    %get3A_71 = arith.constant 0 : index
    %get3A_72 = arith.constant 8000 : index
    %get3A_73 = vector.load %arg1[%get3A_71, %get3A_72] : memref<1x100000xi32, #tpu.memory_space<vmem>>, vector<1x2000xi32>
    %get3A_74 = vector.shape_cast %get3A_73 : vector<1x2000xi32> to vector<2000xi32>
    %broadcast_in_dim3A_75 = vector.shape_cast %get3A_74 : vector<2000xi32> to vector<2000x1xi32>
    %eq3A_76 = vector.broadcast %broadcast_in_dim3A_75 : vector<2000x1xi32> to vector<2000x512xi32>
    %eq3A_77 = vector.broadcast %iota3A : vector<1x512xi32> to vector<2000x512xi32>
    %eq3A_78 = arith.cmpi eq, %eq3A_76, %eq3A_77 : vector<2000x512xi32>
    %convert_element_type3A_79 = arith.extui %eq3A_78 : vector<2000x512xi1> to vector<2000x512xi32>
    %convert_element_type3A_80 = arith.sitofp %convert_element_type3A_79 : vector<2000x512xi32> to vector<2000x512xf32>
    %get3A_81 = arith.constant 0 : index
    %get3A_82 = arith.constant 8000 : index
    %get3A_83 = vector.load %arg0[%get3A_81, %get3A_82] : memref<8x100000xf32, #tpu.memory_space<vmem>>, vector<8x2000xf32>
    %broadcast_in_dim3A_84 = arith.constant 1.000000e+00 : f32
    %broadcast_in_dim3A_85 = vector.broadcast %broadcast_in_dim3A_84 : f32 to vector<1x2000xf32>
    %concatenate3A_86 = tpu.concatenate %get3A_83, %broadcast_in_dim3A_85 in 0 : vector<8x2000xf32>, vector<1x2000xf32> -> vector<9x2000xf32>
    %dot_general3A_87 = arith.constant dense<0.000000e+00> : vector<9x512xf32>
    %dot_general3A_88 = tpu.matmul %concatenate3A_86, %convert_element_type3A_80, %dot_general3A_87 {dimension_numbers = #tpu.dot_dimension_numbers<[1], [0], [0], [1], [0, 0, 1, 1], [], []>, transpose_lhs_hint = false} : vector<9x2000xf32>, vector<2000x512xf32>, vector<9x512xf32> -> vector<9x512xf32>
    %add3A_89 = arith.addf %add3A_70, %dot_general3A_88 : vector<9x512xf32>
    %get3A_90 = arith.constant 0 : index
    %get3A_91 = arith.constant 10000 : index
    %get3A_92 = vector.load %arg1[%get3A_90, %get3A_91] : memref<1x100000xi32, #tpu.memory_space<vmem>>, vector<1x2000xi32>
    %get3A_93 = vector.shape_cast %get3A_92 : vector<1x2000xi32> to vector<2000xi32>
    %broadcast_in_dim3A_94 = vector.shape_cast %get3A_93 : vector<2000xi32> to vector<2000x1xi32>
    %eq3A_95 = vector.broadcast %broadcast_in_dim3A_94 : vector<2000x1xi32> to vector<2000x512xi32>
    %eq3A_96 = vector.broadcast %iota3A : vector<1x512xi32> to vector<2000x512xi32>
    %eq3A_97 = arith.cmpi eq, %eq3A_95, %eq3A_96 : vector<2000x512xi32>
    %convert_element_type3A_98 = arith.extui %eq3A_97 : vector<2000x512xi1> to vector<2000x512xi32>
    %convert_element_type3A_99 = arith.sitofp %convert_element_type3A_98 : vector<2000x512xi32> to vector<2000x512xf32>
    %get3A_100 = arith.constant 0 : index
    %get3A_101 = arith.constant 10000 : index
    %get3A_102 = vector.load %arg0[%get3A_100, %get3A_101] : memref<8x100000xf32, #tpu.memory_space<vmem>>, vector<8x2000xf32>
    %broadcast_in_dim3A_103 = arith.constant 1.000000e+00 : f32
    %broadcast_in_dim3A_104 = vector.broadcast %broadcast_in_dim3A_103 : f32 to vector<1x2000xf32>
    %concatenate3A_105 = tpu.concatenate %get3A_102, %broadcast_in_dim3A_104 in 0 : vector<8x2000xf32>, vector<1x2000xf32> -> vector<9x2000xf32>
    %dot_general3A_106 = arith.constant dense<0.000000e+00> : vector<9x512xf32>
    %dot_general3A_107 = tpu.matmul %concatenate3A_105, %convert_element_type3A_99, %dot_general3A_106 {dimension_numbers = #tpu.dot_dimension_numbers<[1], [0], [0], [1], [0, 0, 1, 1], [], []>, transpose_lhs_hint = false} : vector<9x2000xf32>, vector<2000x512xf32>, vector<9x512xf32> -> vector<9x512xf32>
    %add3A_108 = arith.addf %add3A_89, %dot_general3A_107 : vector<9x512xf32>
    %get3A_109 = arith.constant 0 : index
    %get3A_110 = arith.constant 12000 : index
    %get3A_111 = vector.load %arg1[%get3A_109, %get3A_110] : memref<1x100000xi32, #tpu.memory_space<vmem>>, vector<1x2000xi32>
    %get3A_112 = vector.shape_cast %get3A_111 : vector<1x2000xi32> to vector<2000xi32>
    %broadcast_in_dim3A_113 = vector.shape_cast %get3A_112 : vector<2000xi32> to vector<2000x1xi32>
    %eq3A_114 = vector.broadcast %broadcast_in_dim3A_113 : vector<2000x1xi32> to vector<2000x512xi32>
    %eq3A_115 = vector.broadcast %iota3A : vector<1x512xi32> to vector<2000x512xi32>
    %eq3A_116 = arith.cmpi eq, %eq3A_114, %eq3A_115 : vector<2000x512xi32>
    %convert_element_type3A_117 = arith.extui %eq3A_116 : vector<2000x512xi1> to vector<2000x512xi32>
    %convert_element_type3A_118 = arith.sitofp %convert_element_type3A_117 : vector<2000x512xi32> to vector<2000x512xf32>
    %get3A_119 = arith.constant 0 : index
    %get3A_120 = arith.constant 12000 : index
    %get3A_121 = vector.load %arg0[%get3A_119, %get3A_120] : memref<8x100000xf32, #tpu.memory_space<vmem>>, vector<8x2000xf32>
    %broadcast_in_dim3A_122 = arith.constant 1.000000e+00 : f32
    %broadcast_in_dim3A_123 = vector.broadcast %broadcast_in_dim3A_122 : f32 to vector<1x2000xf32>
    %concatenate3A_124 = tpu.concatenate %get3A_121, %broadcast_in_dim3A_123 in 0 : vector<8x2000xf32>, vector<1x2000xf32> -> vector<9x2000xf32>
    %dot_general3A_125 = arith.constant dense<0.000000e+00> : vector<9x512xf32>
    %dot_general3A_126 = tpu.matmul %concatenate3A_124, %convert_element_type3A_118, %dot_general3A_125 {dimension_numbers = #tpu.dot_dimension_numbers<[1], [0], [0], [1], [0, 0, 1, 1], [], []>, transpose_lhs_hint = false} : vector<9x2000xf32>, vector<2000x512xf32>, vector<9x512xf32> -> vector<9x512xf32>
    %add3A_127 = arith.addf %add3A_108, %dot_general3A_126 : vector<9x512xf32>
    %get3A_128 = arith.constant 0 : index
    %get3A_129 = arith.constant 14000 : index
    %get3A_130 = vector.load %arg1[%get3A_128, %get3A_129] : memref<1x100000xi32, #tpu.memory_space<vmem>>, vector<1x2000xi32>
    %get3A_131 = vector.shape_cast %get3A_130 : vector<1x2000xi32> to vector<2000xi32>
    %broadcast_in_dim3A_132 = vector.shape_cast %get3A_131 : vector<2000xi32> to vector<2000x1xi32>
    %eq3A_133 = vector.broadcast %broadcast_in_dim3A_132 : vector<2000x1xi32> to vector<2000x512xi32>
    %eq3A_134 = vector.broadcast %iota3A : vector<1x512xi32> to vector<2000x512xi32>
    %eq3A_135 = arith.cmpi eq, %eq3A_133, %eq3A_134 : vector<2000x512xi32>
    %convert_element_type3A_136 = arith.extui %eq3A_135 : vector<2000x512xi1> to vector<2000x512xi32>
    %convert_element_type3A_137 = arith.sitofp %convert_element_type3A_136 : vector<2000x512xi32> to vector<2000x512xf32>
    %get3A_138 = arith.constant 0 : index
    %get3A_139 = arith.constant 14000 : index
    %get3A_140 = vector.load %arg0[%get3A_138, %get3A_139] : memref<8x100000xf32, #tpu.memory_space<vmem>>, vector<8x2000xf32>
    %broadcast_in_dim3A_141 = arith.constant 1.000000e+00 : f32
    %broadcast_in_dim3A_142 = vector.broadcast %broadcast_in_dim3A_141 : f32 to vector<1x2000xf32>
    %concatenate3A_143 = tpu.concatenate %get3A_140, %broadcast_in_dim3A_142 in 0 : vector<8x2000xf32>, vector<1x2000xf32> -> vector<9x2000xf32>
    %dot_general3A_144 = arith.constant dense<0.000000e+00> : vector<9x512xf32>
    %dot_general3A_145 = tpu.matmul %concatenate3A_143, %convert_element_type3A_137, %dot_general3A_144 {dimension_numbers = #tpu.dot_dimension_numbers<[1], [0], [0], [1], [0, 0, 1, 1], [], []>, transpose_lhs_hint = false} : vector<9x2000xf32>, vector<2000x512xf32>, vector<9x512xf32> -> vector<9x512xf32>
    %add3A_146 = arith.addf %add3A_127, %dot_general3A_145 : vector<9x512xf32>
    %get3A_147 = arith.constant 0 : index
    %get3A_148 = arith.constant 16000 : index
    %get3A_149 = vector.load %arg1[%get3A_147, %get3A_148] : memref<1x100000xi32, #tpu.memory_space<vmem>>, vector<1x2000xi32>
    %get3A_150 = vector.shape_cast %get3A_149 : vector<1x2000xi32> to vector<2000xi32>
    %broadcast_in_dim3A_151 = vector.shape_cast %get3A_150 : vector<2000xi32> to vector<2000x1xi32>
    %eq3A_152 = vector.broadcast %broadcast_in_dim3A_151 : vector<2000x1xi32> to vector<2000x512xi32>
    %eq3A_153 = vector.broadcast %iota3A : vector<1x512xi32> to vector<2000x512xi32>
    %eq3A_154 = arith.cmpi eq, %eq3A_152, %eq3A_153 : vector<2000x512xi32>
    %convert_element_type3A_155 = arith.extui %eq3A_154 : vector<2000x512xi1> to vector<2000x512xi32>
    %convert_element_type3A_156 = arith.sitofp %convert_element_type3A_155 : vector<2000x512xi32> to vector<2000x512xf32>
    %get3A_157 = arith.constant 0 : index
    %get3A_158 = arith.constant 16000 : index
    %get3A_159 = vector.load %arg0[%get3A_157, %get3A_158] : memref<8x100000xf32, #tpu.memory_space<vmem>>, vector<8x2000xf32>
    %broadcast_in_dim3A_160 = arith.constant 1.000000e+00 : f32
    %broadcast_in_dim3A_161 = vector.broadcast %broadcast_in_dim3A_160 : f32 to vector<1x2000xf32>
    %concatenate3A_162 = tpu.concatenate %get3A_159, %broadcast_in_dim3A_161 in 0 : vector<8x2000xf32>, vector<1x2000xf32> -> vector<9x2000xf32>
    %dot_general3A_163 = arith.constant dense<0.000000e+00> : vector<9x512xf32>
    %dot_general3A_164 = tpu.matmul %concatenate3A_162, %convert_element_type3A_156, %dot_general3A_163 {dimension_numbers = #tpu.dot_dimension_numbers<[1], [0], [0], [1], [0, 0, 1, 1], [], []>, transpose_lhs_hint = false} : vector<9x2000xf32>, vector<2000x512xf32>, vector<9x512xf32> -> vector<9x512xf32>
    %add3A_165 = arith.addf %add3A_146, %dot_general3A_164 : vector<9x512xf32>
    %get3A_166 = arith.constant 0 : index
    %get3A_167 = arith.constant 18000 : index
    %get3A_168 = vector.load %arg1[%get3A_166, %get3A_167] : memref<1x100000xi32, #tpu.memory_space<vmem>>, vector<1x2000xi32>
    %get3A_169 = vector.shape_cast %get3A_168 : vector<1x2000xi32> to vector<2000xi32>
    %broadcast_in_dim3A_170 = vector.shape_cast %get3A_169 : vector<2000xi32> to vector<2000x1xi32>
    %eq3A_171 = vector.broadcast %broadcast_in_dim3A_170 : vector<2000x1xi32> to vector<2000x512xi32>
    %eq3A_172 = vector.broadcast %iota3A : vector<1x512xi32> to vector<2000x512xi32>
    %eq3A_173 = arith.cmpi eq, %eq3A_171, %eq3A_172 : vector<2000x512xi32>
    %convert_element_type3A_174 = arith.extui %eq3A_173 : vector<2000x512xi1> to vector<2000x512xi32>
    %convert_element_type3A_175 = arith.sitofp %convert_element_type3A_174 : vector<2000x512xi32> to vector<2000x512xf32>
    %get3A_176 = arith.constant 0 : index
    %get3A_177 = arith.constant 18000 : index
    %get3A_178 = vector.load %arg0[%get3A_176, %get3A_177] : memref<8x100000xf32, #tpu.memory_space<vmem>>, vector<8x2000xf32>
    %broadcast_in_dim3A_179 = arith.constant 1.000000e+00 : f32
    %broadcast_in_dim3A_180 = vector.broadcast %broadcast_in_dim3A_179 : f32 to vector<1x2000xf32>
    %concatenate3A_181 = tpu.concatenate %get3A_178, %broadcast_in_dim3A_180 in 0 : vector<8x2000xf32>, vector<1x2000xf32> -> vector<9x2000xf32>
    %dot_general3A_182 = arith.constant dense<0.000000e+00> : vector<9x512xf32>
    %dot_general3A_183 = tpu.matmul %concatenate3A_181, %convert_element_type3A_175, %dot_general3A_182 {dimension_numbers = #tpu.dot_dimension_numbers<[1], [0], [0], [1], [0, 0, 1, 1], [], []>, transpose_lhs_hint = false} : vector<9x2000xf32>, vector<2000x512xf32>, vector<9x512xf32> -> vector<9x512xf32>
    %add3A_184 = arith.addf %add3A_165, %dot_general3A_183 : vector<9x512xf32>
    %get3A_185 = arith.constant 0 : index
    %get3A_186 = arith.constant 20000 : index
    %get3A_187 = vector.load %arg1[%get3A_185, %get3A_186] : memref<1x100000xi32, #tpu.memory_space<vmem>>, vector<1x2000xi32>
    %get3A_188 = vector.shape_cast %get3A_187 : vector<1x2000xi32> to vector<2000xi32>
    %broadcast_in_dim3A_189 = vector.shape_cast %get3A_188 : vector<2000xi32> to vector<2000x1xi32>
    %eq3A_190 = vector.broadcast %broadcast_in_dim3A_189 : vector<2000x1xi32> to vector<2000x512xi32>
    %eq3A_191 = vector.broadcast %iota3A : vector<1x512xi32> to vector<2000x512xi32>
    %eq3A_192 = arith.cmpi eq, %eq3A_190, %eq3A_191 : vector<2000x512xi32>
    %convert_element_type3A_193 = arith.extui %eq3A_192 : vector<2000x512xi1> to vector<2000x512xi32>
    %convert_element_type3A_194 = arith.sitofp %convert_element_type3A_193 : vector<2000x512xi32> to vector<2000x512xf32>
    %get3A_195 = arith.constant 0 : index
    %get3A_196 = arith.constant 20000 : index
    %get3A_197 = vector.load %arg0[%get3A_195, %get3A_196] : memref<8x100000xf32, #tpu.memory_space<vmem>>, vector<8x2000xf32>
    %broadcast_in_dim3A_198 = arith.constant 1.000000e+00 : f32
    %broadcast_in_dim3A_199 = vector.broadcast %broadcast_in_dim3A_198 : f32 to vector<1x2000xf32>
    %concatenate3A_200 = tpu.concatenate %get3A_197, %broadcast_in_dim3A_199 in 0 : vector<8x2000xf32>, vector<1x2000xf32> -> vector<9x2000xf32>
    %dot_general3A_201 = arith.constant dense<0.000000e+00> : vector<9x512xf32>
    %dot_general3A_202 = tpu.matmul %concatenate3A_200, %convert_element_type3A_194, %dot_general3A_201 {dimension_numbers = #tpu.dot_dimension_numbers<[1], [0], [0], [1], [0, 0, 1, 1], [], []>, transpose_lhs_hint = false} : vector<9x2000xf32>, vector<2000x512xf32>, vector<9x512xf32> -> vector<9x512xf32>
    %add3A_203 = arith.addf %add3A_184, %dot_general3A_202 : vector<9x512xf32>
    %get3A_204 = arith.constant 0 : index
    %get3A_205 = arith.constant 22000 : index
    %get3A_206 = vector.load %arg1[%get3A_204, %get3A_205] : memref<1x100000xi32, #tpu.memory_space<vmem>>, vector<1x2000xi32>
    %get3A_207 = vector.shape_cast %get3A_206 : vector<1x2000xi32> to vector<2000xi32>
    %broadcast_in_dim3A_208 = vector.shape_cast %get3A_207 : vector<2000xi32> to vector<2000x1xi32>
    %eq3A_209 = vector.broadcast %broadcast_in_dim3A_208 : vector<2000x1xi32> to vector<2000x512xi32>
    %eq3A_210 = vector.broadcast %iota3A : vector<1x512xi32> to vector<2000x512xi32>
    %eq3A_211 = arith.cmpi eq, %eq3A_209, %eq3A_210 : vector<2000x512xi32>
    %convert_element_type3A_212 = arith.extui %eq3A_211 : vector<2000x512xi1> to vector<2000x512xi32>
    %convert_element_type3A_213 = arith.sitofp %convert_element_type3A_212 : vector<2000x512xi32> to vector<2000x512xf32>
    %get3A_214 = arith.constant 0 : index
    %get3A_215 = arith.constant 22000 : index
    %get3A_216 = vector.load %arg0[%get3A_214, %get3A_215] : memref<8x100000xf32, #tpu.memory_space<vmem>>, vector<8x2000xf32>
    %broadcast_in_dim3A_217 = arith.constant 1.000000e+00 : f32
    %broadcast_in_dim3A_218 = vector.broadcast %broadcast_in_dim3A_217 : f32 to vector<1x2000xf32>
    %concatenate3A_219 = tpu.concatenate %get3A_216, %broadcast_in_dim3A_218 in 0 : vector<8x2000xf32>, vector<1x2000xf32> -> vector<9x2000xf32>
    %dot_general3A_220 = arith.constant dense<0.000000e+00> : vector<9x512xf32>
    %dot_general3A_221 = tpu.matmul %concatenate3A_219, %convert_element_type3A_213, %dot_general3A_220 {dimension_numbers = #tpu.dot_dimension_numbers<[1], [0], [0], [1], [0, 0, 1, 1], [], []>, transpose_lhs_hint = false} : vector<9x2000xf32>, vector<2000x512xf32>, vector<9x512xf32> -> vector<9x512xf32>
    %add3A_222 = arith.addf %add3A_203, %dot_general3A_221 : vector<9x512xf32>
    %get3A_223 = arith.constant 0 : index
    %get3A_224 = arith.constant 24000 : index
    %get3A_225 = vector.load %arg1[%get3A_223, %get3A_224] : memref<1x100000xi32, #tpu.memory_space<vmem>>, vector<1x2000xi32>
    %get3A_226 = vector.shape_cast %get3A_225 : vector<1x2000xi32> to vector<2000xi32>
    %broadcast_in_dim3A_227 = vector.shape_cast %get3A_226 : vector<2000xi32> to vector<2000x1xi32>
    %eq3A_228 = vector.broadcast %broadcast_in_dim3A_227 : vector<2000x1xi32> to vector<2000x512xi32>
    %eq3A_229 = vector.broadcast %iota3A : vector<1x512xi32> to vector<2000x512xi32>
    %eq3A_230 = arith.cmpi eq, %eq3A_228, %eq3A_229 : vector<2000x512xi32>
    %convert_element_type3A_231 = arith.extui %eq3A_230 : vector<2000x512xi1> to vector<2000x512xi32>
    %convert_element_type3A_232 = arith.sitofp %convert_element_type3A_231 : vector<2000x512xi32> to vector<2000x512xf32>
    %get3A_233 = arith.constant 0 : index
    %get3A_234 = arith.constant 24000 : index
    %get3A_235 = vector.load %arg0[%get3A_233, %get3A_234] : memref<8x100000xf32, #tpu.memory_space<vmem>>, vector<8x2000xf32>
    %broadcast_in_dim3A_236 = arith.constant 1.000000e+00 : f32
    %broadcast_in_dim3A_237 = vector.broadcast %broadcast_in_dim3A_236 : f32 to vector<1x2000xf32>
    %concatenate3A_238 = tpu.concatenate %get3A_235, %broadcast_in_dim3A_237 in 0 : vector<8x2000xf32>, vector<1x2000xf32> -> vector<9x2000xf32>
    %dot_general3A_239 = arith.constant dense<0.000000e+00> : vector<9x512xf32>
    %dot_general3A_240 = tpu.matmul %concatenate3A_238, %convert_element_type3A_232, %dot_general3A_239 {dimension_numbers = #tpu.dot_dimension_numbers<[1], [0], [0], [1], [0, 0, 1, 1], [], []>, transpose_lhs_hint = false} : vector<9x2000xf32>, vector<2000x512xf32>, vector<9x512xf32> -> vector<9x512xf32>
    %add3A_241 = arith.addf %add3A_222, %dot_general3A_240 : vector<9x512xf32>
    %get3A_242 = arith.constant 0 : index
    %get3A_243 = arith.constant 26000 : index
    %get3A_244 = vector.load %arg1[%get3A_242, %get3A_243] : memref<1x100000xi32, #tpu.memory_space<vmem>>, vector<1x2000xi32>
    %get3A_245 = vector.shape_cast %get3A_244 : vector<1x2000xi32> to vector<2000xi32>
    %broadcast_in_dim3A_246 = vector.shape_cast %get3A_245 : vector<2000xi32> to vector<2000x1xi32>
    %eq3A_247 = vector.broadcast %broadcast_in_dim3A_246 : vector<2000x1xi32> to vector<2000x512xi32>
    %eq3A_248 = vector.broadcast %iota3A : vector<1x512xi32> to vector<2000x512xi32>
    %eq3A_249 = arith.cmpi eq, %eq3A_247, %eq3A_248 : vector<2000x512xi32>
    %convert_element_type3A_250 = arith.extui %eq3A_249 : vector<2000x512xi1> to vector<2000x512xi32>
    %convert_element_type3A_251 = arith.sitofp %convert_element_type3A_250 : vector<2000x512xi32> to vector<2000x512xf32>
    %get3A_252 = arith.constant 0 : index
    %get3A_253 = arith.constant 26000 : index
    %get3A_254 = vector.load %arg0[%get3A_252, %get3A_253] : memref<8x100000xf32, #tpu.memory_space<vmem>>, vector<8x2000xf32>
    %broadcast_in_dim3A_255 = arith.constant 1.000000e+00 : f32
    %broadcast_in_dim3A_256 = vector.broadcast %broadcast_in_dim3A_255 : f32 to vector<1x2000xf32>
    %concatenate3A_257 = tpu.concatenate %get3A_254, %broadcast_in_dim3A_256 in 0 : vector<8x2000xf32>, vector<1x2000xf32> -> vector<9x2000xf32>
    %dot_general3A_258 = arith.constant dense<0.000000e+00> : vector<9x512xf32>
    %dot_general3A_259 = tpu.matmul %concatenate3A_257, %convert_element_type3A_251, %dot_general3A_258 {dimension_numbers = #tpu.dot_dimension_numbers<[1], [0], [0], [1], [0, 0, 1, 1], [], []>, transpose_lhs_hint = false} : vector<9x2000xf32>, vector<2000x512xf32>, vector<9x512xf32> -> vector<9x512xf32>
    %add3A_260 = arith.addf %add3A_241, %dot_general3A_259 : vector<9x512xf32>
    %get3A_261 = arith.constant 0 : index
    %get3A_262 = arith.constant 28000 : index
    %get3A_263 = vector.load %arg1[%get3A_261, %get3A_262] : memref<1x100000xi32, #tpu.memory_space<vmem>>, vector<1x2000xi32>
    %get3A_264 = vector.shape_cast %get3A_263 : vector<1x2000xi32> to vector<2000xi32>
    %broadcast_in_dim3A_265 = vector.shape_cast %get3A_264 : vector<2000xi32> to vector<2000x1xi32>
    %eq3A_266 = vector.broadcast %broadcast_in_dim3A_265 : vector<2000x1xi32> to vector<2000x512xi32>
    %eq3A_267 = vector.broadcast %iota3A : vector<1x512xi32> to vector<2000x512xi32>
    %eq3A_268 = arith.cmpi eq, %eq3A_266, %eq3A_267 : vector<2000x512xi32>
    %convert_element_type3A_269 = arith.extui %eq3A_268 : vector<2000x512xi1> to vector<2000x512xi32>
    %convert_element_type3A_270 = arith.sitofp %convert_element_type3A_269 : vector<2000x512xi32> to vector<2000x512xf32>
    %get3A_271 = arith.constant 0 : index
    %get3A_272 = arith.constant 28000 : index
    %get3A_273 = vector.load %arg0[%get3A_271, %get3A_272] : memref<8x100000xf32, #tpu.memory_space<vmem>>, vector<8x2000xf32>
    %broadcast_in_dim3A_274 = arith.constant 1.000000e+00 : f32
    %broadcast_in_dim3A_275 = vector.broadcast %broadcast_in_dim3A_274 : f32 to vector<1x2000xf32>
    %concatenate3A_276 = tpu.concatenate %get3A_273, %broadcast_in_dim3A_275 in 0 : vector<8x2000xf32>, vector<1x2000xf32> -> vector<9x2000xf32>
    %dot_general3A_277 = arith.constant dense<0.000000e+00> : vector<9x512xf32>
    %dot_general3A_278 = tpu.matmul %concatenate3A_276, %convert_element_type3A_270, %dot_general3A_277 {dimension_numbers = #tpu.dot_dimension_numbers<[1], [0], [0], [1], [0, 0, 1, 1], [], []>, transpose_lhs_hint = false} : vector<9x2000xf32>, vector<2000x512xf32>, vector<9x512xf32> -> vector<9x512xf32>
    %add3A_279 = arith.addf %add3A_260, %dot_general3A_278 : vector<9x512xf32>
    %get3A_280 = arith.constant 0 : index
    %get3A_281 = arith.constant 30000 : index
    %get3A_282 = vector.load %arg1[%get3A_280, %get3A_281] : memref<1x100000xi32, #tpu.memory_space<vmem>>, vector<1x2000xi32>
    %get3A_283 = vector.shape_cast %get3A_282 : vector<1x2000xi32> to vector<2000xi32>
    %broadcast_in_dim3A_284 = vector.shape_cast %get3A_283 : vector<2000xi32> to vector<2000x1xi32>
    %eq3A_285 = vector.broadcast %broadcast_in_dim3A_284 : vector<2000x1xi32> to vector<2000x512xi32>
    %eq3A_286 = vector.broadcast %iota3A : vector<1x512xi32> to vector<2000x512xi32>
    %eq3A_287 = arith.cmpi eq, %eq3A_285, %eq3A_286 : vector<2000x512xi32>
    %convert_element_type3A_288 = arith.extui %eq3A_287 : vector<2000x512xi1> to vector<2000x512xi32>
    %convert_element_type3A_289 = arith.sitofp %convert_element_type3A_288 : vector<2000x512xi32> to vector<2000x512xf32>
    %get3A_290 = arith.constant 0 : index
    %get3A_291 = arith.constant 30000 : index
    %get3A_292 = vector.load %arg0[%get3A_290, %get3A_291] : memref<8x100000xf32, #tpu.memory_space<vmem>>, vector<8x2000xf32>
    %broadcast_in_dim3A_293 = arith.constant 1.000000e+00 : f32
    %broadcast_in_dim3A_294 = vector.broadcast %broadcast_in_dim3A_293 : f32 to vector<1x2000xf32>
    %concatenate3A_295 = tpu.concatenate %get3A_292, %broadcast_in_dim3A_294 in 0 : vector<8x2000xf32>, vector<1x2000xf32> -> vector<9x2000xf32>
    %dot_general3A_296 = arith.constant dense<0.000000e+00> : vector<9x512xf32>
    %dot_general3A_297 = tpu.matmul %concatenate3A_295, %convert_element_type3A_289, %dot_general3A_296 {dimension_numbers = #tpu.dot_dimension_numbers<[1], [0], [0], [1], [0, 0, 1, 1], [], []>, transpose_lhs_hint = false} : vector<9x2000xf32>, vector<2000x512xf32>, vector<9x512xf32> -> vector<9x512xf32>
    %add3A_298 = arith.addf %add3A_279, %dot_general3A_297 : vector<9x512xf32>
    %get3A_299 = arith.constant 0 : index
    %get3A_300 = arith.constant 32000 : index
    %get3A_301 = vector.load %arg1[%get3A_299, %get3A_300] : memref<1x100000xi32, #tpu.memory_space<vmem>>, vector<1x2000xi32>
    %get3A_302 = vector.shape_cast %get3A_301 : vector<1x2000xi32> to vector<2000xi32>
    %broadcast_in_dim3A_303 = vector.shape_cast %get3A_302 : vector<2000xi32> to vector<2000x1xi32>
    %eq3A_304 = vector.broadcast %broadcast_in_dim3A_303 : vector<2000x1xi32> to vector<2000x512xi32>
    %eq3A_305 = vector.broadcast %iota3A : vector<1x512xi32> to vector<2000x512xi32>
    %eq3A_306 = arith.cmpi eq, %eq3A_304, %eq3A_305 : vector<2000x512xi32>
    %convert_element_type3A_307 = arith.extui %eq3A_306 : vector<2000x512xi1> to vector<2000x512xi32>
    %convert_element_type3A_308 = arith.sitofp %convert_element_type3A_307 : vector<2000x512xi32> to vector<2000x512xf32>
    %get3A_309 = arith.constant 0 : index
    %get3A_310 = arith.constant 32000 : index
    %get3A_311 = vector.load %arg0[%get3A_309, %get3A_310] : memref<8x100000xf32, #tpu.memory_space<vmem>>, vector<8x2000xf32>
    %broadcast_in_dim3A_312 = arith.constant 1.000000e+00 : f32
    %broadcast_in_dim3A_313 = vector.broadcast %broadcast_in_dim3A_312 : f32 to vector<1x2000xf32>
    %concatenate3A_314 = tpu.concatenate %get3A_311, %broadcast_in_dim3A_313 in 0 : vector<8x2000xf32>, vector<1x2000xf32> -> vector<9x2000xf32>
    %dot_general3A_315 = arith.constant dense<0.000000e+00> : vector<9x512xf32>
    %dot_general3A_316 = tpu.matmul %concatenate3A_314, %convert_element_type3A_308, %dot_general3A_315 {dimension_numbers = #tpu.dot_dimension_numbers<[1], [0], [0], [1], [0, 0, 1, 1], [], []>, transpose_lhs_hint = false} : vector<9x2000xf32>, vector<2000x512xf32>, vector<9x512xf32> -> vector<9x512xf32>
    %add3A_317 = arith.addf %add3A_298, %dot_general3A_316 : vector<9x512xf32>
    %get3A_318 = arith.constant 0 : index
    %get3A_319 = arith.constant 34000 : index
    %get3A_320 = vector.load %arg1[%get3A_318, %get3A_319] : memref<1x100000xi32, #tpu.memory_space<vmem>>, vector<1x2000xi32>
    %get3A_321 = vector.shape_cast %get3A_320 : vector<1x2000xi32> to vector<2000xi32>
    %broadcast_in_dim3A_322 = vector.shape_cast %get3A_321 : vector<2000xi32> to vector<2000x1xi32>
    %eq3A_323 = vector.broadcast %broadcast_in_dim3A_322 : vector<2000x1xi32> to vector<2000x512xi32>
    %eq3A_324 = vector.broadcast %iota3A : vector<1x512xi32> to vector<2000x512xi32>
    %eq3A_325 = arith.cmpi eq, %eq3A_323, %eq3A_324 : vector<2000x512xi32>
    %convert_element_type3A_326 = arith.extui %eq3A_325 : vector<2000x512xi1> to vector<2000x512xi32>
    %convert_element_type3A_327 = arith.sitofp %convert_element_type3A_326 : vector<2000x512xi32> to vector<2000x512xf32>
    %get3A_328 = arith.constant 0 : index
    %get3A_329 = arith.constant 34000 : index
    %get3A_330 = vector.load %arg0[%get3A_328, %get3A_329] : memref<8x100000xf32, #tpu.memory_space<vmem>>, vector<8x2000xf32>
    %broadcast_in_dim3A_331 = arith.constant 1.000000e+00 : f32
    %broadcast_in_dim3A_332 = vector.broadcast %broadcast_in_dim3A_331 : f32 to vector<1x2000xf32>
    %concatenate3A_333 = tpu.concatenate %get3A_330, %broadcast_in_dim3A_332 in 0 : vector<8x2000xf32>, vector<1x2000xf32> -> vector<9x2000xf32>
    %dot_general3A_334 = arith.constant dense<0.000000e+00> : vector<9x512xf32>
    %dot_general3A_335 = tpu.matmul %concatenate3A_333, %convert_element_type3A_327, %dot_general3A_334 {dimension_numbers = #tpu.dot_dimension_numbers<[1], [0], [0], [1], [0, 0, 1, 1], [], []>, transpose_lhs_hint = false} : vector<9x2000xf32>, vector<2000x512xf32>, vector<9x512xf32> -> vector<9x512xf32>
    %add3A_336 = arith.addf %add3A_317, %dot_general3A_335 : vector<9x512xf32>
    %get3A_337 = arith.constant 0 : index
    %get3A_338 = arith.constant 36000 : index
    %get3A_339 = vector.load %arg1[%get3A_337, %get3A_338] : memref<1x100000xi32, #tpu.memory_space<vmem>>, vector<1x2000xi32>
    %get3A_340 = vector.shape_cast %get3A_339 : vector<1x2000xi32> to vector<2000xi32>
    %broadcast_in_dim3A_341 = vector.shape_cast %get3A_340 : vector<2000xi32> to vector<2000x1xi32>
    %eq3A_342 = vector.broadcast %broadcast_in_dim3A_341 : vector<2000x1xi32> to vector<2000x512xi32>
    %eq3A_343 = vector.broadcast %iota3A : vector<1x512xi32> to vector<2000x512xi32>
    %eq3A_344 = arith.cmpi eq, %eq3A_342, %eq3A_343 : vector<2000x512xi32>
    %convert_element_type3A_345 = arith.extui %eq3A_344 : vector<2000x512xi1> to vector<2000x512xi32>
    %convert_element_type3A_346 = arith.sitofp %convert_element_type3A_345 : vector<2000x512xi32> to vector<2000x512xf32>
    %get3A_347 = arith.constant 0 : index
    %get3A_348 = arith.constant 36000 : index
    %get3A_349 = vector.load %arg0[%get3A_347, %get3A_348] : memref<8x100000xf32, #tpu.memory_space<vmem>>, vector<8x2000xf32>
    %broadcast_in_dim3A_350 = arith.constant 1.000000e+00 : f32
    %broadcast_in_dim3A_351 = vector.broadcast %broadcast_in_dim3A_350 : f32 to vector<1x2000xf32>
    %concatenate3A_352 = tpu.concatenate %get3A_349, %broadcast_in_dim3A_351 in 0 : vector<8x2000xf32>, vector<1x2000xf32> -> vector<9x2000xf32>
    %dot_general3A_353 = arith.constant dense<0.000000e+00> : vector<9x512xf32>
    %dot_general3A_354 = tpu.matmul %concatenate3A_352, %convert_element_type3A_346, %dot_general3A_353 {dimension_numbers = #tpu.dot_dimension_numbers<[1], [0], [0], [1], [0, 0, 1, 1], [], []>, transpose_lhs_hint = false} : vector<9x2000xf32>, vector<2000x512xf32>, vector<9x512xf32> -> vector<9x512xf32>
    %add3A_355 = arith.addf %add3A_336, %dot_general3A_354 : vector<9x512xf32>
    %get3A_356 = arith.constant 0 : index
    %get3A_357 = arith.constant 38000 : index
    %get3A_358 = vector.load %arg1[%get3A_356, %get3A_357] : memref<1x100000xi32, #tpu.memory_space<vmem>>, vector<1x2000xi32>
    %get3A_359 = vector.shape_cast %get3A_358 : vector<1x2000xi32> to vector<2000xi32>
    %broadcast_in_dim3A_360 = vector.shape_cast %get3A_359 : vector<2000xi32> to vector<2000x1xi32>
    %eq3A_361 = vector.broadcast %broadcast_in_dim3A_360 : vector<2000x1xi32> to vector<2000x512xi32>
    %eq3A_362 = vector.broadcast %iota3A : vector<1x512xi32> to vector<2000x512xi32>
    %eq3A_363 = arith.cmpi eq, %eq3A_361, %eq3A_362 : vector<2000x512xi32>
    %convert_element_type3A_364 = arith.extui %eq3A_363 : vector<2000x512xi1> to vector<2000x512xi32>
    %convert_element_type3A_365 = arith.sitofp %convert_element_type3A_364 : vector<2000x512xi32> to vector<2000x512xf32>
    %get3A_366 = arith.constant 0 : index
    %get3A_367 = arith.constant 38000 : index
    %get3A_368 = vector.load %arg0[%get3A_366, %get3A_367] : memref<8x100000xf32, #tpu.memory_space<vmem>>, vector<8x2000xf32>
    %broadcast_in_dim3A_369 = arith.constant 1.000000e+00 : f32
    %broadcast_in_dim3A_370 = vector.broadcast %broadcast_in_dim3A_369 : f32 to vector<1x2000xf32>
    %concatenate3A_371 = tpu.concatenate %get3A_368, %broadcast_in_dim3A_370 in 0 : vector<8x2000xf32>, vector<1x2000xf32> -> vector<9x2000xf32>
    %dot_general3A_372 = arith.constant dense<0.000000e+00> : vector<9x512xf32>
    %dot_general3A_373 = tpu.matmul %concatenate3A_371, %convert_element_type3A_365, %dot_general3A_372 {dimension_numbers = #tpu.dot_dimension_numbers<[1], [0], [0], [1], [0, 0, 1, 1], [], []>, transpose_lhs_hint = false} : vector<9x2000xf32>, vector<2000x512xf32>, vector<9x512xf32> -> vector<9x512xf32>
    %add3A_374 = arith.addf %add3A_355, %dot_general3A_373 : vector<9x512xf32>
    %get3A_375 = arith.constant 0 : index
    %get3A_376 = arith.constant 40000 : index
    %get3A_377 = vector.load %arg1[%get3A_375, %get3A_376] : memref<1x100000xi32, #tpu.memory_space<vmem>>, vector<1x2000xi32>
    %get3A_378 = vector.shape_cast %get3A_377 : vector<1x2000xi32> to vector<2000xi32>
    %broadcast_in_dim3A_379 = vector.shape_cast %get3A_378 : vector<2000xi32> to vector<2000x1xi32>
    %eq3A_380 = vector.broadcast %broadcast_in_dim3A_379 : vector<2000x1xi32> to vector<2000x512xi32>
    %eq3A_381 = vector.broadcast %iota3A : vector<1x512xi32> to vector<2000x512xi32>
    %eq3A_382 = arith.cmpi eq, %eq3A_380, %eq3A_381 : vector<2000x512xi32>
    %convert_element_type3A_383 = arith.extui %eq3A_382 : vector<2000x512xi1> to vector<2000x512xi32>
    %convert_element_type3A_384 = arith.sitofp %convert_element_type3A_383 : vector<2000x512xi32> to vector<2000x512xf32>
    %get3A_385 = arith.constant 0 : index
    %get3A_386 = arith.constant 40000 : index
    %get3A_387 = vector.load %arg0[%get3A_385, %get3A_386] : memref<8x100000xf32, #tpu.memory_space<vmem>>, vector<8x2000xf32>
    %broadcast_in_dim3A_388 = arith.constant 1.000000e+00 : f32
    %broadcast_in_dim3A_389 = vector.broadcast %broadcast_in_dim3A_388 : f32 to vector<1x2000xf32>
    %concatenate3A_390 = tpu.concatenate %get3A_387, %broadcast_in_dim3A_389 in 0 : vector<8x2000xf32>, vector<1x2000xf32> -> vector<9x2000xf32>
    %dot_general3A_391 = arith.constant dense<0.000000e+00> : vector<9x512xf32>
    %dot_general3A_392 = tpu.matmul %concatenate3A_390, %convert_element_type3A_384, %dot_general3A_391 {dimension_numbers = #tpu.dot_dimension_numbers<[1], [0], [0], [1], [0, 0, 1, 1], [], []>, transpose_lhs_hint = false} : vector<9x2000xf32>, vector<2000x512xf32>, vector<9x512xf32> -> vector<9x512xf32>
    %add3A_393 = arith.addf %add3A_374, %dot_general3A_392 : vector<9x512xf32>
    %get3A_394 = arith.constant 0 : index
    %get3A_395 = arith.constant 42000 : index
    %get3A_396 = vector.load %arg1[%get3A_394, %get3A_395] : memref<1x100000xi32, #tpu.memory_space<vmem>>, vector<1x2000xi32>
    %get3A_397 = vector.shape_cast %get3A_396 : vector<1x2000xi32> to vector<2000xi32>
    %broadcast_in_dim3A_398 = vector.shape_cast %get3A_397 : vector<2000xi32> to vector<2000x1xi32>
    %eq3A_399 = vector.broadcast %broadcast_in_dim3A_398 : vector<2000x1xi32> to vector<2000x512xi32>
    %eq3A_400 = vector.broadcast %iota3A : vector<1x512xi32> to vector<2000x512xi32>
    %eq3A_401 = arith.cmpi eq, %eq3A_399, %eq3A_400 : vector<2000x512xi32>
    %convert_element_type3A_402 = arith.extui %eq3A_401 : vector<2000x512xi1> to vector<2000x512xi32>
    %convert_element_type3A_403 = arith.sitofp %convert_element_type3A_402 : vector<2000x512xi32> to vector<2000x512xf32>
    %get3A_404 = arith.constant 0 : index
    %get3A_405 = arith.constant 42000 : index
    %get3A_406 = vector.load %arg0[%get3A_404, %get3A_405] : memref<8x100000xf32, #tpu.memory_space<vmem>>, vector<8x2000xf32>
    %broadcast_in_dim3A_407 = arith.constant 1.000000e+00 : f32
    %broadcast_in_dim3A_408 = vector.broadcast %broadcast_in_dim3A_407 : f32 to vector<1x2000xf32>
    %concatenate3A_409 = tpu.concatenate %get3A_406, %broadcast_in_dim3A_408 in 0 : vector<8x2000xf32>, vector<1x2000xf32> -> vector<9x2000xf32>
    %dot_general3A_410 = arith.constant dense<0.000000e+00> : vector<9x512xf32>
    %dot_general3A_411 = tpu.matmul %concatenate3A_409, %convert_element_type3A_403, %dot_general3A_410 {dimension_numbers = #tpu.dot_dimension_numbers<[1], [0], [0], [1], [0, 0, 1, 1], [], []>, transpose_lhs_hint = false} : vector<9x2000xf32>, vector<2000x512xf32>, vector<9x512xf32> -> vector<9x512xf32>
    %add3A_412 = arith.addf %add3A_393, %dot_general3A_411 : vector<9x512xf32>
    %get3A_413 = arith.constant 0 : index
    %get3A_414 = arith.constant 44000 : index
    %get3A_415 = vector.load %arg1[%get3A_413, %get3A_414] : memref<1x100000xi32, #tpu.memory_space<vmem>>, vector<1x2000xi32>
    %get3A_416 = vector.shape_cast %get3A_415 : vector<1x2000xi32> to vector<2000xi32>
    %broadcast_in_dim3A_417 = vector.shape_cast %get3A_416 : vector<2000xi32> to vector<2000x1xi32>
    %eq3A_418 = vector.broadcast %broadcast_in_dim3A_417 : vector<2000x1xi32> to vector<2000x512xi32>
    %eq3A_419 = vector.broadcast %iota3A : vector<1x512xi32> to vector<2000x512xi32>
    %eq3A_420 = arith.cmpi eq, %eq3A_418, %eq3A_419 : vector<2000x512xi32>
    %convert_element_type3A_421 = arith.extui %eq3A_420 : vector<2000x512xi1> to vector<2000x512xi32>
    %convert_element_type3A_422 = arith.sitofp %convert_element_type3A_421 : vector<2000x512xi32> to vector<2000x512xf32>
    %get3A_423 = arith.constant 0 : index
    %get3A_424 = arith.constant 44000 : index
    %get3A_425 = vector.load %arg0[%get3A_423, %get3A_424] : memref<8x100000xf32, #tpu.memory_space<vmem>>, vector<8x2000xf32>
    %broadcast_in_dim3A_426 = arith.constant 1.000000e+00 : f32
    %broadcast_in_dim3A_427 = vector.broadcast %broadcast_in_dim3A_426 : f32 to vector<1x2000xf32>
    %concatenate3A_428 = tpu.concatenate %get3A_425, %broadcast_in_dim3A_427 in 0 : vector<8x2000xf32>, vector<1x2000xf32> -> vector<9x2000xf32>
    %dot_general3A_429 = arith.constant dense<0.000000e+00> : vector<9x512xf32>
    %dot_general3A_430 = tpu.matmul %concatenate3A_428, %convert_element_type3A_422, %dot_general3A_429 {dimension_numbers = #tpu.dot_dimension_numbers<[1], [0], [0], [1], [0, 0, 1, 1], [], []>, transpose_lhs_hint = false} : vector<9x2000xf32>, vector<2000x512xf32>, vector<9x512xf32> -> vector<9x512xf32>
    %add3A_431 = arith.addf %add3A_412, %dot_general3A_430 : vector<9x512xf32>
    %get3A_432 = arith.constant 0 : index
    %get3A_433 = arith.constant 46000 : index
    %get3A_434 = vector.load %arg1[%get3A_432, %get3A_433] : memref<1x100000xi32, #tpu.memory_space<vmem>>, vector<1x2000xi32>
    %get3A_435 = vector.shape_cast %get3A_434 : vector<1x2000xi32> to vector<2000xi32>
    %broadcast_in_dim3A_436 = vector.shape_cast %get3A_435 : vector<2000xi32> to vector<2000x1xi32>
    %eq3A_437 = vector.broadcast %broadcast_in_dim3A_436 : vector<2000x1xi32> to vector<2000x512xi32>
    %eq3A_438 = vector.broadcast %iota3A : vector<1x512xi32> to vector<2000x512xi32>
    %eq3A_439 = arith.cmpi eq, %eq3A_437, %eq3A_438 : vector<2000x512xi32>
    %convert_element_type3A_440 = arith.extui %eq3A_439 : vector<2000x512xi1> to vector<2000x512xi32>
    %convert_element_type3A_441 = arith.sitofp %convert_element_type3A_440 : vector<2000x512xi32> to vector<2000x512xf32>
    %get3A_442 = arith.constant 0 : index
    %get3A_443 = arith.constant 46000 : index
    %get3A_444 = vector.load %arg0[%get3A_442, %get3A_443] : memref<8x100000xf32, #tpu.memory_space<vmem>>, vector<8x2000xf32>
    %broadcast_in_dim3A_445 = arith.constant 1.000000e+00 : f32
    %broadcast_in_dim3A_446 = vector.broadcast %broadcast_in_dim3A_445 : f32 to vector<1x2000xf32>
    %concatenate3A_447 = tpu.concatenate %get3A_444, %broadcast_in_dim3A_446 in 0 : vector<8x2000xf32>, vector<1x2000xf32> -> vector<9x2000xf32>
    %dot_general3A_448 = arith.constant dense<0.000000e+00> : vector<9x512xf32>
    %dot_general3A_449 = tpu.matmul %concatenate3A_447, %convert_element_type3A_441, %dot_general3A_448 {dimension_numbers = #tpu.dot_dimension_numbers<[1], [0], [0], [1], [0, 0, 1, 1], [], []>, transpose_lhs_hint = false} : vector<9x2000xf32>, vector<2000x512xf32>, vector<9x512xf32> -> vector<9x512xf32>
    %add3A_450 = arith.addf %add3A_431, %dot_general3A_449 : vector<9x512xf32>
    %get3A_451 = arith.constant 0 : index
    %get3A_452 = arith.constant 48000 : index
    %get3A_453 = vector.load %arg1[%get3A_451, %get3A_452] : memref<1x100000xi32, #tpu.memory_space<vmem>>, vector<1x2000xi32>
    %get3A_454 = vector.shape_cast %get3A_453 : vector<1x2000xi32> to vector<2000xi32>
    %broadcast_in_dim3A_455 = vector.shape_cast %get3A_454 : vector<2000xi32> to vector<2000x1xi32>
    %eq3A_456 = vector.broadcast %broadcast_in_dim3A_455 : vector<2000x1xi32> to vector<2000x512xi32>
    %eq3A_457 = vector.broadcast %iota3A : vector<1x512xi32> to vector<2000x512xi32>
    %eq3A_458 = arith.cmpi eq, %eq3A_456, %eq3A_457 : vector<2000x512xi32>
    %convert_element_type3A_459 = arith.extui %eq3A_458 : vector<2000x512xi1> to vector<2000x512xi32>
    %convert_element_type3A_460 = arith.sitofp %convert_element_type3A_459 : vector<2000x512xi32> to vector<2000x512xf32>
    %get3A_461 = arith.constant 0 : index
    %get3A_462 = arith.constant 48000 : index
    %get3A_463 = vector.load %arg0[%get3A_461, %get3A_462] : memref<8x100000xf32, #tpu.memory_space<vmem>>, vector<8x2000xf32>
    %broadcast_in_dim3A_464 = arith.constant 1.000000e+00 : f32
    %broadcast_in_dim3A_465 = vector.broadcast %broadcast_in_dim3A_464 : f32 to vector<1x2000xf32>
    %concatenate3A_466 = tpu.concatenate %get3A_463, %broadcast_in_dim3A_465 in 0 : vector<8x2000xf32>, vector<1x2000xf32> -> vector<9x2000xf32>
    %dot_general3A_467 = arith.constant dense<0.000000e+00> : vector<9x512xf32>
    %dot_general3A_468 = tpu.matmul %concatenate3A_466, %convert_element_type3A_460, %dot_general3A_467 {dimension_numbers = #tpu.dot_dimension_numbers<[1], [0], [0], [1], [0, 0, 1, 1], [], []>, transpose_lhs_hint = false} : vector<9x2000xf32>, vector<2000x512xf32>, vector<9x512xf32> -> vector<9x512xf32>
    %add3A_469 = arith.addf %add3A_450, %dot_general3A_468 : vector<9x512xf32>
    %get3A_470 = arith.constant 0 : index
    %get3A_471 = arith.constant 50000 : index
    %get3A_472 = vector.load %arg1[%get3A_470, %get3A_471] : memref<1x100000xi32, #tpu.memory_space<vmem>>, vector<1x2000xi32>
    %get3A_473 = vector.shape_cast %get3A_472 : vector<1x2000xi32> to vector<2000xi32>
    %broadcast_in_dim3A_474 = vector.shape_cast %get3A_473 : vector<2000xi32> to vector<2000x1xi32>
    %eq3A_475 = vector.broadcast %broadcast_in_dim3A_474 : vector<2000x1xi32> to vector<2000x512xi32>
    %eq3A_476 = vector.broadcast %iota3A : vector<1x512xi32> to vector<2000x512xi32>
    %eq3A_477 = arith.cmpi eq, %eq3A_475, %eq3A_476 : vector<2000x512xi32>
    %convert_element_type3A_478 = arith.extui %eq3A_477 : vector<2000x512xi1> to vector<2000x512xi32>
    %convert_element_type3A_479 = arith.sitofp %convert_element_type3A_478 : vector<2000x512xi32> to vector<2000x512xf32>
    %get3A_480 = arith.constant 0 : index
    %get3A_481 = arith.constant 50000 : index
    %get3A_482 = vector.load %arg0[%get3A_480, %get3A_481] : memref<8x100000xf32, #tpu.memory_space<vmem>>, vector<8x2000xf32>
    %broadcast_in_dim3A_483 = arith.constant 1.000000e+00 : f32
    %broadcast_in_dim3A_484 = vector.broadcast %broadcast_in_dim3A_483 : f32 to vector<1x2000xf32>
    %concatenate3A_485 = tpu.concatenate %get3A_482, %broadcast_in_dim3A_484 in 0 : vector<8x2000xf32>, vector<1x2000xf32> -> vector<9x2000xf32>
    %dot_general3A_486 = arith.constant dense<0.000000e+00> : vector<9x512xf32>
    %dot_general3A_487 = tpu.matmul %concatenate3A_485, %convert_element_type3A_479, %dot_general3A_486 {dimension_numbers = #tpu.dot_dimension_numbers<[1], [0], [0], [1], [0, 0, 1, 1], [], []>, transpose_lhs_hint = false} : vector<9x2000xf32>, vector<2000x512xf32>, vector<9x512xf32> -> vector<9x512xf32>
    %add3A_488 = arith.addf %add3A_469, %dot_general3A_487 : vector<9x512xf32>
    %get3A_489 = arith.constant 0 : index
    %get3A_490 = arith.constant 52000 : index
    %get3A_491 = vector.load %arg1[%get3A_489, %get3A_490] : memref<1x100000xi32, #tpu.memory_space<vmem>>, vector<1x2000xi32>
    %get3A_492 = vector.shape_cast %get3A_491 : vector<1x2000xi32> to vector<2000xi32>
    %broadcast_in_dim3A_493 = vector.shape_cast %get3A_492 : vector<2000xi32> to vector<2000x1xi32>
    %eq3A_494 = vector.broadcast %broadcast_in_dim3A_493 : vector<2000x1xi32> to vector<2000x512xi32>
    %eq3A_495 = vector.broadcast %iota3A : vector<1x512xi32> to vector<2000x512xi32>
    %eq3A_496 = arith.cmpi eq, %eq3A_494, %eq3A_495 : vector<2000x512xi32>
    %convert_element_type3A_497 = arith.extui %eq3A_496 : vector<2000x512xi1> to vector<2000x512xi32>
    %convert_element_type3A_498 = arith.sitofp %convert_element_type3A_497 : vector<2000x512xi32> to vector<2000x512xf32>
    %get3A_499 = arith.constant 0 : index
    %get3A_500 = arith.constant 52000 : index
    %get3A_501 = vector.load %arg0[%get3A_499, %get3A_500] : memref<8x100000xf32, #tpu.memory_space<vmem>>, vector<8x2000xf32>
    %broadcast_in_dim3A_502 = arith.constant 1.000000e+00 : f32
    %broadcast_in_dim3A_503 = vector.broadcast %broadcast_in_dim3A_502 : f32 to vector<1x2000xf32>
    %concatenate3A_504 = tpu.concatenate %get3A_501, %broadcast_in_dim3A_503 in 0 : vector<8x2000xf32>, vector<1x2000xf32> -> vector<9x2000xf32>
    %dot_general3A_505 = arith.constant dense<0.000000e+00> : vector<9x512xf32>
    %dot_general3A_506 = tpu.matmul %concatenate3A_504, %convert_element_type3A_498, %dot_general3A_505 {dimension_numbers = #tpu.dot_dimension_numbers<[1], [0], [0], [1], [0, 0, 1, 1], [], []>, transpose_lhs_hint = false} : vector<9x2000xf32>, vector<2000x512xf32>, vector<9x512xf32> -> vector<9x512xf32>
    %add3A_507 = arith.addf %add3A_488, %dot_general3A_506 : vector<9x512xf32>
    %get3A_508 = arith.constant 0 : index
    %get3A_509 = arith.constant 54000 : index
    %get3A_510 = vector.load %arg1[%get3A_508, %get3A_509] : memref<1x100000xi32, #tpu.memory_space<vmem>>, vector<1x2000xi32>
    %get3A_511 = vector.shape_cast %get3A_510 : vector<1x2000xi32> to vector<2000xi32>
    %broadcast_in_dim3A_512 = vector.shape_cast %get3A_511 : vector<2000xi32> to vector<2000x1xi32>
    %eq3A_513 = vector.broadcast %broadcast_in_dim3A_512 : vector<2000x1xi32> to vector<2000x512xi32>
    %eq3A_514 = vector.broadcast %iota3A : vector<1x512xi32> to vector<2000x512xi32>
    %eq3A_515 = arith.cmpi eq, %eq3A_513, %eq3A_514 : vector<2000x512xi32>
    %convert_element_type3A_516 = arith.extui %eq3A_515 : vector<2000x512xi1> to vector<2000x512xi32>
    %convert_element_type3A_517 = arith.sitofp %convert_element_type3A_516 : vector<2000x512xi32> to vector<2000x512xf32>
    %get3A_518 = arith.constant 0 : index
    %get3A_519 = arith.constant 54000 : index
    %get3A_520 = vector.load %arg0[%get3A_518, %get3A_519] : memref<8x100000xf32, #tpu.memory_space<vmem>>, vector<8x2000xf32>
    %broadcast_in_dim3A_521 = arith.constant 1.000000e+00 : f32
    %broadcast_in_dim3A_522 = vector.broadcast %broadcast_in_dim3A_521 : f32 to vector<1x2000xf32>
    %concatenate3A_523 = tpu.concatenate %get3A_520, %broadcast_in_dim3A_522 in 0 : vector<8x2000xf32>, vector<1x2000xf32> -> vector<9x2000xf32>
    %dot_general3A_524 = arith.constant dense<0.000000e+00> : vector<9x512xf32>
    %dot_general3A_525 = tpu.matmul %concatenate3A_523, %convert_element_type3A_517, %dot_general3A_524 {dimension_numbers = #tpu.dot_dimension_numbers<[1], [0], [0], [1], [0, 0, 1, 1], [], []>, transpose_lhs_hint = false} : vector<9x2000xf32>, vector<2000x512xf32>, vector<9x512xf32> -> vector<9x512xf32>
    %add3A_526 = arith.addf %add3A_507, %dot_general3A_525 : vector<9x512xf32>
    %get3A_527 = arith.constant 0 : index
    %get3A_528 = arith.constant 56000 : index
    %get3A_529 = vector.load %arg1[%get3A_527, %get3A_528] : memref<1x100000xi32, #tpu.memory_space<vmem>>, vector<1x2000xi32>
    %get3A_530 = vector.shape_cast %get3A_529 : vector<1x2000xi32> to vector<2000xi32>
    %broadcast_in_dim3A_531 = vector.shape_cast %get3A_530 : vector<2000xi32> to vector<2000x1xi32>
    %eq3A_532 = vector.broadcast %broadcast_in_dim3A_531 : vector<2000x1xi32> to vector<2000x512xi32>
    %eq3A_533 = vector.broadcast %iota3A : vector<1x512xi32> to vector<2000x512xi32>
    %eq3A_534 = arith.cmpi eq, %eq3A_532, %eq3A_533 : vector<2000x512xi32>
    %convert_element_type3A_535 = arith.extui %eq3A_534 : vector<2000x512xi1> to vector<2000x512xi32>
    %convert_element_type3A_536 = arith.sitofp %convert_element_type3A_535 : vector<2000x512xi32> to vector<2000x512xf32>
    %get3A_537 = arith.constant 0 : index
    %get3A_538 = arith.constant 56000 : index
    %get3A_539 = vector.load %arg0[%get3A_537, %get3A_538] : memref<8x100000xf32, #tpu.memory_space<vmem>>, vector<8x2000xf32>
    %broadcast_in_dim3A_540 = arith.constant 1.000000e+00 : f32
    %broadcast_in_dim3A_541 = vector.broadcast %broadcast_in_dim3A_540 : f32 to vector<1x2000xf32>
    %concatenate3A_542 = tpu.concatenate %get3A_539, %broadcast_in_dim3A_541 in 0 : vector<8x2000xf32>, vector<1x2000xf32> -> vector<9x2000xf32>
    %dot_general3A_543 = arith.constant dense<0.000000e+00> : vector<9x512xf32>
    %dot_general3A_544 = tpu.matmul %concatenate3A_542, %convert_element_type3A_536, %dot_general3A_543 {dimension_numbers = #tpu.dot_dimension_numbers<[1], [0], [0], [1], [0, 0, 1, 1], [], []>, transpose_lhs_hint = false} : vector<9x2000xf32>, vector<2000x512xf32>, vector<9x512xf32> -> vector<9x512xf32>
    %add3A_545 = arith.addf %add3A_526, %dot_general3A_544 : vector<9x512xf32>
    %get3A_546 = arith.constant 0 : index
    %get3A_547 = arith.constant 58000 : index
    %get3A_548 = vector.load %arg1[%get3A_546, %get3A_547] : memref<1x100000xi32, #tpu.memory_space<vmem>>, vector<1x2000xi32>
    %get3A_549 = vector.shape_cast %get3A_548 : vector<1x2000xi32> to vector<2000xi32>
    %broadcast_in_dim3A_550 = vector.shape_cast %get3A_549 : vector<2000xi32> to vector<2000x1xi32>
    %eq3A_551 = vector.broadcast %broadcast_in_dim3A_550 : vector<2000x1xi32> to vector<2000x512xi32>
    %eq3A_552 = vector.broadcast %iota3A : vector<1x512xi32> to vector<2000x512xi32>
    %eq3A_553 = arith.cmpi eq, %eq3A_551, %eq3A_552 : vector<2000x512xi32>
    %convert_element_type3A_554 = arith.extui %eq3A_553 : vector<2000x512xi1> to vector<2000x512xi32>
    %convert_element_type3A_555 = arith.sitofp %convert_element_type3A_554 : vector<2000x512xi32> to vector<2000x512xf32>
    %get3A_556 = arith.constant 0 : index
    %get3A_557 = arith.constant 58000 : index
    %get3A_558 = vector.load %arg0[%get3A_556, %get3A_557] : memref<8x100000xf32, #tpu.memory_space<vmem>>, vector<8x2000xf32>
    %broadcast_in_dim3A_559 = arith.constant 1.000000e+00 : f32
    %broadcast_in_dim3A_560 = vector.broadcast %broadcast_in_dim3A_559 : f32 to vector<1x2000xf32>
    %concatenate3A_561 = tpu.concatenate %get3A_558, %broadcast_in_dim3A_560 in 0 : vector<8x2000xf32>, vector<1x2000xf32> -> vector<9x2000xf32>
    %dot_general3A_562 = arith.constant dense<0.000000e+00> : vector<9x512xf32>
    %dot_general3A_563 = tpu.matmul %concatenate3A_561, %convert_element_type3A_555, %dot_general3A_562 {dimension_numbers = #tpu.dot_dimension_numbers<[1], [0], [0], [1], [0, 0, 1, 1], [], []>, transpose_lhs_hint = false} : vector<9x2000xf32>, vector<2000x512xf32>, vector<9x512xf32> -> vector<9x512xf32>
    %add3A_564 = arith.addf %add3A_545, %dot_general3A_563 : vector<9x512xf32>
    %get3A_565 = arith.constant 0 : index
    %get3A_566 = arith.constant 60000 : index
    %get3A_567 = vector.load %arg1[%get3A_565, %get3A_566] : memref<1x100000xi32, #tpu.memory_space<vmem>>, vector<1x2000xi32>
    %get3A_568 = vector.shape_cast %get3A_567 : vector<1x2000xi32> to vector<2000xi32>
    %broadcast_in_dim3A_569 = vector.shape_cast %get3A_568 : vector<2000xi32> to vector<2000x1xi32>
    %eq3A_570 = vector.broadcast %broadcast_in_dim3A_569 : vector<2000x1xi32> to vector<2000x512xi32>
    %eq3A_571 = vector.broadcast %iota3A : vector<1x512xi32> to vector<2000x512xi32>
    %eq3A_572 = arith.cmpi eq, %eq3A_570, %eq3A_571 : vector<2000x512xi32>
    %convert_element_type3A_573 = arith.extui %eq3A_572 : vector<2000x512xi1> to vector<2000x512xi32>
    %convert_element_type3A_574 = arith.sitofp %convert_element_type3A_573 : vector<2000x512xi32> to vector<2000x512xf32>
    %get3A_575 = arith.constant 0 : index
    %get3A_576 = arith.constant 60000 : index
    %get3A_577 = vector.load %arg0[%get3A_575, %get3A_576] : memref<8x100000xf32, #tpu.memory_space<vmem>>, vector<8x2000xf32>
    %broadcast_in_dim3A_578 = arith.constant 1.000000e+00 : f32
    %broadcast_in_dim3A_579 = vector.broadcast %broadcast_in_dim3A_578 : f32 to vector<1x2000xf32>
    %concatenate3A_580 = tpu.concatenate %get3A_577, %broadcast_in_dim3A_579 in 0 : vector<8x2000xf32>, vector<1x2000xf32> -> vector<9x2000xf32>
    %dot_general3A_581 = arith.constant dense<0.000000e+00> : vector<9x512xf32>
    %dot_general3A_582 = tpu.matmul %concatenate3A_580, %convert_element_type3A_574, %dot_general3A_581 {dimension_numbers = #tpu.dot_dimension_numbers<[1], [0], [0], [1], [0, 0, 1, 1], [], []>, transpose_lhs_hint = false} : vector<9x2000xf32>, vector<2000x512xf32>, vector<9x512xf32> -> vector<9x512xf32>
    %add3A_583 = arith.addf %add3A_564, %dot_general3A_582 : vector<9x512xf32>
    %get3A_584 = arith.constant 0 : index
    %get3A_585 = arith.constant 62000 : index
    %get3A_586 = vector.load %arg1[%get3A_584, %get3A_585] : memref<1x100000xi32, #tpu.memory_space<vmem>>, vector<1x2000xi32>
    %get3A_587 = vector.shape_cast %get3A_586 : vector<1x2000xi32> to vector<2000xi32>
    %broadcast_in_dim3A_588 = vector.shape_cast %get3A_587 : vector<2000xi32> to vector<2000x1xi32>
    %eq3A_589 = vector.broadcast %broadcast_in_dim3A_588 : vector<2000x1xi32> to vector<2000x512xi32>
    %eq3A_590 = vector.broadcast %iota3A : vector<1x512xi32> to vector<2000x512xi32>
    %eq3A_591 = arith.cmpi eq, %eq3A_589, %eq3A_590 : vector<2000x512xi32>
    %convert_element_type3A_592 = arith.extui %eq3A_591 : vector<2000x512xi1> to vector<2000x512xi32>
    %convert_element_type3A_593 = arith.sitofp %convert_element_type3A_592 : vector<2000x512xi32> to vector<2000x512xf32>
    %get3A_594 = arith.constant 0 : index
    %get3A_595 = arith.constant 62000 : index
    %get3A_596 = vector.load %arg0[%get3A_594, %get3A_595] : memref<8x100000xf32, #tpu.memory_space<vmem>>, vector<8x2000xf32>
    %broadcast_in_dim3A_597 = arith.constant 1.000000e+00 : f32
    %broadcast_in_dim3A_598 = vector.broadcast %broadcast_in_dim3A_597 : f32 to vector<1x2000xf32>
    %concatenate3A_599 = tpu.concatenate %get3A_596, %broadcast_in_dim3A_598 in 0 : vector<8x2000xf32>, vector<1x2000xf32> -> vector<9x2000xf32>
    %dot_general3A_600 = arith.constant dense<0.000000e+00> : vector<9x512xf32>
    %dot_general3A_601 = tpu.matmul %concatenate3A_599, %convert_element_type3A_593, %dot_general3A_600 {dimension_numbers = #tpu.dot_dimension_numbers<[1], [0], [0], [1], [0, 0, 1, 1], [], []>, transpose_lhs_hint = false} : vector<9x2000xf32>, vector<2000x512xf32>, vector<9x512xf32> -> vector<9x512xf32>
    %add3A_602 = arith.addf %add3A_583, %dot_general3A_601 : vector<9x512xf32>
    %get3A_603 = arith.constant 0 : index
    %get3A_604 = arith.constant 64000 : index
    %get3A_605 = vector.load %arg1[%get3A_603, %get3A_604] : memref<1x100000xi32, #tpu.memory_space<vmem>>, vector<1x2000xi32>
    %get3A_606 = vector.shape_cast %get3A_605 : vector<1x2000xi32> to vector<2000xi32>
    %broadcast_in_dim3A_607 = vector.shape_cast %get3A_606 : vector<2000xi32> to vector<2000x1xi32>
    %eq3A_608 = vector.broadcast %broadcast_in_dim3A_607 : vector<2000x1xi32> to vector<2000x512xi32>
    %eq3A_609 = vector.broadcast %iota3A : vector<1x512xi32> to vector<2000x512xi32>
    %eq3A_610 = arith.cmpi eq, %eq3A_608, %eq3A_609 : vector<2000x512xi32>
    %convert_element_type3A_611 = arith.extui %eq3A_610 : vector<2000x512xi1> to vector<2000x512xi32>
    %convert_element_type3A_612 = arith.sitofp %convert_element_type3A_611 : vector<2000x512xi32> to vector<2000x512xf32>
    %get3A_613 = arith.constant 0 : index
    %get3A_614 = arith.constant 64000 : index
    %get3A_615 = vector.load %arg0[%get3A_613, %get3A_614] : memref<8x100000xf32, #tpu.memory_space<vmem>>, vector<8x2000xf32>
    %broadcast_in_dim3A_616 = arith.constant 1.000000e+00 : f32
    %broadcast_in_dim3A_617 = vector.broadcast %broadcast_in_dim3A_616 : f32 to vector<1x2000xf32>
    %concatenate3A_618 = tpu.concatenate %get3A_615, %broadcast_in_dim3A_617 in 0 : vector<8x2000xf32>, vector<1x2000xf32> -> vector<9x2000xf32>
    %dot_general3A_619 = arith.constant dense<0.000000e+00> : vector<9x512xf32>
    %dot_general3A_620 = tpu.matmul %concatenate3A_618, %convert_element_type3A_612, %dot_general3A_619 {dimension_numbers = #tpu.dot_dimension_numbers<[1], [0], [0], [1], [0, 0, 1, 1], [], []>, transpose_lhs_hint = false} : vector<9x2000xf32>, vector<2000x512xf32>, vector<9x512xf32> -> vector<9x512xf32>
    %add3A_621 = arith.addf %add3A_602, %dot_general3A_620 : vector<9x512xf32>
    %get3A_622 = arith.constant 0 : index
    %get3A_623 = arith.constant 66000 : index
    %get3A_624 = vector.load %arg1[%get3A_622, %get3A_623] : memref<1x100000xi32, #tpu.memory_space<vmem>>, vector<1x2000xi32>
    %get3A_625 = vector.shape_cast %get3A_624 : vector<1x2000xi32> to vector<2000xi32>
    %broadcast_in_dim3A_626 = vector.shape_cast %get3A_625 : vector<2000xi32> to vector<2000x1xi32>
    %eq3A_627 = vector.broadcast %broadcast_in_dim3A_626 : vector<2000x1xi32> to vector<2000x512xi32>
    %eq3A_628 = vector.broadcast %iota3A : vector<1x512xi32> to vector<2000x512xi32>
    %eq3A_629 = arith.cmpi eq, %eq3A_627, %eq3A_628 : vector<2000x512xi32>
    %convert_element_type3A_630 = arith.extui %eq3A_629 : vector<2000x512xi1> to vector<2000x512xi32>
    %convert_element_type3A_631 = arith.sitofp %convert_element_type3A_630 : vector<2000x512xi32> to vector<2000x512xf32>
    %get3A_632 = arith.constant 0 : index
    %get3A_633 = arith.constant 66000 : index
    %get3A_634 = vector.load %arg0[%get3A_632, %get3A_633] : memref<8x100000xf32, #tpu.memory_space<vmem>>, vector<8x2000xf32>
    %broadcast_in_dim3A_635 = arith.constant 1.000000e+00 : f32
    %broadcast_in_dim3A_636 = vector.broadcast %broadcast_in_dim3A_635 : f32 to vector<1x2000xf32>
    %concatenate3A_637 = tpu.concatenate %get3A_634, %broadcast_in_dim3A_636 in 0 : vector<8x2000xf32>, vector<1x2000xf32> -> vector<9x2000xf32>
    %dot_general3A_638 = arith.constant dense<0.000000e+00> : vector<9x512xf32>
    %dot_general3A_639 = tpu.matmul %concatenate3A_637, %convert_element_type3A_631, %dot_general3A_638 {dimension_numbers = #tpu.dot_dimension_numbers<[1], [0], [0], [1], [0, 0, 1, 1], [], []>, transpose_lhs_hint = false} : vector<9x2000xf32>, vector<2000x512xf32>, vector<9x512xf32> -> vector<9x512xf32>
    %add3A_640 = arith.addf %add3A_621, %dot_general3A_639 : vector<9x512xf32>
    %get3A_641 = arith.constant 0 : index
    %get3A_642 = arith.constant 68000 : index
    %get3A_643 = vector.load %arg1[%get3A_641, %get3A_642] : memref<1x100000xi32, #tpu.memory_space<vmem>>, vector<1x2000xi32>
    %get3A_644 = vector.shape_cast %get3A_643 : vector<1x2000xi32> to vector<2000xi32>
    %broadcast_in_dim3A_645 = vector.shape_cast %get3A_644 : vector<2000xi32> to vector<2000x1xi32>
    %eq3A_646 = vector.broadcast %broadcast_in_dim3A_645 : vector<2000x1xi32> to vector<2000x512xi32>
    %eq3A_647 = vector.broadcast %iota3A : vector<1x512xi32> to vector<2000x512xi32>
    %eq3A_648 = arith.cmpi eq, %eq3A_646, %eq3A_647 : vector<2000x512xi32>
    %convert_element_type3A_649 = arith.extui %eq3A_648 : vector<2000x512xi1> to vector<2000x512xi32>
    %convert_element_type3A_650 = arith.sitofp %convert_element_type3A_649 : vector<2000x512xi32> to vector<2000x512xf32>
    %get3A_651 = arith.constant 0 : index
    %get3A_652 = arith.constant 68000 : index
    %get3A_653 = vector.load %arg0[%get3A_651, %get3A_652] : memref<8x100000xf32, #tpu.memory_space<vmem>>, vector<8x2000xf32>
    %broadcast_in_dim3A_654 = arith.constant 1.000000e+00 : f32
    %broadcast_in_dim3A_655 = vector.broadcast %broadcast_in_dim3A_654 : f32 to vector<1x2000xf32>
    %concatenate3A_656 = tpu.concatenate %get3A_653, %broadcast_in_dim3A_655 in 0 : vector<8x2000xf32>, vector<1x2000xf32> -> vector<9x2000xf32>
    %dot_general3A_657 = arith.constant dense<0.000000e+00> : vector<9x512xf32>
    %dot_general3A_658 = tpu.matmul %concatenate3A_656, %convert_element_type3A_650, %dot_general3A_657 {dimension_numbers = #tpu.dot_dimension_numbers<[1], [0], [0], [1], [0, 0, 1, 1], [], []>, transpose_lhs_hint = false} : vector<9x2000xf32>, vector<2000x512xf32>, vector<9x512xf32> -> vector<9x512xf32>
    %add3A_659 = arith.addf %add3A_640, %dot_general3A_658 : vector<9x512xf32>
    %get3A_660 = arith.constant 0 : index
    %get3A_661 = arith.constant 70000 : index
    %get3A_662 = vector.load %arg1[%get3A_660, %get3A_661] : memref<1x100000xi32, #tpu.memory_space<vmem>>, vector<1x2000xi32>
    %get3A_663 = vector.shape_cast %get3A_662 : vector<1x2000xi32> to vector<2000xi32>
    %broadcast_in_dim3A_664 = vector.shape_cast %get3A_663 : vector<2000xi32> to vector<2000x1xi32>
    %eq3A_665 = vector.broadcast %broadcast_in_dim3A_664 : vector<2000x1xi32> to vector<2000x512xi32>
    %eq3A_666 = vector.broadcast %iota3A : vector<1x512xi32> to vector<2000x512xi32>
    %eq3A_667 = arith.cmpi eq, %eq3A_665, %eq3A_666 : vector<2000x512xi32>
    %convert_element_type3A_668 = arith.extui %eq3A_667 : vector<2000x512xi1> to vector<2000x512xi32>
    %convert_element_type3A_669 = arith.sitofp %convert_element_type3A_668 : vector<2000x512xi32> to vector<2000x512xf32>
    %get3A_670 = arith.constant 0 : index
    %get3A_671 = arith.constant 70000 : index
    %get3A_672 = vector.load %arg0[%get3A_670, %get3A_671] : memref<8x100000xf32, #tpu.memory_space<vmem>>, vector<8x2000xf32>
    %broadcast_in_dim3A_673 = arith.constant 1.000000e+00 : f32
    %broadcast_in_dim3A_674 = vector.broadcast %broadcast_in_dim3A_673 : f32 to vector<1x2000xf32>
    %concatenate3A_675 = tpu.concatenate %get3A_672, %broadcast_in_dim3A_674 in 0 : vector<8x2000xf32>, vector<1x2000xf32> -> vector<9x2000xf32>
    %dot_general3A_676 = arith.constant dense<0.000000e+00> : vector<9x512xf32>
    %dot_general3A_677 = tpu.matmul %concatenate3A_675, %convert_element_type3A_669, %dot_general3A_676 {dimension_numbers = #tpu.dot_dimension_numbers<[1], [0], [0], [1], [0, 0, 1, 1], [], []>, transpose_lhs_hint = false} : vector<9x2000xf32>, vector<2000x512xf32>, vector<9x512xf32> -> vector<9x512xf32>
    %add3A_678 = arith.addf %add3A_659, %dot_general3A_677 : vector<9x512xf32>
    %get3A_679 = arith.constant 0 : index
    %get3A_680 = arith.constant 72000 : index
    %get3A_681 = vector.load %arg1[%get3A_679, %get3A_680] : memref<1x100000xi32, #tpu.memory_space<vmem>>, vector<1x2000xi32>
    %get3A_682 = vector.shape_cast %get3A_681 : vector<1x2000xi32> to vector<2000xi32>
    %broadcast_in_dim3A_683 = vector.shape_cast %get3A_682 : vector<2000xi32> to vector<2000x1xi32>
    %eq3A_684 = vector.broadcast %broadcast_in_dim3A_683 : vector<2000x1xi32> to vector<2000x512xi32>
    %eq3A_685 = vector.broadcast %iota3A : vector<1x512xi32> to vector<2000x512xi32>
    %eq3A_686 = arith.cmpi eq, %eq3A_684, %eq3A_685 : vector<2000x512xi32>
    %convert_element_type3A_687 = arith.extui %eq3A_686 : vector<2000x512xi1> to vector<2000x512xi32>
    %convert_element_type3A_688 = arith.sitofp %convert_element_type3A_687 : vector<2000x512xi32> to vector<2000x512xf32>
    %get3A_689 = arith.constant 0 : index
    %get3A_690 = arith.constant 72000 : index
    %get3A_691 = vector.load %arg0[%get3A_689, %get3A_690] : memref<8x100000xf32, #tpu.memory_space<vmem>>, vector<8x2000xf32>
    %broadcast_in_dim3A_692 = arith.constant 1.000000e+00 : f32
    %broadcast_in_dim3A_693 = vector.broadcast %broadcast_in_dim3A_692 : f32 to vector<1x2000xf32>
    %concatenate3A_694 = tpu.concatenate %get3A_691, %broadcast_in_dim3A_693 in 0 : vector<8x2000xf32>, vector<1x2000xf32> -> vector<9x2000xf32>
    %dot_general3A_695 = arith.constant dense<0.000000e+00> : vector<9x512xf32>
    %dot_general3A_696 = tpu.matmul %concatenate3A_694, %convert_element_type3A_688, %dot_general3A_695 {dimension_numbers = #tpu.dot_dimension_numbers<[1], [0], [0], [1], [0, 0, 1, 1], [], []>, transpose_lhs_hint = false} : vector<9x2000xf32>, vector<2000x512xf32>, vector<9x512xf32> -> vector<9x512xf32>
    %add3A_697 = arith.addf %add3A_678, %dot_general3A_696 : vector<9x512xf32>
    %get3A_698 = arith.constant 0 : index
    %get3A_699 = arith.constant 74000 : index
    %get3A_700 = vector.load %arg1[%get3A_698, %get3A_699] : memref<1x100000xi32, #tpu.memory_space<vmem>>, vector<1x2000xi32>
    %get3A_701 = vector.shape_cast %get3A_700 : vector<1x2000xi32> to vector<2000xi32>
    %broadcast_in_dim3A_702 = vector.shape_cast %get3A_701 : vector<2000xi32> to vector<2000x1xi32>
    %eq3A_703 = vector.broadcast %broadcast_in_dim3A_702 : vector<2000x1xi32> to vector<2000x512xi32>
    %eq3A_704 = vector.broadcast %iota3A : vector<1x512xi32> to vector<2000x512xi32>
    %eq3A_705 = arith.cmpi eq, %eq3A_703, %eq3A_704 : vector<2000x512xi32>
    %convert_element_type3A_706 = arith.extui %eq3A_705 : vector<2000x512xi1> to vector<2000x512xi32>
    %convert_element_type3A_707 = arith.sitofp %convert_element_type3A_706 : vector<2000x512xi32> to vector<2000x512xf32>
    %get3A_708 = arith.constant 0 : index
    %get3A_709 = arith.constant 74000 : index
    %get3A_710 = vector.load %arg0[%get3A_708, %get3A_709] : memref<8x100000xf32, #tpu.memory_space<vmem>>, vector<8x2000xf32>
    %broadcast_in_dim3A_711 = arith.constant 1.000000e+00 : f32
    %broadcast_in_dim3A_712 = vector.broadcast %broadcast_in_dim3A_711 : f32 to vector<1x2000xf32>
    %concatenate3A_713 = tpu.concatenate %get3A_710, %broadcast_in_dim3A_712 in 0 : vector<8x2000xf32>, vector<1x2000xf32> -> vector<9x2000xf32>
    %dot_general3A_714 = arith.constant dense<0.000000e+00> : vector<9x512xf32>
    %dot_general3A_715 = tpu.matmul %concatenate3A_713, %convert_element_type3A_707, %dot_general3A_714 {dimension_numbers = #tpu.dot_dimension_numbers<[1], [0], [0], [1], [0, 0, 1, 1], [], []>, transpose_lhs_hint = false} : vector<9x2000xf32>, vector<2000x512xf32>, vector<9x512xf32> -> vector<9x512xf32>
    %add3A_716 = arith.addf %add3A_697, %dot_general3A_715 : vector<9x512xf32>
    %get3A_717 = arith.constant 0 : index
    %get3A_718 = arith.constant 76000 : index
    %get3A_719 = vector.load %arg1[%get3A_717, %get3A_718] : memref<1x100000xi32, #tpu.memory_space<vmem>>, vector<1x2000xi32>
    %get3A_720 = vector.shape_cast %get3A_719 : vector<1x2000xi32> to vector<2000xi32>
    %broadcast_in_dim3A_721 = vector.shape_cast %get3A_720 : vector<2000xi32> to vector<2000x1xi32>
    %eq3A_722 = vector.broadcast %broadcast_in_dim3A_721 : vector<2000x1xi32> to vector<2000x512xi32>
    %eq3A_723 = vector.broadcast %iota3A : vector<1x512xi32> to vector<2000x512xi32>
    %eq3A_724 = arith.cmpi eq, %eq3A_722, %eq3A_723 : vector<2000x512xi32>
    %convert_element_type3A_725 = arith.extui %eq3A_724 : vector<2000x512xi1> to vector<2000x512xi32>
    %convert_element_type3A_726 = arith.sitofp %convert_element_type3A_725 : vector<2000x512xi32> to vector<2000x512xf32>
    %get3A_727 = arith.constant 0 : index
    %get3A_728 = arith.constant 76000 : index
    %get3A_729 = vector.load %arg0[%get3A_727, %get3A_728] : memref<8x100000xf32, #tpu.memory_space<vmem>>, vector<8x2000xf32>
    %broadcast_in_dim3A_730 = arith.constant 1.000000e+00 : f32
    %broadcast_in_dim3A_731 = vector.broadcast %broadcast_in_dim3A_730 : f32 to vector<1x2000xf32>
    %concatenate3A_732 = tpu.concatenate %get3A_729, %broadcast_in_dim3A_731 in 0 : vector<8x2000xf32>, vector<1x2000xf32> -> vector<9x2000xf32>
    %dot_general3A_733 = arith.constant dense<0.000000e+00> : vector<9x512xf32>
    %dot_general3A_734 = tpu.matmul %concatenate3A_732, %convert_element_type3A_726, %dot_general3A_733 {dimension_numbers = #tpu.dot_dimension_numbers<[1], [0], [0], [1], [0, 0, 1, 1], [], []>, transpose_lhs_hint = false} : vector<9x2000xf32>, vector<2000x512xf32>, vector<9x512xf32> -> vector<9x512xf32>
    %add3A_735 = arith.addf %add3A_716, %dot_general3A_734 : vector<9x512xf32>
    %get3A_736 = arith.constant 0 : index
    %get3A_737 = arith.constant 78000 : index
    %get3A_738 = vector.load %arg1[%get3A_736, %get3A_737] : memref<1x100000xi32, #tpu.memory_space<vmem>>, vector<1x2000xi32>
    %get3A_739 = vector.shape_cast %get3A_738 : vector<1x2000xi32> to vector<2000xi32>
    %broadcast_in_dim3A_740 = vector.shape_cast %get3A_739 : vector<2000xi32> to vector<2000x1xi32>
    %eq3A_741 = vector.broadcast %broadcast_in_dim3A_740 : vector<2000x1xi32> to vector<2000x512xi32>
    %eq3A_742 = vector.broadcast %iota3A : vector<1x512xi32> to vector<2000x512xi32>
    %eq3A_743 = arith.cmpi eq, %eq3A_741, %eq3A_742 : vector<2000x512xi32>
    %convert_element_type3A_744 = arith.extui %eq3A_743 : vector<2000x512xi1> to vector<2000x512xi32>
    %convert_element_type3A_745 = arith.sitofp %convert_element_type3A_744 : vector<2000x512xi32> to vector<2000x512xf32>
    %get3A_746 = arith.constant 0 : index
    %get3A_747 = arith.constant 78000 : index
    %get3A_748 = vector.load %arg0[%get3A_746, %get3A_747] : memref<8x100000xf32, #tpu.memory_space<vmem>>, vector<8x2000xf32>
    %broadcast_in_dim3A_749 = arith.constant 1.000000e+00 : f32
    %broadcast_in_dim3A_750 = vector.broadcast %broadcast_in_dim3A_749 : f32 to vector<1x2000xf32>
    %concatenate3A_751 = tpu.concatenate %get3A_748, %broadcast_in_dim3A_750 in 0 : vector<8x2000xf32>, vector<1x2000xf32> -> vector<9x2000xf32>
    %dot_general3A_752 = arith.constant dense<0.000000e+00> : vector<9x512xf32>
    %dot_general3A_753 = tpu.matmul %concatenate3A_751, %convert_element_type3A_745, %dot_general3A_752 {dimension_numbers = #tpu.dot_dimension_numbers<[1], [0], [0], [1], [0, 0, 1, 1], [], []>, transpose_lhs_hint = false} : vector<9x2000xf32>, vector<2000x512xf32>, vector<9x512xf32> -> vector<9x512xf32>
    %add3A_754 = arith.addf %add3A_735, %dot_general3A_753 : vector<9x512xf32>
    %get3A_755 = arith.constant 0 : index
    %get3A_756 = arith.constant 80000 : index
    %get3A_757 = vector.load %arg1[%get3A_755, %get3A_756] : memref<1x100000xi32, #tpu.memory_space<vmem>>, vector<1x2000xi32>
    %get3A_758 = vector.shape_cast %get3A_757 : vector<1x2000xi32> to vector<2000xi32>
    %broadcast_in_dim3A_759 = vector.shape_cast %get3A_758 : vector<2000xi32> to vector<2000x1xi32>
    %eq3A_760 = vector.broadcast %broadcast_in_dim3A_759 : vector<2000x1xi32> to vector<2000x512xi32>
    %eq3A_761 = vector.broadcast %iota3A : vector<1x512xi32> to vector<2000x512xi32>
    %eq3A_762 = arith.cmpi eq, %eq3A_760, %eq3A_761 : vector<2000x512xi32>
    %convert_element_type3A_763 = arith.extui %eq3A_762 : vector<2000x512xi1> to vector<2000x512xi32>
    %convert_element_type3A_764 = arith.sitofp %convert_element_type3A_763 : vector<2000x512xi32> to vector<2000x512xf32>
    %get3A_765 = arith.constant 0 : index
    %get3A_766 = arith.constant 80000 : index
    %get3A_767 = vector.load %arg0[%get3A_765, %get3A_766] : memref<8x100000xf32, #tpu.memory_space<vmem>>, vector<8x2000xf32>
    %broadcast_in_dim3A_768 = arith.constant 1.000000e+00 : f32
    %broadcast_in_dim3A_769 = vector.broadcast %broadcast_in_dim3A_768 : f32 to vector<1x2000xf32>
    %concatenate3A_770 = tpu.concatenate %get3A_767, %broadcast_in_dim3A_769 in 0 : vector<8x2000xf32>, vector<1x2000xf32> -> vector<9x2000xf32>
    %dot_general3A_771 = arith.constant dense<0.000000e+00> : vector<9x512xf32>
    %dot_general3A_772 = tpu.matmul %concatenate3A_770, %convert_element_type3A_764, %dot_general3A_771 {dimension_numbers = #tpu.dot_dimension_numbers<[1], [0], [0], [1], [0, 0, 1, 1], [], []>, transpose_lhs_hint = false} : vector<9x2000xf32>, vector<2000x512xf32>, vector<9x512xf32> -> vector<9x512xf32>
    %add3A_773 = arith.addf %add3A_754, %dot_general3A_772 : vector<9x512xf32>
    %get3A_774 = arith.constant 0 : index
    %get3A_775 = arith.constant 82000 : index
    %get3A_776 = vector.load %arg1[%get3A_774, %get3A_775] : memref<1x100000xi32, #tpu.memory_space<vmem>>, vector<1x2000xi32>
    %get3A_777 = vector.shape_cast %get3A_776 : vector<1x2000xi32> to vector<2000xi32>
    %broadcast_in_dim3A_778 = vector.shape_cast %get3A_777 : vector<2000xi32> to vector<2000x1xi32>
    %eq3A_779 = vector.broadcast %broadcast_in_dim3A_778 : vector<2000x1xi32> to vector<2000x512xi32>
    %eq3A_780 = vector.broadcast %iota3A : vector<1x512xi32> to vector<2000x512xi32>
    %eq3A_781 = arith.cmpi eq, %eq3A_779, %eq3A_780 : vector<2000x512xi32>
    %convert_element_type3A_782 = arith.extui %eq3A_781 : vector<2000x512xi1> to vector<2000x512xi32>
    %convert_element_type3A_783 = arith.sitofp %convert_element_type3A_782 : vector<2000x512xi32> to vector<2000x512xf32>
    %get3A_784 = arith.constant 0 : index
    %get3A_785 = arith.constant 82000 : index
    %get3A_786 = vector.load %arg0[%get3A_784, %get3A_785] : memref<8x100000xf32, #tpu.memory_space<vmem>>, vector<8x2000xf32>
    %broadcast_in_dim3A_787 = arith.constant 1.000000e+00 : f32
    %broadcast_in_dim3A_788 = vector.broadcast %broadcast_in_dim3A_787 : f32 to vector<1x2000xf32>
    %concatenate3A_789 = tpu.concatenate %get3A_786, %broadcast_in_dim3A_788 in 0 : vector<8x2000xf32>, vector<1x2000xf32> -> vector<9x2000xf32>
    %dot_general3A_790 = arith.constant dense<0.000000e+00> : vector<9x512xf32>
    %dot_general3A_791 = tpu.matmul %concatenate3A_789, %convert_element_type3A_783, %dot_general3A_790 {dimension_numbers = #tpu.dot_dimension_numbers<[1], [0], [0], [1], [0, 0, 1, 1], [], []>, transpose_lhs_hint = false} : vector<9x2000xf32>, vector<2000x512xf32>, vector<9x512xf32> -> vector<9x512xf32>
    %add3A_792 = arith.addf %add3A_773, %dot_general3A_791 : vector<9x512xf32>
    %get3A_793 = arith.constant 0 : index
    %get3A_794 = arith.constant 84000 : index
    %get3A_795 = vector.load %arg1[%get3A_793, %get3A_794] : memref<1x100000xi32, #tpu.memory_space<vmem>>, vector<1x2000xi32>
    %get3A_796 = vector.shape_cast %get3A_795 : vector<1x2000xi32> to vector<2000xi32>
    %broadcast_in_dim3A_797 = vector.shape_cast %get3A_796 : vector<2000xi32> to vector<2000x1xi32>
    %eq3A_798 = vector.broadcast %broadcast_in_dim3A_797 : vector<2000x1xi32> to vector<2000x512xi32>
    %eq3A_799 = vector.broadcast %iota3A : vector<1x512xi32> to vector<2000x512xi32>
    %eq3A_800 = arith.cmpi eq, %eq3A_798, %eq3A_799 : vector<2000x512xi32>
    %convert_element_type3A_801 = arith.extui %eq3A_800 : vector<2000x512xi1> to vector<2000x512xi32>
    %convert_element_type3A_802 = arith.sitofp %convert_element_type3A_801 : vector<2000x512xi32> to vector<2000x512xf32>
    %get3A_803 = arith.constant 0 : index
    %get3A_804 = arith.constant 84000 : index
    %get3A_805 = vector.load %arg0[%get3A_803, %get3A_804] : memref<8x100000xf32, #tpu.memory_space<vmem>>, vector<8x2000xf32>
    %broadcast_in_dim3A_806 = arith.constant 1.000000e+00 : f32
    %broadcast_in_dim3A_807 = vector.broadcast %broadcast_in_dim3A_806 : f32 to vector<1x2000xf32>
    %concatenate3A_808 = tpu.concatenate %get3A_805, %broadcast_in_dim3A_807 in 0 : vector<8x2000xf32>, vector<1x2000xf32> -> vector<9x2000xf32>
    %dot_general3A_809 = arith.constant dense<0.000000e+00> : vector<9x512xf32>
    %dot_general3A_810 = tpu.matmul %concatenate3A_808, %convert_element_type3A_802, %dot_general3A_809 {dimension_numbers = #tpu.dot_dimension_numbers<[1], [0], [0], [1], [0, 0, 1, 1], [], []>, transpose_lhs_hint = false} : vector<9x2000xf32>, vector<2000x512xf32>, vector<9x512xf32> -> vector<9x512xf32>
    %add3A_811 = arith.addf %add3A_792, %dot_general3A_810 : vector<9x512xf32>
    %get3A_812 = arith.constant 0 : index
    %get3A_813 = arith.constant 86000 : index
    %get3A_814 = vector.load %arg1[%get3A_812, %get3A_813] : memref<1x100000xi32, #tpu.memory_space<vmem>>, vector<1x2000xi32>
    %get3A_815 = vector.shape_cast %get3A_814 : vector<1x2000xi32> to vector<2000xi32>
    %broadcast_in_dim3A_816 = vector.shape_cast %get3A_815 : vector<2000xi32> to vector<2000x1xi32>
    %eq3A_817 = vector.broadcast %broadcast_in_dim3A_816 : vector<2000x1xi32> to vector<2000x512xi32>
    %eq3A_818 = vector.broadcast %iota3A : vector<1x512xi32> to vector<2000x512xi32>
    %eq3A_819 = arith.cmpi eq, %eq3A_817, %eq3A_818 : vector<2000x512xi32>
    %convert_element_type3A_820 = arith.extui %eq3A_819 : vector<2000x512xi1> to vector<2000x512xi32>
    %convert_element_type3A_821 = arith.sitofp %convert_element_type3A_820 : vector<2000x512xi32> to vector<2000x512xf32>
    %get3A_822 = arith.constant 0 : index
    %get3A_823 = arith.constant 86000 : index
    %get3A_824 = vector.load %arg0[%get3A_822, %get3A_823] : memref<8x100000xf32, #tpu.memory_space<vmem>>, vector<8x2000xf32>
    %broadcast_in_dim3A_825 = arith.constant 1.000000e+00 : f32
    %broadcast_in_dim3A_826 = vector.broadcast %broadcast_in_dim3A_825 : f32 to vector<1x2000xf32>
    %concatenate3A_827 = tpu.concatenate %get3A_824, %broadcast_in_dim3A_826 in 0 : vector<8x2000xf32>, vector<1x2000xf32> -> vector<9x2000xf32>
    %dot_general3A_828 = arith.constant dense<0.000000e+00> : vector<9x512xf32>
    %dot_general3A_829 = tpu.matmul %concatenate3A_827, %convert_element_type3A_821, %dot_general3A_828 {dimension_numbers = #tpu.dot_dimension_numbers<[1], [0], [0], [1], [0, 0, 1, 1], [], []>, transpose_lhs_hint = false} : vector<9x2000xf32>, vector<2000x512xf32>, vector<9x512xf32> -> vector<9x512xf32>
    %add3A_830 = arith.addf %add3A_811, %dot_general3A_829 : vector<9x512xf32>
    %get3A_831 = arith.constant 0 : index
    %get3A_832 = arith.constant 88000 : index
    %get3A_833 = vector.load %arg1[%get3A_831, %get3A_832] : memref<1x100000xi32, #tpu.memory_space<vmem>>, vector<1x2000xi32>
    %get3A_834 = vector.shape_cast %get3A_833 : vector<1x2000xi32> to vector<2000xi32>
    %broadcast_in_dim3A_835 = vector.shape_cast %get3A_834 : vector<2000xi32> to vector<2000x1xi32>
    %eq3A_836 = vector.broadcast %broadcast_in_dim3A_835 : vector<2000x1xi32> to vector<2000x512xi32>
    %eq3A_837 = vector.broadcast %iota3A : vector<1x512xi32> to vector<2000x512xi32>
    %eq3A_838 = arith.cmpi eq, %eq3A_836, %eq3A_837 : vector<2000x512xi32>
    %convert_element_type3A_839 = arith.extui %eq3A_838 : vector<2000x512xi1> to vector<2000x512xi32>
    %convert_element_type3A_840 = arith.sitofp %convert_element_type3A_839 : vector<2000x512xi32> to vector<2000x512xf32>
    %get3A_841 = arith.constant 0 : index
    %get3A_842 = arith.constant 88000 : index
    %get3A_843 = vector.load %arg0[%get3A_841, %get3A_842] : memref<8x100000xf32, #tpu.memory_space<vmem>>, vector<8x2000xf32>
    %broadcast_in_dim3A_844 = arith.constant 1.000000e+00 : f32
    %broadcast_in_dim3A_845 = vector.broadcast %broadcast_in_dim3A_844 : f32 to vector<1x2000xf32>
    %concatenate3A_846 = tpu.concatenate %get3A_843, %broadcast_in_dim3A_845 in 0 : vector<8x2000xf32>, vector<1x2000xf32> -> vector<9x2000xf32>
    %dot_general3A_847 = arith.constant dense<0.000000e+00> : vector<9x512xf32>
    %dot_general3A_848 = tpu.matmul %concatenate3A_846, %convert_element_type3A_840, %dot_general3A_847 {dimension_numbers = #tpu.dot_dimension_numbers<[1], [0], [0], [1], [0, 0, 1, 1], [], []>, transpose_lhs_hint = false} : vector<9x2000xf32>, vector<2000x512xf32>, vector<9x512xf32> -> vector<9x512xf32>
    %add3A_849 = arith.addf %add3A_830, %dot_general3A_848 : vector<9x512xf32>
    %get3A_850 = arith.constant 0 : index
    %get3A_851 = arith.constant 90000 : index
    %get3A_852 = vector.load %arg1[%get3A_850, %get3A_851] : memref<1x100000xi32, #tpu.memory_space<vmem>>, vector<1x2000xi32>
    %get3A_853 = vector.shape_cast %get3A_852 : vector<1x2000xi32> to vector<2000xi32>
    %broadcast_in_dim3A_854 = vector.shape_cast %get3A_853 : vector<2000xi32> to vector<2000x1xi32>
    %eq3A_855 = vector.broadcast %broadcast_in_dim3A_854 : vector<2000x1xi32> to vector<2000x512xi32>
    %eq3A_856 = vector.broadcast %iota3A : vector<1x512xi32> to vector<2000x512xi32>
    %eq3A_857 = arith.cmpi eq, %eq3A_855, %eq3A_856 : vector<2000x512xi32>
    %convert_element_type3A_858 = arith.extui %eq3A_857 : vector<2000x512xi1> to vector<2000x512xi32>
    %convert_element_type3A_859 = arith.sitofp %convert_element_type3A_858 : vector<2000x512xi32> to vector<2000x512xf32>
    %get3A_860 = arith.constant 0 : index
    %get3A_861 = arith.constant 90000 : index
    %get3A_862 = vector.load %arg0[%get3A_860, %get3A_861] : memref<8x100000xf32, #tpu.memory_space<vmem>>, vector<8x2000xf32>
    %broadcast_in_dim3A_863 = arith.constant 1.000000e+00 : f32
    %broadcast_in_dim3A_864 = vector.broadcast %broadcast_in_dim3A_863 : f32 to vector<1x2000xf32>
    %concatenate3A_865 = tpu.concatenate %get3A_862, %broadcast_in_dim3A_864 in 0 : vector<8x2000xf32>, vector<1x2000xf32> -> vector<9x2000xf32>
    %dot_general3A_866 = arith.constant dense<0.000000e+00> : vector<9x512xf32>
    %dot_general3A_867 = tpu.matmul %concatenate3A_865, %convert_element_type3A_859, %dot_general3A_866 {dimension_numbers = #tpu.dot_dimension_numbers<[1], [0], [0], [1], [0, 0, 1, 1], [], []>, transpose_lhs_hint = false} : vector<9x2000xf32>, vector<2000x512xf32>, vector<9x512xf32> -> vector<9x512xf32>
    %add3A_868 = arith.addf %add3A_849, %dot_general3A_867 : vector<9x512xf32>
    %get3A_869 = arith.constant 0 : index
    %get3A_870 = arith.constant 92000 : index
    %get3A_871 = vector.load %arg1[%get3A_869, %get3A_870] : memref<1x100000xi32, #tpu.memory_space<vmem>>, vector<1x2000xi32>
    %get3A_872 = vector.shape_cast %get3A_871 : vector<1x2000xi32> to vector<2000xi32>
    %broadcast_in_dim3A_873 = vector.shape_cast %get3A_872 : vector<2000xi32> to vector<2000x1xi32>
    %eq3A_874 = vector.broadcast %broadcast_in_dim3A_873 : vector<2000x1xi32> to vector<2000x512xi32>
    %eq3A_875 = vector.broadcast %iota3A : vector<1x512xi32> to vector<2000x512xi32>
    %eq3A_876 = arith.cmpi eq, %eq3A_874, %eq3A_875 : vector<2000x512xi32>
    %convert_element_type3A_877 = arith.extui %eq3A_876 : vector<2000x512xi1> to vector<2000x512xi32>
    %convert_element_type3A_878 = arith.sitofp %convert_element_type3A_877 : vector<2000x512xi32> to vector<2000x512xf32>
    %get3A_879 = arith.constant 0 : index
    %get3A_880 = arith.constant 92000 : index
    %get3A_881 = vector.load %arg0[%get3A_879, %get3A_880] : memref<8x100000xf32, #tpu.memory_space<vmem>>, vector<8x2000xf32>
    %broadcast_in_dim3A_882 = arith.constant 1.000000e+00 : f32
    %broadcast_in_dim3A_883 = vector.broadcast %broadcast_in_dim3A_882 : f32 to vector<1x2000xf32>
    %concatenate3A_884 = tpu.concatenate %get3A_881, %broadcast_in_dim3A_883 in 0 : vector<8x2000xf32>, vector<1x2000xf32> -> vector<9x2000xf32>
    %dot_general3A_885 = arith.constant dense<0.000000e+00> : vector<9x512xf32>
    %dot_general3A_886 = tpu.matmul %concatenate3A_884, %convert_element_type3A_878, %dot_general3A_885 {dimension_numbers = #tpu.dot_dimension_numbers<[1], [0], [0], [1], [0, 0, 1, 1], [], []>, transpose_lhs_hint = false} : vector<9x2000xf32>, vector<2000x512xf32>, vector<9x512xf32> -> vector<9x512xf32>
    %add3A_887 = arith.addf %add3A_868, %dot_general3A_886 : vector<9x512xf32>
    %get3A_888 = arith.constant 0 : index
    %get3A_889 = arith.constant 94000 : index
    %get3A_890 = vector.load %arg1[%get3A_888, %get3A_889] : memref<1x100000xi32, #tpu.memory_space<vmem>>, vector<1x2000xi32>
    %get3A_891 = vector.shape_cast %get3A_890 : vector<1x2000xi32> to vector<2000xi32>
    %broadcast_in_dim3A_892 = vector.shape_cast %get3A_891 : vector<2000xi32> to vector<2000x1xi32>
    %eq3A_893 = vector.broadcast %broadcast_in_dim3A_892 : vector<2000x1xi32> to vector<2000x512xi32>
    %eq3A_894 = vector.broadcast %iota3A : vector<1x512xi32> to vector<2000x512xi32>
    %eq3A_895 = arith.cmpi eq, %eq3A_893, %eq3A_894 : vector<2000x512xi32>
    %convert_element_type3A_896 = arith.extui %eq3A_895 : vector<2000x512xi1> to vector<2000x512xi32>
    %convert_element_type3A_897 = arith.sitofp %convert_element_type3A_896 : vector<2000x512xi32> to vector<2000x512xf32>
    %get3A_898 = arith.constant 0 : index
    %get3A_899 = arith.constant 94000 : index
    %get3A_900 = vector.load %arg0[%get3A_898, %get3A_899] : memref<8x100000xf32, #tpu.memory_space<vmem>>, vector<8x2000xf32>
    %broadcast_in_dim3A_901 = arith.constant 1.000000e+00 : f32
    %broadcast_in_dim3A_902 = vector.broadcast %broadcast_in_dim3A_901 : f32 to vector<1x2000xf32>
    %concatenate3A_903 = tpu.concatenate %get3A_900, %broadcast_in_dim3A_902 in 0 : vector<8x2000xf32>, vector<1x2000xf32> -> vector<9x2000xf32>
    %dot_general3A_904 = arith.constant dense<0.000000e+00> : vector<9x512xf32>
    %dot_general3A_905 = tpu.matmul %concatenate3A_903, %convert_element_type3A_897, %dot_general3A_904 {dimension_numbers = #tpu.dot_dimension_numbers<[1], [0], [0], [1], [0, 0, 1, 1], [], []>, transpose_lhs_hint = false} : vector<9x2000xf32>, vector<2000x512xf32>, vector<9x512xf32> -> vector<9x512xf32>
    %add3A_906 = arith.addf %add3A_887, %dot_general3A_905 : vector<9x512xf32>
    %get3A_907 = arith.constant 0 : index
    %get3A_908 = arith.constant 96000 : index
    %get3A_909 = vector.load %arg1[%get3A_907, %get3A_908] : memref<1x100000xi32, #tpu.memory_space<vmem>>, vector<1x2000xi32>
    %get3A_910 = vector.shape_cast %get3A_909 : vector<1x2000xi32> to vector<2000xi32>
    %broadcast_in_dim3A_911 = vector.shape_cast %get3A_910 : vector<2000xi32> to vector<2000x1xi32>
    %eq3A_912 = vector.broadcast %broadcast_in_dim3A_911 : vector<2000x1xi32> to vector<2000x512xi32>
    %eq3A_913 = vector.broadcast %iota3A : vector<1x512xi32> to vector<2000x512xi32>
    %eq3A_914 = arith.cmpi eq, %eq3A_912, %eq3A_913 : vector<2000x512xi32>
    %convert_element_type3A_915 = arith.extui %eq3A_914 : vector<2000x512xi1> to vector<2000x512xi32>
    %convert_element_type3A_916 = arith.sitofp %convert_element_type3A_915 : vector<2000x512xi32> to vector<2000x512xf32>
    %get3A_917 = arith.constant 0 : index
    %get3A_918 = arith.constant 96000 : index
    %get3A_919 = vector.load %arg0[%get3A_917, %get3A_918] : memref<8x100000xf32, #tpu.memory_space<vmem>>, vector<8x2000xf32>
    %broadcast_in_dim3A_920 = arith.constant 1.000000e+00 : f32
    %broadcast_in_dim3A_921 = vector.broadcast %broadcast_in_dim3A_920 : f32 to vector<1x2000xf32>
    %concatenate3A_922 = tpu.concatenate %get3A_919, %broadcast_in_dim3A_921 in 0 : vector<8x2000xf32>, vector<1x2000xf32> -> vector<9x2000xf32>
    %dot_general3A_923 = arith.constant dense<0.000000e+00> : vector<9x512xf32>
    %dot_general3A_924 = tpu.matmul %concatenate3A_922, %convert_element_type3A_916, %dot_general3A_923 {dimension_numbers = #tpu.dot_dimension_numbers<[1], [0], [0], [1], [0, 0, 1, 1], [], []>, transpose_lhs_hint = false} : vector<9x2000xf32>, vector<2000x512xf32>, vector<9x512xf32> -> vector<9x512xf32>
    %add3A_925 = arith.addf %add3A_906, %dot_general3A_924 : vector<9x512xf32>
    %get3A_926 = arith.constant 0 : index
    %get3A_927 = arith.constant 98000 : index
    %get3A_928 = vector.load %arg1[%get3A_926, %get3A_927] : memref<1x100000xi32, #tpu.memory_space<vmem>>, vector<1x2000xi32>
    %get3A_929 = vector.shape_cast %get3A_928 : vector<1x2000xi32> to vector<2000xi32>
    %broadcast_in_dim3A_930 = vector.shape_cast %get3A_929 : vector<2000xi32> to vector<2000x1xi32>
    %eq3A_931 = vector.broadcast %broadcast_in_dim3A_930 : vector<2000x1xi32> to vector<2000x512xi32>
    %eq3A_932 = vector.broadcast %iota3A : vector<1x512xi32> to vector<2000x512xi32>
    %eq3A_933 = arith.cmpi eq, %eq3A_931, %eq3A_932 : vector<2000x512xi32>
    %convert_element_type3A_934 = arith.extui %eq3A_933 : vector<2000x512xi1> to vector<2000x512xi32>
    %convert_element_type3A_935 = arith.sitofp %convert_element_type3A_934 : vector<2000x512xi32> to vector<2000x512xf32>
    %get3A_936 = arith.constant 0 : index
    %get3A_937 = arith.constant 98000 : index
    %get3A_938 = vector.load %arg0[%get3A_936, %get3A_937] : memref<8x100000xf32, #tpu.memory_space<vmem>>, vector<8x2000xf32>
    %broadcast_in_dim3A_939 = arith.constant 1.000000e+00 : f32
    %broadcast_in_dim3A_940 = vector.broadcast %broadcast_in_dim3A_939 : f32 to vector<1x2000xf32>
    %concatenate3A_941 = tpu.concatenate %get3A_938, %broadcast_in_dim3A_940 in 0 : vector<8x2000xf32>, vector<1x2000xf32> -> vector<9x2000xf32>
    %dot_general3A_942 = arith.constant dense<0.000000e+00> : vector<9x512xf32>
    %dot_general3A_943 = tpu.matmul %concatenate3A_941, %convert_element_type3A_935, %dot_general3A_942 {dimension_numbers = #tpu.dot_dimension_numbers<[1], [0], [0], [1], [0, 0, 1, 1], [], []>, transpose_lhs_hint = false} : vector<9x2000xf32>, vector<2000x512xf32>, vector<9x512xf32> -> vector<9x512xf32>
    %add3A_944 = arith.addf %add3A_925, %dot_general3A_943 : vector<9x512xf32>
    %swap3A = arith.constant 0 : index
    %swap3A_945 = arith.constant 0 : index
    %swap3A_946 = vector.load %arg2[%swap3A, %swap3A_945] : memref<9x512xf32, #tpu.memory_space<vmem>>, vector<9x512xf32>
    tpu.vector_store %arg2[%swap3A, %swap3A_945], %add3A_944 {strides = array<i32>} : memref<9x512xf32, #tpu.memory_space<vmem>>, vector<9x512xf32>,
    return
  }
}

module attributes {stable_mosaic.version = 14 : i64} {
  func.func @_tc_combine_body(%arg0: memref<32x512x128xf32, #tpu.memory_space<vmem>>, %arg1: memref<512x128xf32, #tpu.memory_space<vmem>>, %arg2: memref<9x512xf32, #tpu.memory_space<vmem>>, %arg3: memref<128x136xf32, #tpu.memory_space<vmem>>, %arg4: memref<1x128xf32, #tpu.memory_space<vmem>>, %arg5: memref<128x128xf32, #tpu.memory_space<vmem>>, %arg6: memref<1x128xf32, #tpu.memory_space<vmem>>, %arg7: memref<16x128xf32, #tpu.memory_space<vmem>>, %arg8: memref<1x16xf32, #tpu.memory_space<vmem>>, %arg9: memref<512x16xf32, #tpu.memory_space<vmem>>) attributes {dimension_semantics = [], scalar_prefetch = 0 : i64, scratch_operands = 0 : i64, tpu.core_type = #tpu.core_type<tc>} {
    %get3A = arith.constant 0 : index
    %get3A_0 = arith.constant 0 : index
    %get3A_1 = arith.constant 0 : index
    %get3A_2 = vector.load %arg0[%get3A, %get3A_0, %get3A_1] : memref<32x512x128xf32, #tpu.memory_space<vmem>>, vector<32x512x128xf32>
    %reduce_sum3A = arith.constant dense<0.000000e+00> : vector<512x128xf32>
    %reduce_sum3A_3 = vector.multi_reduction <add>, %get3A_2, %reduce_sum3A [0] : vector<32x512x128xf32> to vector<512x128xf32>
    %get3A_4 = arith.constant 0 : index
    %get3A_5 = arith.constant 0 : index
    %get3A_6 = vector.load %arg1[%get3A_4, %get3A_5] : memref<512x128xf32, #tpu.memory_space<vmem>>, vector<512x128xf32>
    %add3A = arith.addf %reduce_sum3A_3, %get3A_6 : vector<512x128xf32>
    %iota3A = tpu.iota {dimensions = array<i32: 0>} : vector<512x512xi32>
    %iota3A_7 = tpu.iota {dimensions = array<i32: 1>} : vector<512x512xi32>
    %eq3A = arith.cmpi eq, %iota3A, %iota3A_7 : vector<512x512xi32>
    %convert_element_type3A = arith.extui %eq3A : vector<512x512xi1> to vector<512x512xi32>
    %convert_element_type3A_8 = arith.sitofp %convert_element_type3A : vector<512x512xi32> to vector<512x512xf32>
    %get3A_9 = arith.constant 8 : index
    %get3A_10 = arith.constant 0 : index
    %get3A_11 = vector.load %arg2[%get3A_9, %get3A_10] : memref<9x512xf32, #tpu.memory_space<vmem>>, vector<1x512xf32>
    %dot_general3A = arith.constant dense<0.000000e+00> : vector<512x1xf32>
    %dot_general3A_12 = tpu.matmul %convert_element_type3A_8, %get3A_11, %dot_general3A {dimension_numbers = #tpu.dot_dimension_numbers<[1], [1], [0], [0], [0, 0, 1, 0], [], []>, transpose_lhs_hint = false} : vector<512x512xf32>, vector<1x512xf32>, vector<512x1xf32> -> vector<512x1xf32>
    %max3A = arith.constant 1.000000e+00 : f32
    %max3A_13 = vector.broadcast %max3A : f32 to vector<512x1xf32>
    %max3A_14 = arith.maximumf %dot_general3A_12, %max3A_13 : vector<512x1xf32>
    %get3A_15 = arith.constant 0 : index
    %get3A_16 = arith.constant 0 : index
    %get3A_17 = vector.load %arg3[%get3A_15, %get3A_16] : memref<128x136xf32, #tpu.memory_space<vmem>>, vector<128x128xf32>
    %dot_general3A_18 = arith.constant dense<0.000000e+00> : vector<512x128xf32>
    %dot_general3A_19 = tpu.matmul %add3A, %get3A_17, %dot_general3A_18 {dimension_numbers = #tpu.dot_dimension_numbers<[1], [1], [0], [0], [0, 0, 1, 0], [], []>, transpose_lhs_hint = false} : vector<512x128xf32>, vector<128x128xf32>, vector<512x128xf32> -> vector<512x128xf32>
    %get3A_20 = arith.constant 0 : index
    %get3A_21 = arith.constant 0 : index
    %get3A_22 = vector.load %arg2[%get3A_20, %get3A_21] : memref<9x512xf32, #tpu.memory_space<vmem>>, vector<8x512xf32>
    %get3A_23 = arith.constant 0 : index
    %get3A_24 = arith.constant 128 : index
    %get3A_25 = vector.load %arg3[%get3A_23, %get3A_24] : memref<128x136xf32, #tpu.memory_space<vmem>>, vector<128x8xf32>
    %dot_general3A_26 = arith.constant dense<0.000000e+00> : vector<512x128xf32>
    %dot_general3A_27 = tpu.matmul %get3A_22, %get3A_25, %dot_general3A_26 {dimension_numbers = #tpu.dot_dimension_numbers<[0], [1], [1], [0], [0, 1, 1, 0], [], []>, transpose_lhs_hint = false} : vector<8x512xf32>, vector<128x8xf32>, vector<512x128xf32> -> vector<512x128xf32>
    %add3A_28 = arith.addf %dot_general3A_19, %dot_general3A_27 : vector<512x128xf32>
    %div3A = vector.broadcast %max3A_14 : vector<512x1xf32> to vector<512x128xf32>
    %div3A_29 = arith.divf %add3A_28, %div3A : vector<512x128xf32>
    %get3A_30 = arith.constant 0 : index
    %get3A_31 = arith.constant 0 : index
    %get3A_32 = vector.load %arg4[%get3A_30, %get3A_31] : memref<1x128xf32, #tpu.memory_space<vmem>>, vector<1x128xf32>
    %add3A_33 = vector.broadcast %get3A_32 : vector<1x128xf32> to vector<512x128xf32>
    %add3A_34 = arith.addf %div3A_29, %add3A_33 : vector<512x128xf32>
    %get3A_35 = arith.constant 0 : index
    %get3A_36 = arith.constant 0 : index
    %get3A_37 = vector.load %arg5[%get3A_35, %get3A_36] : memref<128x128xf32, #tpu.memory_space<vmem>>, vector<128x128xf32>
    %dot_general3A_38 = arith.constant dense<0.000000e+00> : vector<512x128xf32>
    %dot_general3A_39 = tpu.matmul %add3A_34, %get3A_37, %dot_general3A_38 {dimension_numbers = #tpu.dot_dimension_numbers<[1], [1], [0], [0], [0, 0, 1, 0], [], []>, transpose_lhs_hint = false} : vector<512x128xf32>, vector<128x128xf32>, vector<512x128xf32> -> vector<512x128xf32>
    %get3A_40 = arith.constant 0 : index
    %get3A_41 = arith.constant 0 : index
    %get3A_42 = vector.load %arg6[%get3A_40, %get3A_41] : memref<1x128xf32, #tpu.memory_space<vmem>>, vector<1x128xf32>
    %add3A_43 = vector.broadcast %get3A_42 : vector<1x128xf32> to vector<512x128xf32>
    %add3A_44 = arith.addf %dot_general3A_39, %add3A_43 : vector<512x128xf32>
    %max3A_45 = arith.constant 0.000000e+00 : f32
    %max3A_46 = vector.broadcast %max3A_45 : f32 to vector<512x128xf32>
    %max3A_47 = arith.maximumf %add3A_44, %max3A_46 : vector<512x128xf32>
    %get3A_48 = arith.constant 0 : index
    %get3A_49 = arith.constant 0 : index
    %get3A_50 = vector.load %arg7[%get3A_48, %get3A_49] : memref<16x128xf32, #tpu.memory_space<vmem>>, vector<16x128xf32>
    %dot_general3A_51 = arith.constant dense<0.000000e+00> : vector<512x16xf32>
    %dot_general3A_52 = tpu.matmul %max3A_47, %get3A_50, %dot_general3A_51 {dimension_numbers = #tpu.dot_dimension_numbers<[1], [1], [0], [0], [0, 0, 1, 0], [], []>, transpose_lhs_hint = false} : vector<512x128xf32>, vector<16x128xf32>, vector<512x16xf32> -> vector<512x16xf32>
    %get3A_53 = arith.constant 0 : index
    %get3A_54 = arith.constant 0 : index
    %get3A_55 = vector.load %arg8[%get3A_53, %get3A_54] : memref<1x16xf32, #tpu.memory_space<vmem>>, vector<1x16xf32>
    %add3A_56 = vector.broadcast %get3A_55 : vector<1x16xf32> to vector<512x16xf32>
    %add3A_57 = arith.addf %dot_general3A_52, %add3A_56 : vector<512x16xf32>
    %swap3A = arith.constant 0 : index
    %swap3A_58 = arith.constant 0 : index
    %swap3A_59 = vector.load %arg9[%swap3A, %swap3A_58] : memref<512x16xf32, #tpu.memory_space<vmem>>, vector<512x16xf32>
    tpu.vector_store %arg9[%swap3A, %swap3A_58], %add3A_57 {strides = array<i32>} : memref<512x16xf32, #tpu.memory_space<vmem>>, vector<512x16xf32>,
    return
  }
}

</mosaic_0001>

<sc_bundles>
// kernel: kernel.6.cloned.1.call-start
scs
__scs_entry_jumppad:
0x0: {  	(pc) =	sbr.rel $0x88, $3  }
0x1: {  	(tag) =	ssettag $0x0;
	lr =	simm.s32 $0x1  }
0x2: {  	[smem:$0x3F98] =	sst lr;
	_ =	strace $0xD0000000  }
0x3: {  	_ = 	snop  }
0x4: {  	_ = 	snop  }
0x5: {  	_ = 	snop  }
0x6: {  	_ = 	snop  }
0x7: {  	_ = 	snop  }
__scs_overlays_trampoline_lowered:
0x8: {  	[smem:$0x3FA7] =	sst s0  }
0x9: {  	[smem:$0x3FA8] =	sst s1  }
0xa: {  	[smem:$0x3FA9] =	sst s2  }
0xb: {  	[smem:$0x3FAA] =	sst s3  }
0xc: {  	[smem:$0x3FAB] =	sst s4  }
0xd: {  	[smem:$0x3FAC] =	sst s5  }
0xe: {  	[smem:$0x3FAD] =	sst s6  }
0xf: {  	[smem:$0x3FAE] =	sst s7  }
0x10: {  	[smem:$0x3FAF] =	sst s8  }
0x11: {  	[smem:$0x3FB0] =	sst s9;
	s0 =	simm.s32 @!p0 $0x0  }
0x12: {  	s1 =	sld [smem:$0x3F96];
	s0 =	simm.s32 @p0 $0x1  }
0x13: {  	[smem:$0x3FB1] =	sst s0;
	s0 =	simm.s32 @!p1 $0x0  }
0x14: {  	s2 =	sld [smem:$0x3F95];
	s0 =	simm.s32 @p1 $0x1  }
0x15: {  	[smem:$0x3FB2] =	sst s0;
	s0 =	simm.s32 @!p2 $0x0  }
0x16: {  	s3 =	sld [smem:$0x3FDB];
	s0 =	simm.s32 @p2 $0x1  }
0x17: {  	s4 =	simm.s32 $0x1BF5;
	[smem:$0x3FB4] =	sst s0  }
0x18: {  	s0 =	sld [smem:$0x3F97];
	_ =	swait.ge [sflag:s4], $0x0  }
0x19: {  	s7 =	sld [smem:$0x3F98]  }
0x1a: {  	s8 =	sadd.s32 $0xFFFFE003, lr  }
0x1b: {  	s9 =	sadd.s32 $0xFFFFFEF7, lr;
	s5 =	simm.s32 $0xFFFFFFFF;
	p2 =	slt.u32 s8, $0xFFFFF086  }
0x1c: {  	p1 =	slt.u32 s9, $0xF7A;
	s5 =	simm.s32 @!p2 $0x0  }
0x1d: {  	s5 =	simm.s32 @p1 $0x1;
	p0 =	seq.s32 s7, s2  }
0x1e: {  	s7 =	smul.u32 @!p0 $0xF7A, s2;
	p2 =	seq.s32 @!p0 s5, $0x0  }
0x1f: {  	s9 =	smul.u32 $0xF7A, s1;
	s8 =	simm.s32 @!p0 $0x1BF5;
	p2 =	por !p2, p0  }
0x20: {  	[sflag:s8] =	ssyncset.s32 @!p0 $0xFFFFF086;
	s6 =	sadd.s32 @!p0 s3, s7;
	s7 =	simm.s32 @!p0 $0x108  }
0x21: {  	s3 =	sadd.s32 s3, s9;
	s6 =	sadd.s32 @!p0 $0x88, s6;
	s7 =	simm.s32 @p2 $0x1082  }
0x22: {  	[simem:s7], [sflag:s8] =	dma.local @!p0 [hbm:s6], $0xF7A  }
0x23: {  	s9 =	sor.u32 $0xD0000000, s2;
	s6 =	simm.s32 $0x108;
	_ =	swait.ge @!p0 [sflag:s8], $0x0  }
0x24: {  	s3 =	sadd.s32 $0x88, s3;
	s6 =	simm.s32 @!p1 $0x1082;
	[sflag:s4] =	ssyncset.s32 $0xFFFFF086  }
0x25: {  	[simem:s6], [sflag:s4] =	dma.local [hbm:s3], $0xF7A  }
0x26: {  	[smem:$0x3F98] =	sst s1;
	(tag) =	ssettag s2;
	_ =	strace s9  }
0x27: {  	s1 =	sld [smem:$0x3FA8]  }
0x28: {  	s2 =	sld [smem:$0x3FA9]  }
0x29: {  	s4 =	sld [smem:$0x3FAB]  }
0x2a: {  	p0 =	seq.s32 s5, $0x0;
	s5 =	sld [smem:$0x3FAC]  }
0x2b: {  	s6 =	sld [smem:$0x3FAD]  }
0x2c: {  	s7 =	sld [smem:$0x3FAE]  }
0x2d: {  	s3 =	simm.s32 $0x108;
	s8 =	sld [smem:$0x3FAF]  }
0x2e: {  	s3 =	simm.s32 @!p0 $0x1082;
	s9 =	sld [smem:$0x3FB0]  }
0x2f: {  	lr =	sadd.s32 s0, s3;
	s0 =	sld [smem:$0x3FA7]  }
0x30: {  	s3 =	sld [smem:$0x3FAA]  }
0x31: {  	[smem:$0x3FB3] =	sst s10  }
0x32: {  	s10 =	sld [smem:$0x3FB1];
	_ =	sdelay $0x3  }
0x33: {  	p0 =	seq.s32 s10, $0x1;
	s10 =	sld [smem:$0x3FB3];
	_ =	sdelay $0x3  }
0x34: {  	[smem:$0x3FB3] =	sst s10  }
0x35: {  	s10 =	sld [smem:$0x3FB2];
	_ =	sdelay $0x3  }
0x36: {  	p1 =	seq.s32 s10, $0x1;
	s10 =	sld [smem:$0x3FB3];
	_ =	sdelay $0x3  }
0x37: {  	[smem:$0x3FB3] =	sst s10  }
0x38: {  	s10 =	sld [smem:$0x3FB4]  }
0x39: {  	_ = 	snop;
	(pc) =	sbr.ind lr, $3  }
0x3a: {  	_ = 	snop  }
0x3b: {  	_ = 	snop  }
0x3c: {  	p2 =	seq.s32 s10, $0x1;
	s10 =	sld [smem:$0x3FB3]  }
0x3d: {  	_ =	shalt  }
0x3e: {  	_ =	shalt  }
0x3f: {  	_ =	shalt  }
0x40: {  	_ =	shalt  }
0x41: {  	_ =	shalt  }
0x42: {  	_ =	shalt  }
0x43: {  	_ =	shalt  }
0x44: {  	_ =	shalt  }
0x45: {  	_ =	shalt  }
0x46: {  	_ =	shalt  }
0x47: {  	_ =	shalt  }
0x48: {  	_ =	shalt  }
0x49: {  	_ =	shalt  }
0x4a: {  	_ =	shalt  }
0x4b: {  	_ =	shalt  }
0x4c: {  	_ =	shalt  }
0x4d: {  	_ =	shalt  }
0x4e: {  	_ =	shalt  }
0x4f: {  	_ =	shalt  }
0x50: {  	_ =	shalt  }
0x51: {  	_ =	shalt  }
0x52: {  	_ =	shalt  }
0x53: {  	_ =	shalt  }
0x54: {  	_ =	shalt  }
0x55: {  	_ =	shalt  }
0x56: {  	_ =	shalt  }
0x57: {  	_ =	shalt  }
0x58: {  	_ =	shalt  }
0x59: {  	_ =	shalt  }
0x5a: {  	_ =	shalt  }
0x5b: {  	_ =	shalt  }
0x5c: {  	_ =	shalt  }
0x5d: {  	_ =	shalt  }
0x5e: {  	_ =	shalt  }
0x5f: {  	_ =	shalt  }
0x60: {  	_ =	shalt  }
0x61: {  	_ =	shalt  }
0x62: {  	_ =	shalt  }
0x63: {  	_ =	shalt  }
0x64: {  	_ =	shalt  }
0x65: {  	_ =	shalt  }
0x66: {  	_ =	shalt  }
0x67: {  	_ =	shalt  }
0x68: {  	_ =	shalt  }
0x69: {  	_ =	shalt  }
0x6a: {  	_ =	shalt  }
0x6b: {  	_ =	shalt  }
0x6c: {  	_ =	shalt  }
0x6d: {  	_ =	shalt  }
0x6e: {  	_ =	shalt  }
0x6f: {  	_ =	shalt  }
0x70: {  	_ =	shalt  }
0x71: {  	_ =	shalt  }
0x72: {  	_ =	shalt  }
0x73: {  	_ =	shalt  }
0x74: {  	_ =	shalt  }
0x75: {  	_ =	shalt  }
0x76: {  	_ =	shalt  }
0x77: {  	_ =	shalt  }
0x78: {  	_ =	shalt  }
0x79: {  	_ =	shalt  }
0x7a: {  	_ =	shalt  }
0x7b: {  	_ =	shalt  }
0x7c: {  	_ =	shalt  }
0x7d: {  	_ =	shalt  }
0x7e: {  	_ =	shalt  }
0x7f: {  	_ =	shalt  }
0x80: {  	_ =	shalt  }
0x81: {  	_ =	shalt  }
0x82: {  	_ =	shalt  }
0x83: {  	_ =	shalt  }
0x84: {  	_ =	shalt  }
0x85: {  	_ =	shalt  }
0x86: {  	_ =	shalt  }
0x87: {  	_ =	shalt  }
.Lfunc_end0:
.L_simem_size_0:
called_computation_lowered:
.L_overlay_start_0:
0x88: {  	s2 =	sld [smem:$0x3FD9]  }
0x89: {  	s3 =	sld [smem:$0x3FFE];
	_ =	sdelay $0x1  }
0x8a: {  	s1 =	srdreg.scid  }
0x8b: {  	s0 =	sand.u32 $0x1, s1  }
0x8c: {  	s17 =	sshll.u32 s0, $0xA;
	s2 =	sadd.s32 s3, s2  }
0x8d: {  	s2 =	sadd.s32 s2, s17  }
0x8e: {  	[smem:$0x3FBF] =	sst s2  }
0x8f: {  	_ = 	snop  }
0x90: {  	s2 =	sld [smem:$0x3FC9]  }
0x91: {  	s18 =	sld [smem:$0x3FC7];
	(tm) =	ssettm $0x1  }
0x92: {  	s4 =	sld [smem:$0x3FFB];
	_ =	sdelay $0x3  }
0x93: {  	_ =	strace s4  }
0x94: {  	s4 =	sld [smem:$0x3FFC];
	_ =	sdelay $0x3  }
0x95: {  	_ =	strace s4  }
0x96: {  	s4 =	sld [smem:$0x3FFD];
	_ =	sdelay $0x3  }
0x97: {  	_ =	strace s4  }
0x98: {  	_ =	strace $0x8FFFFFFF  }
0x99: {  	s19 =	sld [smem:$0x3FDB];
	_ =	sdelay $0x1  }
0x9a: {  	s5 =	simm.s32 $_scs_section_size  }
0x9b: {  	s6 =	simm.s32 $_size__tile_overlayer_lowered;
	s7 =	simm.s32 $_tile_overlayer_lowered  }
0x9c: {  	s22 =	simm.s32 $0x1BFF;
	s21 =	sshll.u32 s7, $0x1;
	s4 =	sadd.s32 s5, s19  }
0x9d: {  	s8 =	simm.s32 $0x0;
	s20 =	sshll.u32 s6, $0x1;
	s6 =	sadd.s32 s21, s4  }
0x9e: {  	[timem:s8], [sflag:s22] =	dma.local [hbm:s6], s20  }
0x9f: {  	_ =	swait.ge [sflag:s22], s20  }
0xa0: {  	s5 =	ssub.s32 $0x0, s20;
	[sflag:s22] =	ssyncset.done $0x0  }
0xa1: {  	[sflag:s22] =	ssyncadd.s32 s5;
	_ =	sdelay $0x1  }
0xa2: {  	s23 =	simm.s32 $0x1B8B  }
0xa3: {  	_ =	swait.ge [sflag:s23], $0x1  }
0xa4: {  	[sflag:s23] =	ssyncset.done $0x0  }
0xa5: {  	s25 =	simm.s32 $0x1B8E;
	s24 =	sld [smem:$0x3FFE];
	[sflag:s23] =	ssyncadd.s32 $0xFFFFFFFF  }
0xa6: {  	s26 =	simm.s32 $execute0_lowered;
	[smem:$0x3FD2] =	sst s25  }
0xa7: {  	s6 =	sshll.u32 s26, $0x1;
	_ =	strace $0x80000046;
	[dreg:$0x1] =	wrdreg $0xFFFFFFFF  }
0xa8: {  	s28 =	simm.s32 $_size_execute0_lowered;
	s4 =	sadd.s32 s4, s6;
	[dreg:$0x0] =	wrdreg $0x0  }
0xa9: {  	s6 =	sshll.u32 s28, $0x1;
	[dreg:$0x2] =	wrdreg s4  }
0xaa: {  	[dreg:$0x3] =	wrdreg s6  }
0xab: {  	[dreg:$0x4] =	wrdreg $0xC0  }
0xac: {  	_ =	task [dreg:s8], $0x5FFFF  }
0xad: {  	[dreg:$0x1] =	wrdreg $0xFFFFFFFF  }
0xae: {  	[dreg:$0x0] =	wrdreg $0x60  }
0xaf: {  	[dreg:$0x2] =	wrdreg s2  }
0xb0: {  	[dreg:$0x3] =	wrdreg s18  }
0xb1: {  	[dreg:$0x4] =	wrdreg s24  }
0xb2: {  	[dreg:$0x5] =	wrdreg $0x9  }
0xb3: {  	_ =	task.clear_ibuf [dreg:s8], $0x6FFFF;
	_ =	strace $0x90000046  }
0xb4: {  	s29 =	simm.s32 $0x9;
	_ =	strace $0x80000048  }
0xb5: {  	_ =	swait.ge [sflag:s29], $0x1  }
0xb6: {  	[sflag:s29] =	ssyncadd.s32 $0xFFFFFFFF  }
0xb7: {  	_ =	strace $0x90000048  }
0xb8: {  	_ =	sfence  }
0xb9: {  	s30 =	sld [smem:$0x0];
	_ =	sdelay $0x2  }
0xba: {  	s31 =	sshll.u32 s1, $0xD;
	s1 =	sshrl.u32 s1, $0x2  }
0xbb: {  	s3 =	sand.u32 $0x4000, s31;
	s1 =	sadd.s32 s1, s30  }
0xbc: {  	s0 =	sor.u32 s3, s0;
	s1 =	sshll.u32 s1, $0x11  }
0xbd: {  	s0 =	sor.u32 s1, s0  }
0xbe: {  	s0 =	sadd.s32 $0x8F2B, s0  }
0xbf: {  	[sflag:s0] =	ssyncadd.remote.s32 $0x1  }
0xc0: {  	_ =	sfence.sel $0xFFFF  }
0xc1: {  	[dreg:$0x0] =	wrdreg $0xFFFFFFFF;
	(pc) =	sbr.abs _section_cstart, $3  }
0xc2: {  	[dreg:$0x1] =	wrdreg $0xFFFFFFFF  }
0xc3: {  	_ =	task.clear_ibuf [dreg:s8], $0x2FFFF;
	_ =	strace $0x9FFFFFFF  }
0xc4: {  	(tm) =	ssettm $0x7FFFFFFF  }
0xc5: {  	_ =	shalt  }
tec
execute0_lowered:
.L_overlay_start_1:
0x0: {  	(tag) =	ssettag $0x1  }
0x1: {  	s1 =	rddreg [dreg:$0x0]  }
0x2: {  	s2 =	rddreg [dreg:$0x1]  }
0x3: {  	s0 =	rddreg [dreg:$0x2];
	s3 =	srdreg.scid;
	s4 =	simm.s32 $0x0  }
0x4: {  	s6 =	stileid.u32;
	s15 =	simm.s32 $0x4000;
	s16 =	simm.s32 $0x8100  }
0x5: {  	s17 =	simm.s32 $0x1;
	s18 =	simm.s32 $0x2;
	s3 =	sand.u32 $0x1, s3  }
0x6: {  	s20 =	simm.s32 $0x3;
	s21 =	simm.s32 $0x0;
	s5 =	sshll.u32 s3, $0x4  }
0x7: {  	[smem:$0x7FF] =	sst s4;
	s3 =	ssub.s32 $0x2, s3;
	s5 =	sor.u32 s6, s5  }
0x8: {  	_ =	strace $0x80000047;
	s7 =	sshrl.u32 s3, $0x1;
	s6 =	sshll.u32 s5, $0xD  }
0x9: {  	s8 =	smul.u32 $0x128, s5;
	s3 =	ssub.s32 s3, s7;
	s30 =	smin.u32 s5, $0x1C  }
0xa: {  	p0 =	slt.u32 s5, $0x1C;
	s5 =	simm.s32 $0x48;
	s0 =	sadd.s32 s6, s0  }
0xb: {  	s5 =	simm.s32 @!p0 $0x40;
	s13 =	smax.u32 s3, $0x1;
	s8 =	sadd.s32 s30, s8  }
0xc: {  	s6 =	sshll.u32 s8, $0x3;
	s31 =	sshll.u32 s8, $0x7;
	s8 =	sadd.s32 s2, s8  }
0xd: {  	s7 =	sadd.s32 s1, s31;
	s10 =	sadd.s32 $0x900, s6;
	s9 =	sadd.s32 $0x100, s6  }
0xe: {  	[dreg:$0x4] =	wrdreg s7;
	s11 =	sshll.u32 s10, $0x4;
	s12 =	sshrl.u32 s10, $0x3  }
0xf: {  	v0 =	vimm.f32 $0.0e+00;
	s10 =	sadd.s32 s1, s11;
	s11 =	sadd.s32 s2, s12;
	s12 =	sadd.s32 $0x1600, s0  }
.LBB2_1:
0x10: {  	s0 =	simm.s32 $0x0;
	s3 =	simm.s32 $0x200  }
.LBB2_2:
0x11: {  	p1 =	sne.s32 s3, $0x3FE00;
	[tilespmem:s0+$0x8270] =	vst v0  }
0x12: {  	[tilespmem:s0+$0x8200] =	vst v0  }
0x13: {  	[tilespmem:s0+$0x8210] =	vst v0  }
.Ltmp0:
0x14: {  	[tilespmem:s0+$0x8220] =	vst v0;
	(pc) =	sbr.rel @p1 .LBB2_2-.Ltmp0, $4  }
0x15: {  	[tilespmem:s0+$0x8230] =	vst v0  }
0x16: {  	[tilespmem:s0+$0x8240] =	vst v0  }
0x17: {  	[tilespmem:s0+$0x8250] =	vst v0  }
0x18: {  	[tilespmem:s0+$0x8260] =	vst v0;
	s0 =	sshra.s32 s3, $0x2;
	s3 =	sadd.s32 $0x200, s3  }
0x19: {  	[tilespmem:s0+$0x8270] =	vst v0  }
0x1a: {  	[tilespmem:s0+$0x8200] =	vst v0  }
0x1b: {  	[tilespmem:s0+$0x8210] =	vst v0  }
0x1c: {  	[tilespmem:s0+$0x8220] =	vst v0  }
0x1d: {  	[tilespmem:s0+$0x8230] =	vst v0  }
0x1e: {  	[tilespmem:s0+$0x8240] =	vst v0  }
0x1f: {  	[tilespmem:s0+$0x8250] =	vst v0  }
0x20: {  	[tilespmem:s0+$0x8260] =	vst v0;
	s22 =	simm.s32 $0x0;
	s30 =	rddreg [dreg:$0x4]  }
0x21: {  	[tilespmem:s22], [sflag:$0x1] =	stream.linear.gather [hbm4b:s30+s22], $0x4000, $0x38;
	[tilespmem:$0x18200] =	vst v63  }
0x22: {  	s31 =	simm.s32 $0x8000  }
0x23: {  	[tilespmem:s31], [sflag:$0x1] =	stream.linear.gather [hbm4b:s8+s22], $0x80, $0x38;
	[tilespmem:$0x18200] =	vst v63  }
.LBB2_4:
0x24: {  	s23 =	sshll.u32 s22, $0x8  }
0x25: {  	s0 =	sadd.s32 s23, s6  }
0x26: {  	s0 =	sadd.s32 $0x80, s0  }
0x27: {  	s3 =	sshll.u32 s0, $0x4  }
0x28: {  	s0 =	sshrl.u32 s0, $0x3;
	s3 =	sadd.s32 s1, s3  }
0x29: {  	[tilespmem:s15], [sflag:$0x2] =	stream.linear.gather [hbm4b:s3+s4], $0x4000, $0x38;
	[tilespmem:$0x18200] =	vst v63  }
0x2a: {  	s0 =	sadd.s32 s2, s0  }
0x2b: {  	[tilespmem:s16], [sflag:$0x2] =	stream.linear.gather [hbm4b:s0+s4], $0x80, $0x38;
	[tilespmem:$0x18200] =	vst v63  }
0x2c: {  	_ =	swait.ge [sflag:s17], $0x4000  }
0x2d: {  	[sflag:s17] =	ssyncset.done $0x0  }
0x2e: {  	[sflag:s17] =	ssyncadd.s32 $0xFFFFC000  }
0x2f: {  	_ =	swait.ge [sflag:s17], $0x80  }
0x30: {  	[sflag:s17] =	ssyncset.done $0x0  }
0x31: {  	s26 =	simm.s32 $0x8004;
	[sflag:s17] =	ssyncadd.s32 $0xFFFFFF80  }
0x32: {  	v1 =	vld [tilespmem:s26+$0x3]  }
0x33: {  	v2 =	vld [tilespmem:s26+$0xFFFFFFFD]  }
0x34: {  	v3 =	vld [tilespmem:s26+$0xFFFFFFFE]  }
0x35: {  	v4 =	vld [tilespmem:s26+$0xFFFFFFFF]  }
0x36: {  	v5 =	vld [tilespmem:s26+$0x0]  }
0x37: {  	(v2sf) =	vpush v1, $0x0;
	v1 =	vld [tilespmem:s26+$0x1]  }
0x38: {  	(v2sf) =	vpush v2, $0x0  }
0x39: {  	(v2sf) =	vpush v3, $0x0  }
0x3a: {  	v6 =	vld [tilespmem:s26+$0x2];
	(v2sf) =	vpush v4, $0x0  }
0x3b: {  	(v2sf) =	vpush v5, $0x0  }
0x3c: {  	(v2sf) =	vpush v1, $0x0  }
0x3d: {  	v2 =	vld [tilespmem:s26+$0xFFFFFFFC];
	_ =	sdelay $0x1  }
0x3e: {  	(v2sf) =	vpush v6, $0x0  }
0x3f: {  	s24 =	simm.s32 $0x200  }
0x40: {  	v7 =	vld [tilespmem:s24+$0x80]  }
0x41: {  	v8 =	vld [tilespmem:s24+$0x100];
	(v2sf) =	vpush v2, $0x0  }
0x42: {  	v3 =	vld [tilespmem:s24+$0xFFFFFE80]  }
0x43: {  	v1 =	vld [tilespmem:s24+$0x180]  }
0x44: {  	v4 =	vld [tilespmem:s24+$0xFFFFFF00]  }
0x45: {  	v5 =	vld [tilespmem:s24+$0xFFFFFF80];
	s3 =	spop (v2sf)  }
0x46: {  	v6 =	vld [tilespmem:s24+$0x0];
	s0 =	sshll.u32 s3, $0x9;
	s14 =	spop (v2sf)  }
0x47: {  	v2 =	vld [tilespmem:s24+$0xFFFFFE00];
	s3 =	sshra.s32 s0, $0x2;
	s7 =	spop (v2sf)  }
0x48: {  	s14 =	sshll.u32 s14, $0x9;
	[tilespmem:s3+$0x8200] =	vst.add.f32.msk $0xffff, v1;
	s19 =	spop (v2sf)  }
0x49: {  	s25 =	sshra.s32 s14, $0x2;
	v1 =	vld [tilespmem:s24+$0x190];
	s29 =	spop (v2sf)  }
0x4a: {  	s28 =	sshll.u32 s7, $0x9;
	[tilespmem:s25+$0x8200] =	vst.add.f32.msk $0xffff, v3;
	s30 =	spop (v2sf);
	s7 =	sshll.u32 s29, $0x9  }
0x4b: {  	v3 =	vld [tilespmem:s24+$0xFFFFFE90];
	s29 =	sshra.s32 s7, $0x2;
	s7 =	sshll.u32 s30, $0x9  }
0x4c: {  	[tilespmem:s29+$0x8200] =	vst.add.f32.msk $0xffff, v6;
	s30 =	sshra.s32 s7, $0x2  }
0x4d: {  	s14 =	spop (v2sf);
	[tilespmem:s30+$0x8200] =	vst.add.f32.msk $0xffff, v7  }
0x4e: {  	s14 =	sshll.u32 s14, $0x9;
	v6 =	vld [tilespmem:s24+$0x10]  }
0x4f: {  	s31 =	sshra.s32 s14, $0x2;
	[tilespmem:s3+$0x8210] =	vst.add.f32.msk $0xffff, v1  }
0x50: {  	s26 =	spop (v2sf);
	[tilespmem:s31+$0x8200] =	vst.add.f32.msk $0xffff, v8  }
0x51: {  	s26 =	sshll.u32 s26, $0x9;
	v7 =	vld [tilespmem:s24+$0x90]  }
0x52: {  	s0 =	sshra.s32 s26, $0x2;
	v1 =	vld [tilespmem:s24+$0x1A0]  }
0x53: {  	s19 =	sshll.u32 s19, $0x9;
	s26 =	sshra.s32 s28, $0x2;
	[tilespmem:s0+$0x8200] =	vst.add.f32.msk $0xffff, v2  }
0x54: {  	s28 =	sshra.s32 s19, $0x2;
	[tilespmem:s26+$0x8200] =	vst.add.f32.msk $0xffff, v4  }
0x55: {  	[tilespmem:s28+$0x8200] =	vst.add.f32.msk $0xffff, v5  }
0x56: {  	v8 =	vld [tilespmem:s24+$0x110]  }
0x57: {  	[tilespmem:s25+$0x8210] =	vst.add.f32.msk $0xffff, v3  }
0x58: {  	v2 =	vld [tilespmem:s24+$0xFFFFFE10]  }
0x59: {  	v4 =	vld [tilespmem:s24+$0xFFFFFF10]  }
0x5a: {  	v5 =	vld [tilespmem:s24+$0xFFFFFF90]  }
0x5b: {  	v3 =	vld [tilespmem:s24+$0xFFFFFEA0]  }
0x5c: {  	[tilespmem:s29+$0x8210] =	vst.add.f32.msk $0xffff, v6  }
0x5d: {  	[tilespmem:s30+$0x8210] =	vst.add.f32.msk $0xffff, v7  }
0x5e: {  	[tilespmem:s3+$0x8220] =	vst.add.f32.msk $0xffff, v1  }
0x5f: {  	[tilespmem:s31+$0x8210] =	vst.add.f32.msk $0xffff, v8  }
0x60: {  	v6 =	vld [tilespmem:s24+$0xA0]  }
0x61: {  	v1 =	vld [tilespmem:s24+$0x1B0]  }
0x62: {  	[tilespmem:s0+$0x8210] =	vst.add.f32.msk $0xffff, v2  }
0x63: {  	[tilespmem:s26+$0x8210] =	vst.add.f32.msk $0xffff, v4  }
0x64: {  	[tilespmem:s28+$0x8210] =	vst.add.f32.msk $0xffff, v5  }
0x65: {  	v7 =	vld [tilespmem:s24+$0x120]  }
0x66: {  	[tilespmem:s25+$0x8220] =	vst.add.f32.msk $0xffff, v3  }
0x67: {  	v2 =	vld [tilespmem:s24+$0xFFFFFE20]  }
0x68: {  	v4 =	vld [tilespmem:s24+$0xFFFFFF20]  }
0x69: {  	v5 =	vld [tilespmem:s24+$0xFFFFFFA0]  }
0x6a: {  	[tilespmem:s30+$0x8220] =	vst.add.f32.msk $0xffff, v6  }
0x6b: {  	[tilespmem:s3+$0x8230] =	vst.add.f32.msk $0xffff, v1  }
0x6c: {  	[tilespmem:s31+$0x8220] =	vst.add.f32.msk $0xffff, v7  }
0x6d: {  	v6 =	vld [tilespmem:s24+$0xB0]  }
0x6e: {  	v1 =	vld [tilespmem:s24+$0x1C0]  }
0x6f: {  	[tilespmem:s0+$0x8220] =	vst.add.f32.msk $0xffff, v2  }
0x70: {  	[tilespmem:s26+$0x8220] =	vst.add.f32.msk $0xffff, v4  }
0x71: {  	[tilespmem:s28+$0x8220] =	vst.add.f32.msk $0xffff, v5  }
0x72: {  	v2 =	vld [tilespmem:s24+$0xFFFFFEB0]  }
0x73: {  	v7 =	vld [tilespmem:s24+$0x130]  }
0x74: {  	v3 =	vld [tilespmem:s24+$0xFFFFFF30]  }
0x75: {  	v4 =	vld [tilespmem:s24+$0xFFFFFFB0]  }
0x76: {  	[tilespmem:s30+$0x8230] =	vst.add.f32.msk $0xffff, v6  }
0x77: {  	[tilespmem:s3+$0x8240] =	vst.add.f32.msk $0xffff, v1  }
0x78: {  	[tilespmem:s25+$0x8230] =	vst.add.f32.msk $0xffff, v2  }
0x79: {  	[tilespmem:s31+$0x8230] =	vst.add.f32.msk $0xffff, v7  }
0x7a: {  	v6 =	vld [tilespmem:s24+$0xC0]  }
0x7b: {  	v1 =	vld [tilespmem:s24+$0x1D0]  }
0x7c: {  	[tilespmem:s26+$0x8230] =	vst.add.f32.msk $0xffff, v3  }
0x7d: {  	[tilespmem:s28+$0x8230] =	vst.add.f32.msk $0xffff, v4  }
0x7e: {  	v2 =	vld [tilespmem:s24+$0xFFFFFEC0]  }
0x7f: {  	v7 =	vld [tilespmem:s24+$0x140]  }
0x80: {  	v3 =	vld [tilespmem:s24+$0xFFFFFF40]  }
0x81: {  	v4 =	vld [tilespmem:s24+$0xFFFFFFC0]  }
0x82: {  	[tilespmem:s30+$0x8240] =	vst.add.f32.msk $0xffff, v6  }
0x83: {  	[tilespmem:s3+$0x8250] =	vst.add.f32.msk $0xffff, v1  }
0x84: {  	[tilespmem:s25+$0x8240] =	vst.add.f32.msk $0xffff, v2  }
0x85: {  	[tilespmem:s31+$0x8240] =	vst.add.f32.msk $0xffff, v7  }
0x86: {  	v6 =	vld [tilespmem:s24+$0xD0]  }
0x87: {  	v1 =	vld [tilespmem:s24+$0x1E0]  }
0x88: {  	[tilespmem:s26+$0x8240] =	vst.add.f32.msk $0xffff, v3  }
0x89: {  	[tilespmem:s28+$0x8240] =	vst.add.f32.msk $0xffff, v4  }
0x8a: {  	v2 =	vld [tilespmem:s24+$0xFFFFFED0]  }
0x8b: {  	v7 =	vld [tilespmem:s24+$0x150]  }
0x8c: {  	v3 =	vld [tilespmem:s24+$0xFFFFFF50]  }
0x8d: {  	v4 =	vld [tilespmem:s24+$0xFFFFFFD0]  }
0x8e: {  	[tilespmem:s3+$0x8260] =	vst.add.f32.msk $0xffff, v1  }
0x8f: {  	v1 =	vld [tilespmem:s24+$0x1F0]  }
0x90: {  	[tilespmem:s30+$0x8250] =	vst.add.f32.msk $0xffff, v6  }
0x91: {  	[tilespmem:s25+$0x8250] =	vst.add.f32.msk $0xffff, v2  }
0x92: {  	[tilespmem:s31+$0x8250] =	vst.add.f32.msk $0xffff, v7  }
0x93: {  	v6 =	vld [tilespmem:s24+$0xE0]  }
0x94: {  	[tilespmem:s3+$0x8270] =	vst.add.f32.msk $0xffff, v1  }
0x95: {  	v1 =	vld [tilespmem:s24+$0x20]  }
0x96: {  	[tilespmem:s26+$0x8250] =	vst.add.f32.msk $0xffff, v3  }
0x97: {  	[tilespmem:s28+$0x8250] =	vst.add.f32.msk $0xffff, v4  }
0x98: {  	v2 =	vld [tilespmem:s24+$0xFFFFFEE0]  }
0x99: {  	v7 =	vld [tilespmem:s24+$0x160]  }
0x9a: {  	[tilespmem:s29+$0x8220] =	vst.add.f32.msk $0xffff, v1  }
0x9b: {  	v1 =	vld [tilespmem:s24+$0xFFFFFE30]  }
0x9c: {  	v3 =	vld [tilespmem:s24+$0xFFFFFF60]  }
0x9d: {  	v5 =	vld [tilespmem:s24+$0x30]  }
0x9e: {  	v4 =	vld [tilespmem:s24+$0xFFFFFFE0]  }
0x9f: {  	[tilespmem:s30+$0x8260] =	vst.add.f32.msk $0xffff, v6  }
0xa0: {  	[tilespmem:s0+$0x8230] =	vst.add.f32.msk $0xffff, v1  }
0xa1: {  	v1 =	vld [tilespmem:s24+$0xFFFFFE40]  }
0xa2: {  	[tilespmem:s29+$0x8230] =	vst.add.f32.msk $0xffff, v5  }
0xa3: {  	v5 =	vld [tilespmem:s24+$0x40]  }
0xa4: {  	[tilespmem:s25+$0x8260] =	vst.add.f32.msk $0xffff, v2  }
0xa5: {  	[tilespmem:s31+$0x8260] =	vst.add.f32.msk $0xffff, v7  }
0xa6: {  	[tilespmem:s0+$0x8240] =	vst.add.f32.msk $0xffff, v1  }
0xa7: {  	v1 =	vld [tilespmem:s24+$0xFFFFFE50]  }
0xa8: {  	[tilespmem:s29+$0x8240] =	vst.add.f32.msk $0xffff, v5  }
0xa9: {  	v5 =	vld [tilespmem:s24+$0x50]  }
0xaa: {  	[tilespmem:s26+$0x8260] =	vst.add.f32.msk $0xffff, v3  }
0xab: {  	[tilespmem:s28+$0x8260] =	vst.add.f32.msk $0xffff, v4  }
0xac: {  	[tilespmem:s0+$0x8250] =	vst.add.f32.msk $0xffff, v1  }
0xad: {  	v1 =	vld [tilespmem:s24+$0xFFFFFE60]  }
0xae: {  	[tilespmem:s29+$0x8250] =	vst.add.f32.msk $0xffff, v5  }
0xaf: {  	v5 =	vld [tilespmem:s24+$0x60]  }
0xb0: {  	v2 =	vld [tilespmem:s24+$0xFFFFFF70]  }
0xb1: {  	v4 =	vld [tilespmem:s24+$0xFFFFFFF0]  }
0xb2: {  	[tilespmem:s0+$0x8260] =	vst.add.f32.msk $0xffff, v1  }
0xb3: {  	v1 =	vld [tilespmem:s24+$0xFFFFFEF0]  }
0xb4: {  	[tilespmem:s29+$0x8260] =	vst.add.f32.msk $0xffff, v5  }
0xb5: {  	s14 =	simm.s32 $0x800C;
	s3 =	simm.s32 $0x0;
	v3 =	vld [tilespmem:s24+$0xFFFFFE70]  }
.LBB2_5:
0xb6: {  	v5 =	vld [tilespmem:s14+$0x3];
	s3 =	sadd.s32 $0x8, s3  }
0xb7: {  	v6 =	vld [tilespmem:s14+$0xFFFFFFFD];
	p1 =	slt.u32 s3, $0x78  }
0xb8: {  	v7 =	vld [tilespmem:s14+$0xFFFFFFFE]  }
0xb9: {  	v8 =	vld [tilespmem:s14+$0xFFFFFFFF]  }
0xba: {  	v9 =	vld [tilespmem:s14+$0x0]  }
0xbb: {  	v10 =	vld [tilespmem:s14+$0x1];
	(v2sf) =	vpush v5, $0x0  }
0xbc: {  	v5 =	vld [tilespmem:s14+$0x2];
	(v2sf) =	vpush v6, $0x0  }
0xbd: {  	v6 =	vld [tilespmem:s14+$0xFFFFFFFC];
	(v2sf) =	vpush v7, $0x0  }
0xbe: {  	(v2sf) =	vpush v8, $0x0;
	v7 =	vld [tilespmem:s24+$0x70]  }
0xbf: {  	(v2sf) =	vpush v9, $0x0;
	v8 =	vld [tilespmem:s24+$0xF0]  }
0xc0: {  	(v2sf) =	vpush v10, $0x0;
	v9 =	vld [tilespmem:s24+$0x170]  }
0xc1: {  	(v2sf) =	vpush v5, $0x0;
	[tilespmem:s0+$0x8270] =	vst.add.f32.msk $0xffff, v3  }
0xc2: {  	(v2sf) =	vpush v6, $0x0;
	[tilespmem:s25+$0x8270] =	vst.add.f32.msk $0xffff, v1  }
0xc3: {  	[tilespmem:s26+$0x8270] =	vst.add.f32.msk $0xffff, v2  }
0xc4: {  	[tilespmem:s28+$0x8270] =	vst.add.f32.msk $0xffff, v4  }
0xc5: {  	[tilespmem:s29+$0x8270] =	vst.add.f32.msk $0xffff, v7  }
0xc6: {  	[tilespmem:s30+$0x8270] =	vst.add.f32.msk $0xffff, v8  }
0xc7: {  	s24 =	sadd.s32 $0x400, s24;
	[tilespmem:s31+$0x8270] =	vst.add.f32.msk $0xffff, v9  }
0xc8: {  	v1 =	vld [tilespmem:s24+$0x180]  }
0xc9: {  	v2 =	vld [tilespmem:s24+$0xFFFFFE00]  }
0xca: {  	v3 =	vld [tilespmem:s24+$0xFFFFFE80];
	s0 =	spop (v2sf)  }
0xcb: {  	v4 =	vld [tilespmem:s24+$0xFFFFFF00];
	s0 =	sshll.u32 s0, $0x9;
	s19 =	spop (v2sf)  }
0xcc: {  	s25 =	sshll.u32 s19, $0x9;
	v5 =	vld [tilespmem:s24+$0xFFFFFF80];
	s19 =	sshra.s32 s0, $0x2;
	s0 =	spop (v2sf)  }
0xcd: {  	s25 =	sshra.s32 s25, $0x2;
	s0 =	sshll.u32 s0, $0x9;
	[tilespmem:s19+$0x8200] =	vst.add.f32.msk $0xffff, v1;
	s28 =	spop (v2sf)  }
0xce: {  	s26 =	sshra.s32 s0, $0x2;
	s0 =	sshll.u32 s28, $0x9;
	v1 =	vld [tilespmem:s24+$0x190];
	s29 =	spop (v2sf)  }
0xcf: {  	s28 =	sshra.s32 s0, $0x2;
	v6 =	vld [tilespmem:s24+$0x0];
	s0 =	sshll.u32 s29, $0x9;
	s30 =	spop (v2sf)  }
0xd0: {  	s29 =	sshra.s32 s0, $0x2;
	v7 =	vld [tilespmem:s24+$0x80];
	s0 =	sshll.u32 s30, $0x9;
	s31 =	spop (v2sf)  }
0xd1: {  	s30 =	sshra.s32 s0, $0x2;
	v8 =	vld [tilespmem:s24+$0x100];
	s0 =	sshll.u32 s31, $0x9;
	s31 =	spop (v2sf)  }
0xd2: {  	s7 =	sshll.u32 s31, $0x9;
	[tilespmem:s25+$0x8200] =	vst.add.f32.msk $0xffff, v3;
	s31 =	sshra.s32 s0, $0x2  }
0xd3: {  	s0 =	sshra.s32 s7, $0x2;
	[tilespmem:s19+$0x8210] =	vst.add.f32.msk $0xffff, v1  }
0xd4: {  	v1 =	vld [tilespmem:s24+$0x1A0]  }
0xd5: {  	[tilespmem:s0+$0x8200] =	vst.add.f32.msk $0xffff, v2  }
0xd6: {  	[tilespmem:s26+$0x8200] =	vst.add.f32.msk $0xffff, v4  }
0xd7: {  	[tilespmem:s28+$0x8200] =	vst.add.f32.msk $0xffff, v5  }
0xd8: {  	[tilespmem:s29+$0x8200] =	vst.add.f32.msk $0xffff, v6  }
0xd9: {  	[tilespmem:s19+$0x8220] =	vst.add.f32.msk $0xffff, v1  }
0xda: {  	v1 =	vld [tilespmem:s24+$0x1B0]  }
0xdb: {  	[tilespmem:s30+$0x8200] =	vst.add.f32.msk $0xffff, v7  }
0xdc: {  	[tilespmem:s31+$0x8200] =	vst.add.f32.msk $0xffff, v8  }
0xdd: {  	v2 =	vld [tilespmem:s24+$0xFFFFFE10]  }
0xde: {  	v3 =	vld [tilespmem:s24+$0xFFFFFE90]  }
0xdf: {  	[tilespmem:s19+$0x8230] =	vst.add.f32.msk $0xffff, v1  }
0xe0: {  	v1 =	vld [tilespmem:s24+$0x1C0]  }
0xe1: {  	v4 =	vld [tilespmem:s24+$0xFFFFFF10]  }
0xe2: {  	v5 =	vld [tilespmem:s24+$0xFFFFFF90]  }
0xe3: {  	v6 =	vld [tilespmem:s24+$0x10]  }
0xe4: {  	v7 =	vld [tilespmem:s24+$0x90]  }
0xe5: {  	[tilespmem:s19+$0x8240] =	vst.add.f32.msk $0xffff, v1  }
0xe6: {  	v1 =	vld [tilespmem:s24+$0x1D0]  }
0xe7: {  	v8 =	vld [tilespmem:s24+$0x110]  }
0xe8: {  	[tilespmem:s0+$0x8210] =	vst.add.f32.msk $0xffff, v2  }
0xe9: {  	[tilespmem:s25+$0x8210] =	vst.add.f32.msk $0xffff, v3  }
0xea: {  	[tilespmem:s26+$0x8210] =	vst.add.f32.msk $0xffff, v4  }
0xeb: {  	[tilespmem:s19+$0x8250] =	vst.add.f32.msk $0xffff, v1  }
0xec: {  	v1 =	vld [tilespmem:s24+$0x1E0]  }
0xed: {  	[tilespmem:s28+$0x8210] =	vst.add.f32.msk $0xffff, v5  }
0xee: {  	[tilespmem:s29+$0x8210] =	vst.add.f32.msk $0xffff, v6  }
0xef: {  	[tilespmem:s30+$0x8210] =	vst.add.f32.msk $0xffff, v7  }
0xf0: {  	[tilespmem:s31+$0x8210] =	vst.add.f32.msk $0xffff, v8  }
0xf1: {  	[tilespmem:s19+$0x8260] =	vst.add.f32.msk $0xffff, v1  }
0xf2: {  	v1 =	vld [tilespmem:s24+$0x1F0]  }
0xf3: {  	v2 =	vld [tilespmem:s24+$0xFFFFFE20]  }
0xf4: {  	v3 =	vld [tilespmem:s24+$0xFFFFFEA0]  }
0xf5: {  	v4 =	vld [tilespmem:s24+$0xFFFFFF20]  }
0xf6: {  	v5 =	vld [tilespmem:s24+$0xFFFFFFA0]  }
0xf7: {  	[tilespmem:s19+$0x8270] =	vst.add.f32.msk $0xffff, v1  }
0xf8: {  	v1 =	vld [tilespmem:s24+$0x20]  }
0xf9: {  	v6 =	vld [tilespmem:s24+$0xA0]  }
0xfa: {  	v7 =	vld [tilespmem:s24+$0x120]  }
0xfb: {  	[tilespmem:s0+$0x8220] =	vst.add.f32.msk $0xffff, v2  }
0xfc: {  	[tilespmem:s25+$0x8220] =	vst.add.f32.msk $0xffff, v3  }
0xfd: {  	[tilespmem:s26+$0x8220] =	vst.add.f32.msk $0xffff, v4  }
0xfe: {  	[tilespmem:s28+$0x8220] =	vst.add.f32.msk $0xffff, v5  }
0xff: {  	[tilespmem:s29+$0x8220] =	vst.add.f32.msk $0xffff, v1  }
0x100: {  	[tilespmem:s30+$0x8220] =	vst.add.f32.msk $0xffff, v6  }
0x101: {  	[tilespmem:s31+$0x8220] =	vst.add.f32.msk $0xffff, v7  }
0x102: {  	v1 =	vld [tilespmem:s24+$0xFFFFFE30]  }
0x103: {  	v2 =	vld [tilespmem:s24+$0xFFFFFEB0]  }
0x104: {  	v3 =	vld [tilespmem:s24+$0xFFFFFF30]  }
0x105: {  	v4 =	vld [tilespmem:s24+$0xFFFFFFB0]  }
0x106: {  	v5 =	vld [tilespmem:s24+$0x30]  }
0x107: {  	v6 =	vld [tilespmem:s24+$0xB0]  }
0x108: {  	v7 =	vld [tilespmem:s24+$0x130]  }
0x109: {  	[tilespmem:s0+$0x8230] =	vst.add.f32.msk $0xffff, v1  }
0x10a: {  	[tilespmem:s25+$0x8230] =	vst.add.f32.msk $0xffff, v2  }
0x10b: {  	[tilespmem:s26+$0x8230] =	vst.add.f32.msk $0xffff, v3  }
0x10c: {  	[tilespmem:s28+$0x8230] =	vst.add.f32.msk $0xffff, v4  }
0x10d: {  	[tilespmem:s29+$0x8230] =	vst.add.f32.msk $0xffff, v5  }
0x10e: {  	[tilespmem:s30+$0x8230] =	vst.add.f32.msk $0xffff, v6  }
0x10f: {  	[tilespmem:s31+$0x8230] =	vst.add.f32.msk $0xffff, v7  }
0x110: {  	v1 =	vld [tilespmem:s24+$0xFFFFFE40]  }
0x111: {  	v2 =	vld [tilespmem:s24+$0xFFFFFEC0]  }
0x112: {  	v3 =	vld [tilespmem:s24+$0xFFFFFF40]  }
0x113: {  	v4 =	vld [tilespmem:s24+$0xFFFFFFC0]  }
0x114: {  	v5 =	vld [tilespmem:s24+$0x40]  }
0x115: {  	v6 =	vld [tilespmem:s24+$0xC0]  }
0x116: {  	v7 =	vld [tilespmem:s24+$0x140]  }
0x117: {  	[tilespmem:s0+$0x8240] =	vst.add.f32.msk $0xffff, v1  }
0x118: {  	[tilespmem:s25+$0x8240] =	vst.add.f32.msk $0xffff, v2  }
0x119: {  	[tilespmem:s26+$0x8240] =	vst.add.f32.msk $0xffff, v3  }
0x11a: {  	[tilespmem:s28+$0x8240] =	vst.add.f32.msk $0xffff, v4  }
0x11b: {  	[tilespmem:s29+$0x8240] =	vst.add.f32.msk $0xffff, v5  }
0x11c: {  	[tilespmem:s30+$0x8240] =	vst.add.f32.msk $0xffff, v6  }
0x11d: {  	[tilespmem:s31+$0x8240] =	vst.add.f32.msk $0xffff, v7  }
0x11e: {  	v1 =	vld [tilespmem:s24+$0xFFFFFE50]  }
0x11f: {  	v2 =	vld [tilespmem:s24+$0xFFFFFED0]  }
0x120: {  	v3 =	vld [tilespmem:s24+$0xFFFFFF50]  }
0x121: {  	v4 =	vld [tilespmem:s24+$0xFFFFFFD0]  }
0x122: {  	v5 =	vld [tilespmem:s24+$0x50]  }
0x123: {  	v6 =	vld [tilespmem:s24+$0xD0]  }
0x124: {  	v7 =	vld [tilespmem:s24+$0x150]  }
0x125: {  	[tilespmem:s0+$0x8250] =	vst.add.f32.msk $0xffff, v1  }
0x126: {  	[tilespmem:s25+$0x8250] =	vst.add.f32.msk $0xffff, v2  }
0x127: {  	[tilespmem:s26+$0x8250] =	vst.add.f32.msk $0xffff, v3  }
0x128: {  	[tilespmem:s28+$0x8250] =	vst.add.f32.msk $0xffff, v4  }
0x129: {  	[tilespmem:s29+$0x8250] =	vst.add.f32.msk $0xffff, v5  }
0x12a: {  	[tilespmem:s30+$0x8250] =	vst.add.f32.msk $0xffff, v6  }
0x12b: {  	[tilespmem:s31+$0x8250] =	vst.add.f32.msk $0xffff, v7  }
0x12c: {  	v1 =	vld [tilespmem:s24+$0xFFFFFE60]  }
0x12d: {  	v2 =	vld [tilespmem:s24+$0xFFFFFEE0]  }
0x12e: {  	v3 =	vld [tilespmem:s24+$0xFFFFFF60]  }
0x12f: {  	v4 =	vld [tilespmem:s24+$0xFFFFFFE0]  }
0x130: {  	v5 =	vld [tilespmem:s24+$0x60]  }
0x131: {  	v6 =	vld [tilespmem:s24+$0xE0]  }
0x132: {  	v7 =	vld [tilespmem:s24+$0x160]  }
0x133: {  	[tilespmem:s0+$0x8260] =	vst.add.f32.msk $0xffff, v1  }
0x134: {  	[tilespmem:s25+$0x8260] =	vst.add.f32.msk $0xffff, v2  }
0x135: {  	[tilespmem:s26+$0x8260] =	vst.add.f32.msk $0xffff, v3  }
0x136: {  	[tilespmem:s28+$0x8260] =	vst.add.f32.msk $0xffff, v4  }
0x137: {  	[tilespmem:s29+$0x8260] =	vst.add.f32.msk $0xffff, v5  }
0x138: {  	[tilespmem:s30+$0x8260] =	vst.add.f32.msk $0xffff, v6  }
.Ltmp1:
0x139: {  	[tilespmem:s31+$0x8260] =	vst.add.f32.msk $0xffff, v7;
	(pc) =	sbr.rel @p1 .LBB2_5-.Ltmp1, $4  }
0x13a: {  	v3 =	vld [tilespmem:s24+$0xFFFFFE70]  }
0x13b: {  	v1 =	vld [tilespmem:s24+$0xFFFFFEF0]  }
0x13c: {  	v2 =	vld [tilespmem:s24+$0xFFFFFF70]  }
0x13d: {  	s14 =	sadd.s32 $0x8, s14;
	v4 =	vld [tilespmem:s24+$0xFFFFFFF0]  }
0x13e: {  	v5 =	vld [tilespmem:s24+$0x70]  }
0x13f: {  	v6 =	vld [tilespmem:s24+$0xF0]  }
0x140: {  	v7 =	vld [tilespmem:s24+$0x170]  }
0x141: {  	[tilespmem:s0+$0x8270] =	vst.add.f32.msk $0xffff, v3  }
0x142: {  	[tilespmem:s25+$0x8270] =	vst.add.f32.msk $0xffff, v1  }
0x143: {  	[tilespmem:s26+$0x8270] =	vst.add.f32.msk $0xffff, v2  }
0x144: {  	p1 =	seq.s32 s22, $0x8;
	[tilespmem:s28+$0x8270] =	vst.add.f32.msk $0xffff, v4  }
0x145: {  	s0 =	sadd.s32 @!p1 s23, s9;
	[tilespmem:s29+$0x8270] =	vst.add.f32.msk $0xffff, v5  }
0x146: {  	s3 =	sshll.u32 @!p1 s0, $0x4;
	[tilespmem:s30+$0x8270] =	vst.add.f32.msk $0xffff, v6  }
0x147: {  	s7 =	simm.s32 @!p1 $0x0;
	s0 =	sshrl.u32 @!p1 s0, $0x3;
	s3 =	sadd.s32 @!p1 s1, s3;
	[tilespmem:s31+$0x8270] =	vst.add.f32.msk $0xffff, v7  }
0x148: {  	[tilespmem:s7], [sflag:$0x1] =	stream.linear.gather @!p1 [hbm4b:s3+s7], $0x4000, $0x38;
	[tilespmem:$0x18200] =	vst v63  }
0x149: {  	s0 =	sadd.s32 @!p1 s2, s0;
	s3 =	simm.s32 @!p1 $0x8000  }
0x14a: {  	[tilespmem:s3], [sflag:$0x1] =	stream.linear.gather @!p1 [hbm4b:s0+s7], $0x80, $0x38;
	[tilespmem:$0x18200] =	vst v63  }
0x14b: {  	_ =	swait.ge [sflag:s18], $0x4000  }
0x14c: {  	[sflag:s18] =	ssyncset.done $0x0  }
0x14d: {  	[sflag:s18] =	ssyncadd.s32 $0xFFFFC000  }
0x14e: {  	_ =	swait.ge [sflag:s18], $0x80  }
0x14f: {  	[sflag:s18] =	ssyncset.done $0x0  }
0x150: {  	s24 =	simm.s32 $0x8104;
	[sflag:s18] =	ssyncadd.s32 $0xFFFFFF80  }
0x151: {  	v1 =	vld [tilespmem:s24+$0x3]  }
0x152: {  	v2 =	vld [tilespmem:s24+$0xFFFFFFFD]  }
0x153: {  	v3 =	vld [tilespmem:s24+$0xFFFFFFFE]  }
0x154: {  	v4 =	vld [tilespmem:s24+$0xFFFFFFFF]  }
0x155: {  	v5 =	vld [tilespmem:s24+$0x0]  }
0x156: {  	(v2sf) =	vpush v1, $0x0  }
0x157: {  	v1 =	vld [tilespmem:s24+$0x1];
	(v2sf) =	vpush v2, $0x0  }
0x158: {  	v6 =	vld [tilespmem:s24+$0x2];
	(v2sf) =	vpush v3, $0x0  }
0x159: {  	v2 =	vld [tilespmem:s24+$0xFFFFFFFC];
	(v2sf) =	vpush v4, $0x0  }
0x15a: {  	(v2sf) =	vpush v5, $0x0;
	_ =	sdelay $0x1  }
0x15b: {  	(v2sf) =	vpush v1, $0x0  }
0x15c: {  	(v2sf) =	vpush v6, $0x0  }
0x15d: {  	(v2sf) =	vpush v2, $0x0  }
0x15e: {  	s23 =	simm.s32 $0x4200  }
0x15f: {  	v7 =	vld [tilespmem:s23+$0x80]  }
0x160: {  	v8 =	vld [tilespmem:s23+$0x100]  }
0x161: {  	v3 =	vld [tilespmem:s23+$0xFFFFFE80]  }
0x162: {  	v1 =	vld [tilespmem:s23+$0x180]  }
0x163: {  	v4 =	vld [tilespmem:s23+$0xFFFFFF00]  }
0x164: {  	v5 =	vld [tilespmem:s23+$0xFFFFFF80];
	s25 =	spop (v2sf)  }
0x165: {  	v6 =	vld [tilespmem:s23+$0x0];
	s0 =	sshll.u32 s25, $0x9;
	s26 =	spop (v2sf)  }
0x166: {  	v2 =	vld [tilespmem:s23+$0xFFFFFE00];
	s3 =	sshra.s32 s0, $0x2;
	s31 =	spop (v2sf)  }
0x167: {  	s7 =	sshll.u32 s26, $0x9;
	[tilespmem:s3+$0x8200] =	vst.add.f32.msk $0xffff, v1;
	s14 =	spop (v2sf)  }
0x168: {  	s24 =	sshra.s32 s7, $0x2;
	v1 =	vld [tilespmem:s23+$0x190];
	s19 =	spop (v2sf)  }
0x169: {  	[tilespmem:s24+$0x8200] =	vst.add.f32.msk $0xffff, v3;
	s19 =	sshll.u32 s19, $0x9  }
0x16a: {  	s29 =	spop (v2sf);
	v3 =	vld [tilespmem:s23+$0xFFFFFE90];
	s28 =	sshra.s32 s19, $0x2  }
0x16b: {  	s7 =	spop (v2sf);
	[tilespmem:s28+$0x8200] =	vst.add.f32.msk $0xffff, v6  }
0x16c: {  	s14 =	sshll.u32 s14, $0x9;
	s26 =	spop (v2sf);
	v6 =	vld [tilespmem:s23+$0x10]  }
0x16d: {  	s7 =	sshll.u32 s7, $0x9;
	s25 =	sshll.u32 s26, $0x9;
	s26 =	sshra.s32 s14, $0x2;
	[tilespmem:s3+$0x8210] =	vst.add.f32.msk $0xffff, v1  }
0x16e: {  	s30 =	sshra.s32 s7, $0x2;
	[tilespmem:s26+$0x8200] =	vst.add.f32.msk $0xffff, v5  }
0x16f: {  	[tilespmem:s30+$0x8200] =	vst.add.f32.msk $0xffff, v8  }
0x170: {  	s31 =	sshll.u32 s31, $0x9;
	s0 =	sshra.s32 s25, $0x2;
	v1 =	vld [tilespmem:s23+$0x1A0]  }
0x171: {  	s25 =	sshra.s32 s31, $0x2;
	[tilespmem:s0+$0x8200] =	vst.add.f32.msk $0xffff, v2  }
0x172: {  	[tilespmem:s25+$0x8200] =	vst.add.f32.msk $0xffff, v4  }
0x173: {  	v5 =	vld [tilespmem:s23+$0xFFFFFF90]  }
0x174: {  	s31 =	sshll.u32 s29, $0x9;
	v8 =	vld [tilespmem:s23+$0x110]  }
0x175: {  	s29 =	sshra.s32 s31, $0x2;
	[tilespmem:s24+$0x8210] =	vst.add.f32.msk $0xffff, v3  }
0x176: {  	[tilespmem:s29+$0x8200] =	vst.add.f32.msk $0xffff, v7  }
0x177: {  	v2 =	vld [tilespmem:s23+$0xFFFFFE10]  }
0x178: {  	v4 =	vld [tilespmem:s23+$0xFFFFFF10]  }
0x179: {  	v3 =	vld [tilespmem:s23+$0xFFFFFEA0]  }
0x17a: {  	v7 =	vld [tilespmem:s23+$0x90]  }
0x17b: {  	[tilespmem:s28+$0x8210] =	vst.add.f32.msk $0xffff, v6  }
0x17c: {  	[tilespmem:s3+$0x8220] =	vst.add.f32.msk $0xffff, v1  }
0x17d: {  	[tilespmem:s26+$0x8210] =	vst.add.f32.msk $0xffff, v5  }
0x17e: {  	[tilespmem:s30+$0x8210] =	vst.add.f32.msk $0xffff, v8  }
0x17f: {  	v1 =	vld [tilespmem:s23+$0x1B0]  }
0x180: {  	[tilespmem:s0+$0x8210] =	vst.add.f32.msk $0xffff, v2  }
0x181: {  	[tilespmem:s25+$0x8210] =	vst.add.f32.msk $0xffff, v4  }
0x182: {  	v5 =	vld [tilespmem:s23+$0xFFFFFFA0]  }
0x183: {  	[tilespmem:s24+$0x8220] =	vst.add.f32.msk $0xffff, v3  }
0x184: {  	[tilespmem:s29+$0x8210] =	vst.add.f32.msk $0xffff, v7  }
0x185: {  	v2 =	vld [tilespmem:s23+$0xFFFFFE20]  }
0x186: {  	v4 =	vld [tilespmem:s23+$0xFFFFFF20]  }
0x187: {  	v7 =	vld [tilespmem:s23+$0x120]  }
0x188: {  	v6 =	vld [tilespmem:s23+$0xA0]  }
0x189: {  	[tilespmem:s3+$0x8230] =	vst.add.f32.msk $0xffff, v1  }
0x18a: {  	[tilespmem:s26+$0x8220] =	vst.add.f32.msk $0xffff, v5  }
0x18b: {  	v1 =	vld [tilespmem:s23+$0x1C0]  }
0x18c: {  	[tilespmem:s0+$0x8220] =	vst.add.f32.msk $0xffff, v2  }
0x18d: {  	[tilespmem:s25+$0x8220] =	vst.add.f32.msk $0xffff, v4  }
0x18e: {  	[tilespmem:s30+$0x8220] =	vst.add.f32.msk $0xffff, v7  }
0x18f: {  	v2 =	vld [tilespmem:s23+$0xFFFFFEB0]  }
0x190: {  	v4 =	vld [tilespmem:s23+$0xFFFFFFB0]  }
0x191: {  	[tilespmem:s29+$0x8220] =	vst.add.f32.msk $0xffff, v6  }
0x192: {  	v3 =	vld [tilespmem:s23+$0xFFFFFF30]  }
0x193: {  	v7 =	vld [tilespmem:s23+$0x130]  }
0x194: {  	v6 =	vld [tilespmem:s23+$0xB0]  }
0x195: {  	[tilespmem:s3+$0x8240] =	vst.add.f32.msk $0xffff, v1  }
0x196: {  	[tilespmem:s24+$0x8230] =	vst.add.f32.msk $0xffff, v2  }
0x197: {  	[tilespmem:s26+$0x8230] =	vst.add.f32.msk $0xffff, v4  }
0x198: {  	v1 =	vld [tilespmem:s23+$0x1D0]  }
0x199: {  	[tilespmem:s25+$0x8230] =	vst.add.f32.msk $0xffff, v3  }
0x19a: {  	[tilespmem:s30+$0x8230] =	vst.add.f32.msk $0xffff, v7  }
0x19b: {  	v2 =	vld [tilespmem:s23+$0xFFFFFEC0]  }
0x19c: {  	v4 =	vld [tilespmem:s23+$0xFFFFFFC0]  }
0x19d: {  	[tilespmem:s29+$0x8230] =	vst.add.f32.msk $0xffff, v6  }
0x19e: {  	v3 =	vld [tilespmem:s23+$0xFFFFFF40]  }
0x19f: {  	v7 =	vld [tilespmem:s23+$0x140]  }
0x1a0: {  	v6 =	vld [tilespmem:s23+$0xC0]  }
0x1a1: {  	[tilespmem:s3+$0x8250] =	vst.add.f32.msk $0xffff, v1  }
0x1a2: {  	[tilespmem:s24+$0x8240] =	vst.add.f32.msk $0xffff, v2  }
0x1a3: {  	[tilespmem:s26+$0x8240] =	vst.add.f32.msk $0xffff, v4  }
0x1a4: {  	v1 =	vld [tilespmem:s23+$0x1E0]  }
0x1a5: {  	[tilespmem:s25+$0x8240] =	vst.add.f32.msk $0xffff, v3  }
0x1a6: {  	[tilespmem:s30+$0x8240] =	vst.add.f32.msk $0xffff, v7  }
0x1a7: {  	v2 =	vld [tilespmem:s23+$0xFFFFFED0]  }
0x1a8: {  	v4 =	vld [tilespmem:s23+$0xFFFFFFD0]  }
0x1a9: {  	[tilespmem:s29+$0x8240] =	vst.add.f32.msk $0xffff, v6  }
0x1aa: {  	v3 =	vld [tilespmem:s23+$0xFFFFFF50]  }
0x1ab: {  	v7 =	vld [tilespmem:s23+$0x150]  }
0x1ac: {  	v6 =	vld [tilespmem:s23+$0xD0]  }
0x1ad: {  	[tilespmem:s3+$0x8260] =	vst.add.f32.msk $0xffff, v1  }
0x1ae: {  	v1 =	vld [tilespmem:s23+$0x1F0]  }
0x1af: {  	[tilespmem:s24+$0x8250] =	vst.add.f32.msk $0xffff, v2  }
0x1b0: {  	[tilespmem:s26+$0x8250] =	vst.add.f32.msk $0xffff, v4  }
0x1b1: {  	[tilespmem:s25+$0x8250] =	vst.add.f32.msk $0xffff, v3  }
0x1b2: {  	[tilespmem:s30+$0x8250] =	vst.add.f32.msk $0xffff, v7  }
0x1b3: {  	[tilespmem:s3+$0x8270] =	vst.add.f32.msk $0xffff, v1  }
0x1b4: {  	v1 =	vld [tilespmem:s23+$0x20]  }
0x1b5: {  	v2 =	vld [tilespmem:s23+$0xFFFFFEE0]  }
0x1b6: {  	v4 =	vld [tilespmem:s23+$0xFFFFFFE0]  }
0x1b7: {  	[tilespmem:s29+$0x8250] =	vst.add.f32.msk $0xffff, v6  }
0x1b8: {  	v3 =	vld [tilespmem:s23+$0xFFFFFF60]  }
0x1b9: {  	[tilespmem:s28+$0x8220] =	vst.add.f32.msk $0xffff, v1  }
0x1ba: {  	v1 =	vld [tilespmem:s23+$0xFFFFFE30]  }
0x1bb: {  	v7 =	vld [tilespmem:s23+$0x160]  }
0x1bc: {  	v5 =	vld [tilespmem:s23+$0x30]  }
0x1bd: {  	v6 =	vld [tilespmem:s23+$0xE0]  }
0x1be: {  	[tilespmem:s24+$0x8260] =	vst.add.f32.msk $0xffff, v2  }
0x1bf: {  	[tilespmem:s0+$0x8230] =	vst.add.f32.msk $0xffff, v1  }
0x1c0: {  	v1 =	vld [tilespmem:s23+$0xFFFFFE40]  }
0x1c1: {  	[tilespmem:s28+$0x8230] =	vst.add.f32.msk $0xffff, v5  }
0x1c2: {  	v5 =	vld [tilespmem:s23+$0x40]  }
0x1c3: {  	[tilespmem:s26+$0x8260] =	vst.add.f32.msk $0xffff, v4  }
0x1c4: {  	[tilespmem:s25+$0x8260] =	vst.add.f32.msk $0xffff, v3  }
0x1c5: {  	[tilespmem:s0+$0x8240] =	vst.add.f32.msk $0xffff, v1  }
0x1c6: {  	v1 =	vld [tilespmem:s23+$0xFFFFFE50]  }
0x1c7: {  	[tilespmem:s28+$0x8240] =	vst.add.f32.msk $0xffff, v5  }
0x1c8: {  	v5 =	vld [tilespmem:s23+$0x50]  }
0x1c9: {  	[tilespmem:s30+$0x8260] =	vst.add.f32.msk $0xffff, v7  }
0x1ca: {  	v4 =	vld [tilespmem:s23+$0xFFFFFFF0]  }
0x1cb: {  	[tilespmem:s0+$0x8250] =	vst.add.f32.msk $0xffff, v1  }
0x1cc: {  	v1 =	vld [tilespmem:s23+$0xFFFFFE60]  }
0x1cd: {  	[tilespmem:s28+$0x8250] =	vst.add.f32.msk $0xffff, v5  }
0x1ce: {  	v5 =	vld [tilespmem:s23+$0x60]  }
0x1cf: {  	[tilespmem:s29+$0x8260] =	vst.add.f32.msk $0xffff, v6  }
0x1d0: {  	v2 =	vld [tilespmem:s23+$0xFFFFFF70]  }
0x1d1: {  	[tilespmem:s0+$0x8260] =	vst.add.f32.msk $0xffff, v1  }
0x1d2: {  	v1 =	vld [tilespmem:s23+$0xFFFFFEF0]  }
0x1d3: {  	[tilespmem:s28+$0x8260] =	vst.add.f32.msk $0xffff, v5  }
0x1d4: {  	s14 =	simm.s32 $0x810C;
	s3 =	simm.s32 $0x0;
	v3 =	vld [tilespmem:s23+$0xFFFFFE70]  }
.LBB2_7:
0x1d5: {  	v5 =	vld [tilespmem:s14+$0x3];
	s3 =	sadd.s32 $0x8, s3  }
0x1d6: {  	v6 =	vld [tilespmem:s14+$0xFFFFFFFD];
	p1 =	slt.u32 s3, $0x78  }
0x1d7: {  	v7 =	vld [tilespmem:s14+$0xFFFFFFFE]  }
0x1d8: {  	v8 =	vld [tilespmem:s14+$0xFFFFFFFF]  }
0x1d9: {  	v9 =	vld [tilespmem:s14+$0x0]  }
0x1da: {  	v10 =	vld [tilespmem:s14+$0x1];
	(v2sf) =	vpush v5, $0x0  }
0x1db: {  	v5 =	vld [tilespmem:s14+$0x2];
	(v2sf) =	vpush v6, $0x0  }
0x1dc: {  	v6 =	vld [tilespmem:s14+$0xFFFFFFFC];
	(v2sf) =	vpush v7, $0x0  }
0x1dd: {  	(v2sf) =	vpush v8, $0x0;
	v7 =	vld [tilespmem:s23+$0x70]  }
0x1de: {  	(v2sf) =	vpush v9, $0x0;
	v8 =	vld [tilespmem:s23+$0xF0]  }
0x1df: {  	(v2sf) =	vpush v10, $0x0;
	v9 =	vld [tilespmem:s23+$0x170]  }
0x1e0: {  	(v2sf) =	vpush v5, $0x0;
	[tilespmem:s0+$0x8270] =	vst.add.f32.msk $0xffff, v3  }
0x1e1: {  	(v2sf) =	vpush v6, $0x0;
	[tilespmem:s24+$0x8270] =	vst.add.f32.msk $0xffff, v1  }
0x1e2: {  	[tilespmem:s25+$0x8270] =	vst.add.f32.msk $0xffff, v2  }
0x1e3: {  	[tilespmem:s26+$0x8270] =	vst.add.f32.msk $0xffff, v4  }
0x1e4: {  	[tilespmem:s28+$0x8270] =	vst.add.f32.msk $0xffff, v7  }
0x1e5: {  	[tilespmem:s29+$0x8270] =	vst.add.f32.msk $0xffff, v8  }
0x1e6: {  	s23 =	sadd.s32 $0x400, s23;
	[tilespmem:s30+$0x8270] =	vst.add.f32.msk $0xffff, v9  }
0x1e7: {  	v1 =	vld [tilespmem:s23+$0x180]  }
0x1e8: {  	v2 =	vld [tilespmem:s23+$0xFFFFFE00]  }
0x1e9: {  	v3 =	vld [tilespmem:s23+$0xFFFFFE80];
	s0 =	spop (v2sf)  }
0x1ea: {  	v4 =	vld [tilespmem:s23+$0xFFFFFF00];
	s0 =	sshll.u32 s0, $0x9;
	s7 =	spop (v2sf)  }
0x1eb: {  	s7 =	sshll.u32 s7, $0x9;
	v5 =	vld [tilespmem:s23+$0xFFFFFF80];
	s19 =	sshra.s32 s0, $0x2;
	s0 =	spop (v2sf)  }
0x1ec: {  	s24 =	sshra.s32 s7, $0x2;
	s0 =	sshll.u32 s0, $0x9;
	[tilespmem:s19+$0x8200] =	vst.add.f32.msk $0xffff, v1;
	s7 =	spop (v2sf)  }
0x1ed: {  	s25 =	sshra.s32 s0, $0x2;
	s0 =	sshll.u32 s7, $0x9;
	v1 =	vld [tilespmem:s23+$0x190];
	s7 =	spop (v2sf)  }
0x1ee: {  	s26 =	sshra.s32 s0, $0x2;
	v6 =	vld [tilespmem:s23+$0x0];
	s0 =	sshll.u32 s7, $0x9;
	s7 =	spop (v2sf)  }
0x1ef: {  	s28 =	sshra.s32 s0, $0x2;
	v7 =	vld [tilespmem:s23+$0x80];
	s0 =	sshll.u32 s7, $0x9;
	s7 =	spop (v2sf)  }
0x1f0: {  	s29 =	sshra.s32 s0, $0x2;
	v8 =	vld [tilespmem:s23+$0x100];
	s0 =	sshll.u32 s7, $0x9;
	s7 =	spop (v2sf)  }
0x1f1: {  	s7 =	sshll.u32 s7, $0x9;
	[tilespmem:s24+$0x8200] =	vst.add.f32.msk $0xffff, v3;
	s30 =	sshra.s32 s0, $0x2  }
0x1f2: {  	s0 =	sshra.s32 s7, $0x2;
	[tilespmem:s19+$0x8210] =	vst.add.f32.msk $0xffff, v1  }
0x1f3: {  	v1 =	vld [tilespmem:s23+$0x1A0]  }
0x1f4: {  	[tilespmem:s0+$0x8200] =	vst.add.f32.msk $0xffff, v2  }
0x1f5: {  	[tilespmem:s25+$0x8200] =	vst.add.f32.msk $0xffff, v4  }
0x1f6: {  	[tilespmem:s26+$0x8200] =	vst.add.f32.msk $0xffff, v5  }
0x1f7: {  	[tilespmem:s28+$0x8200] =	vst.add.f32.msk $0xffff, v6  }
0x1f8: {  	[tilespmem:s19+$0x8220] =	vst.add.f32.msk $0xffff, v1  }
0x1f9: {  	v1 =	vld [tilespmem:s23+$0x1B0]  }
0x1fa: {  	[tilespmem:s29+$0x8200] =	vst.add.f32.msk $0xffff, v7  }
0x1fb: {  	[tilespmem:s30+$0x8200] =	vst.add.f32.msk $0xffff, v8  }
0x1fc: {  	v2 =	vld [tilespmem:s23+$0xFFFFFE10]  }
0x1fd: {  	v3 =	vld [tilespmem:s23+$0xFFFFFE90]  }
0x1fe: {  	[tilespmem:s19+$0x8230] =	vst.add.f32.msk $0xffff, v1  }
0x1ff: {  	v1 =	vld [tilespmem:s23+$0x1C0]  }
0x200: {  	v4 =	vld [tilespmem:s23+$0xFFFFFF10]  }
0x201: {  	v5 =	vld [tilespmem:s23+$0xFFFFFF90]  }
0x202: {  	v6 =	vld [tilespmem:s23+$0x10]  }
0x203: {  	v7 =	vld [tilespmem:s23+$0x90]  }
0x204: {  	[tilespmem:s19+$0x8240] =	vst.add.f32.msk $0xffff, v1  }
0x205: {  	v1 =	vld [tilespmem:s23+$0x1D0]  }
0x206: {  	v8 =	vld [tilespmem:s23+$0x110]  }
0x207: {  	[tilespmem:s0+$0x8210] =	vst.add.f32.msk $0xffff, v2  }
0x208: {  	[tilespmem:s24+$0x8210] =	vst.add.f32.msk $0xffff, v3  }
0x209: {  	[tilespmem:s25+$0x8210] =	vst.add.f32.msk $0xffff, v4  }
0x20a: {  	[tilespmem:s19+$0x8250] =	vst.add.f32.msk $0xffff, v1  }
0x20b: {  	v1 =	vld [tilespmem:s23+$0x1E0]  }
0x20c: {  	[tilespmem:s26+$0x8210] =	vst.add.f32.msk $0xffff, v5  }
0x20d: {  	[tilespmem:s28+$0x8210] =	vst.add.f32.msk $0xffff, v6  }
0x20e: {  	[tilespmem:s29+$0x8210] =	vst.add.f32.msk $0xffff, v7  }
0x20f: {  	[tilespmem:s30+$0x8210] =	vst.add.f32.msk $0xffff, v8  }
0x210: {  	[tilespmem:s19+$0x8260] =	vst.add.f32.msk $0xffff, v1  }
0x211: {  	v1 =	vld [tilespmem:s23+$0x1F0]  }
0x212: {  	v2 =	vld [tilespmem:s23+$0xFFFFFE20]  }
0x213: {  	v3 =	vld [tilespmem:s23+$0xFFFFFEA0]  }
0x214: {  	v4 =	vld [tilespmem:s23+$0xFFFFFF20]  }
0x215: {  	v5 =	vld [tilespmem:s23+$0xFFFFFFA0]  }
0x216: {  	[tilespmem:s19+$0x8270] =	vst.add.f32.msk $0xffff, v1  }
0x217: {  	v1 =	vld [tilespmem:s23+$0x20]  }
0x218: {  	v6 =	vld [tilespmem:s23+$0xA0]  }
0x219: {  	v7 =	vld [tilespmem:s23+$0x120]  }
0x21a: {  	[tilespmem:s0+$0x8220] =	vst.add.f32.msk $0xffff, v2  }
0x21b: {  	[tilespmem:s24+$0x8220] =	vst.add.f32.msk $0xffff, v3  }
0x21c: {  	[tilespmem:s25+$0x8220] =	vst.add.f32.msk $0xffff, v4  }
0x21d: {  	[tilespmem:s26+$0x8220] =	vst.add.f32.msk $0xffff, v5  }
0x21e: {  	[tilespmem:s28+$0x8220] =	vst.add.f32.msk $0xffff, v1  }
0x21f: {  	[tilespmem:s29+$0x8220] =	vst.add.f32.msk $0xffff, v6  }
0x220: {  	[tilespmem:s30+$0x8220] =	vst.add.f32.msk $0xffff, v7  }
0x221: {  	v1 =	vld [tilespmem:s23+$0xFFFFFE30]  }
0x222: {  	v2 =	vld [tilespmem:s23+$0xFFFFFEB0]  }
0x223: {  	v3 =	vld [tilespmem:s23+$0xFFFFFF30]  }
0x224: {  	v4 =	vld [tilespmem:s23+$0xFFFFFFB0]  }
0x225: {  	v5 =	vld [tilespmem:s23+$0x30]  }
0x226: {  	v6 =	vld [tilespmem:s23+$0xB0]  }
0x227: {  	v7 =	vld [tilespmem:s23+$0x130]  }
0x228: {  	[tilespmem:s0+$0x8230] =	vst.add.f32.msk $0xffff, v1  }
0x229: {  	[tilespmem:s24+$0x8230] =	vst.add.f32.msk $0xffff, v2  }
0x22a: {  	[tilespmem:s25+$0x8230] =	vst.add.f32.msk $0xffff, v3  }
0x22b: {  	[tilespmem:s26+$0x8230] =	vst.add.f32.msk $0xffff, v4  }
0x22c: {  	[tilespmem:s28+$0x8230] =	vst.add.f32.msk $0xffff, v5  }
0x22d: {  	[tilespmem:s29+$0x8230] =	vst.add.f32.msk $0xffff, v6  }
0x22e: {  	[tilespmem:s30+$0x8230] =	vst.add.f32.msk $0xffff, v7  }
0x22f: {  	v1 =	vld [tilespmem:s23+$0xFFFFFE40]  }
0x230: {  	v2 =	vld [tilespmem:s23+$0xFFFFFEC0]  }
0x231: {  	v3 =	vld [tilespmem:s23+$0xFFFFFF40]  }
0x232: {  	v4 =	vld [tilespmem:s23+$0xFFFFFFC0]  }
0x233: {  	v5 =	vld [tilespmem:s23+$0x40]  }
0x234: {  	v6 =	vld [tilespmem:s23+$0xC0]  }
0x235: {  	v7 =	vld [tilespmem:s23+$0x140]  }
0x236: {  	[tilespmem:s0+$0x8240] =	vst.add.f32.msk $0xffff, v1  }
0x237: {  	[tilespmem:s24+$0x8240] =	vst.add.f32.msk $0xffff, v2  }
0x238: {  	[tilespmem:s25+$0x8240] =	vst.add.f32.msk $0xffff, v3  }
0x239: {  	[tilespmem:s26+$0x8240] =	vst.add.f32.msk $0xffff, v4  }
0x23a: {  	[tilespmem:s28+$0x8240] =	vst.add.f32.msk $0xffff, v5  }
0x23b: {  	[tilespmem:s29+$0x8240] =	vst.add.f32.msk $0xffff, v6  }
0x23c: {  	[tilespmem:s30+$0x8240] =	vst.add.f32.msk $0xffff, v7  }
0x23d: {  	v1 =	vld [tilespmem:s23+$0xFFFFFE50]  }
0x23e: {  	v2 =	vld [tilespmem:s23+$0xFFFFFED0]  }
0x23f: {  	v3 =	vld [tilespmem:s23+$0xFFFFFF50]  }
0x240: {  	v4 =	vld [tilespmem:s23+$0xFFFFFFD0]  }
0x241: {  	v5 =	vld [tilespmem:s23+$0x50]  }
0x242: {  	v6 =	vld [tilespmem:s23+$0xD0]  }
0x243: {  	v7 =	vld [tilespmem:s23+$0x150]  }
0x244: {  	[tilespmem:s0+$0x8250] =	vst.add.f32.msk $0xffff, v1  }
0x245: {  	[tilespmem:s24+$0x8250] =	vst.add.f32.msk $0xffff, v2  }
0x246: {  	[tilespmem:s25+$0x8250] =	vst.add.f32.msk $0xffff, v3  }
0x247: {  	[tilespmem:s26+$0x8250] =	vst.add.f32.msk $0xffff, v4  }
0x248: {  	[tilespmem:s28+$0x8250] =	vst.add.f32.msk $0xffff, v5  }
0x249: {  	[tilespmem:s29+$0x8250] =	vst.add.f32.msk $0xffff, v6  }
0x24a: {  	[tilespmem:s30+$0x8250] =	vst.add.f32.msk $0xffff, v7  }
0x24b: {  	v1 =	vld [tilespmem:s23+$0xFFFFFE60]  }
0x24c: {  	v2 =	vld [tilespmem:s23+$0xFFFFFEE0]  }
0x24d: {  	v3 =	vld [tilespmem:s23+$0xFFFFFF60]  }
0x24e: {  	v4 =	vld [tilespmem:s23+$0xFFFFFFE0]  }
0x24f: {  	v5 =	vld [tilespmem:s23+$0x60]  }
0x250: {  	v6 =	vld [tilespmem:s23+$0xE0]  }
0x251: {  	v7 =	vld [tilespmem:s23+$0x160]  }
0x252: {  	[tilespmem:s0+$0x8260] =	vst.add.f32.msk $0xffff, v1  }
0x253: {  	[tilespmem:s24+$0x8260] =	vst.add.f32.msk $0xffff, v2  }
0x254: {  	[tilespmem:s25+$0x8260] =	vst.add.f32.msk $0xffff, v3  }
0x255: {  	[tilespmem:s26+$0x8260] =	vst.add.f32.msk $0xffff, v4  }
0x256: {  	[tilespmem:s28+$0x8260] =	vst.add.f32.msk $0xffff, v5  }
0x257: {  	[tilespmem:s29+$0x8260] =	vst.add.f32.msk $0xffff, v6  }
.Ltmp2:
0x258: {  	[tilespmem:s30+$0x8260] =	vst.add.f32.msk $0xffff, v7;
	(pc) =	sbr.rel @p1 .LBB2_7-.Ltmp2, $4  }
0x259: {  	v3 =	vld [tilespmem:s23+$0xFFFFFE70]  }
0x25a: {  	v1 =	vld [tilespmem:s23+$0xFFFFFEF0]  }
0x25b: {  	v2 =	vld [tilespmem:s23+$0xFFFFFF70]  }
0x25c: {  	s14 =	sadd.s32 $0x8, s14;
	v4 =	vld [tilespmem:s23+$0xFFFFFFF0]  }
0x25d: {  	v5 =	vld [tilespmem:s23+$0x70]  }
0x25e: {  	v6 =	vld [tilespmem:s23+$0xF0]  }
0x25f: {  	v7 =	vld [tilespmem:s23+$0x170]  }
0x260: {  	s22 =	sadd.s32 $0x1, s22;
	[tilespmem:s0+$0x8270] =	vst.add.f32.msk $0xffff, v3  }
0x261: {  	p1 =	sne.s32 s22, $0x9;
	[tilespmem:s24+$0x8270] =	vst.add.f32.msk $0xffff, v1  }
.Ltmp3:
0x262: {  	[tilespmem:s25+$0x8270] =	vst.add.f32.msk $0xffff, v2;
	(pc) =	sbr.rel @p1 .LBB2_4-.Ltmp3, $4  }
0x263: {  	[tilespmem:s26+$0x8270] =	vst.add.f32.msk $0xffff, v4  }
0x264: {  	[tilespmem:s28+$0x8270] =	vst.add.f32.msk $0xffff, v5  }
0x265: {  	[tilespmem:s29+$0x8270] =	vst.add.f32.msk $0xffff, v6  }
0x266: {  	[tilespmem:s30+$0x8270] =	vst.add.f32.msk $0xffff, v7  }
0x267: {  	s0 =	simm.s32 @p0 $0x0;
	s3 =	simm.s32 @p0 $0x3  }
0x268: {  	[tilespmem:s0], [sflag:$0x3] =	stream.linear.gather @p0 [hbm4b:s10+s0], $0x2400, $0x38;
	[tilespmem:$0x18200] =	vst v63  }
0x269: {  	_ =	swait.ge @p0 [sflag:s3], $0x2400  }
0x26a: {  	[sflag:s3] =	ssyncset.done @p0 $0x0  }
0x26b: {  	s7 =	simm.s32 @p0 $0x8000;
	[sflag:s3] =	ssyncadd.s32 @p0 $0xFFFFDC00  }
0x26c: {  	[tilespmem:s7], [sflag:$0x3] =	stream.linear.gather @p0 [hbm4b:s11+s0], $0x48, $0x38;
	[tilespmem:$0x18200] =	vst v63  }
0x26d: {  	_ =	swait.ge @p0 [sflag:s3], $0x48  }
0x26e: {  	[sflag:s3] =	ssyncset.done @p0 $0x0  }
0x26f: {  	s0 =	simm.s32 @!p0 $0x0;
	[sflag:s3] =	ssyncadd.s32 @p0 $0xFFFFFFB8;
	s3 =	simm.s32 @!p0 $0x3  }
0x270: {  	[tilespmem:s0], [sflag:$0x3] =	stream.linear.gather @!p0 [hbm4b:s10+s0], $0x2000, $0x38;
	[tilespmem:$0x18200] =	vst v63  }
0x271: {  	_ =	swait.ge @!p0 [sflag:s3], $0x2000  }
0x272: {  	[sflag:s3] =	ssyncset.done @!p0 $0x0  }
0x273: {  	p2 =	sne.s32 s5, $0x1;
	s7 =	simm.s32 @!p0 $0x8000;
	[sflag:s3] =	ssyncadd.s32 @!p0 $0xFFFFE000  }
0x274: {  	[tilespmem:s7], [sflag:$0x3] =	stream.linear.gather @!p0 [hbm4b:s11+s0], $0x40, $0x38;
	[tilespmem:$0x18200] =	vst v63  }
.Ltmp4:
0x275: {  	_ = 	snop;
	(pc) =	sbr.rel @!p2 .LBB2_10-.Ltmp4, $4  }
0x276: {  	_ =	swait.ge @!p0 [sflag:s3], $0x40  }
0x277: {  	[sflag:s3] =	ssyncset.done @!p0 $0x0  }
0x278: {  	s31 =	simm.s32 $0x8000;
	[sflag:s3] =	ssyncadd.s32 @!p0 $0xFFFFFFC0  }
0x279: {  	p1 =	por $0x0, $0x0;
	s0 =	simm.s32 $0x40;
	s3 =	sadd.s32 $0xFFFFFFFF, s5;
	v1 =	vld [tilespmem:s31+$0x0]  }
0x27a: {  	_ =	sdelay $0x3  }
0x27b: {  	(v2sf) =	vpush v1, $0x0;
	_ =	sdelay $0xc  }
0x27c: {  	v1 =	vld [tilespmem:s0+$0xFFFFFFC0];
	_ =	sdelay $0x1  }
0x27d: {  	s7 =	spop (v2sf)  }
0x27e: {  	s7 =	sshll.u32 s7, $0x9  }
0x27f: {  	s7 =	sshra.s32 s7, $0x2  }
0x280: {  	[tilespmem:s7+$0x8200] =	vst.add.f32.msk $0xffff, v1  }
0x281: {  	v1 =	vld [tilespmem:s0+$0xFFFFFFD0];
	_ =	sdelay $0x4  }
0x282: {  	[tilespmem:s7+$0x8210] =	vst.add.f32.msk $0xffff, v1  }
0x283: {  	v1 =	vld [tilespmem:s0+$0xFFFFFFE0];
	_ =	sdelay $0x4  }
0x284: {  	[tilespmem:s7+$0x8220] =	vst.add.f32.msk $0xffff, v1  }
0x285: {  	v1 =	vld [tilespmem:s0+$0xFFFFFFF0];
	_ =	sdelay $0x4  }
0x286: {  	[tilespmem:s7+$0x8230] =	vst.add.f32.msk $0xffff, v1  }
0x287: {  	v1 =	vld [tilespmem:s0+$0x0];
	_ =	sdelay $0x4  }
0x288: {  	[tilespmem:s7+$0x8240] =	vst.add.f32.msk $0xffff, v1  }
0x289: {  	v1 =	vld [tilespmem:s0+$0x10];
	_ =	sdelay $0x4  }
0x28a: {  	[tilespmem:s7+$0x8250] =	vst.add.f32.msk $0xffff, v1  }
0x28b: {  	v1 =	vld [tilespmem:s0+$0x20];
	_ =	sdelay $0x4  }
0x28c: {  	[tilespmem:s7+$0x8260] =	vst.add.f32.msk $0xffff, v1  }
0x28d: {  	v1 =	vld [tilespmem:s0+$0x30]  }
0x28e: {  	p2 =	sne.s32 s3, $0x1  }
.Ltmp5:
0x28f: {  	_ = 	snop;
	(pc) =	sbr.rel @!p2 .LBB2_12-.Ltmp5, $3  }
0x290: {  	_ =	sdelay $0x1  }
0x291: {  	s14 =	simm.s32 $0x8001;
	[tilespmem:s7+$0x8270] =	vst.add.f32.msk $0xffff, v1  }
0x292: {  	s19 =	sadd.s32 $0xFFFFFFFF, s3;
	p1 =	por $0x1, $0x1;
	s3 =	simm.s32 $0x40;
	v1 =	vld [tilespmem:s14+$0x0]  }
.LBB2_13:
0x293: {  	p2 =	sne.s32 s19, $0x1;
	_ =	sdelay $0x3  }
0x294: {  	(v2sf) =	vpush v1, $0x0;
	_ =	sdelay $0xb  }
0x295: {  	s3 =	sadd.s32 $0x80, s3  }
0x296: {  	v1 =	vld [tilespmem:s3+$0xFFFFFFC0];
	_ =	sdelay $0x1  }
0x297: {  	s7 =	spop (v2sf)  }
0x298: {  	s7 =	sshll.u32 s7, $0x9  }
0x299: {  	s7 =	sshra.s32 s7, $0x2  }
0x29a: {  	[tilespmem:s7+$0x8200] =	vst.add.f32.msk $0xffff, v1  }
0x29b: {  	v1 =	vld [tilespmem:s3+$0xFFFFFFD0];
	_ =	sdelay $0x4  }
0x29c: {  	[tilespmem:s7+$0x8210] =	vst.add.f32.msk $0xffff, v1  }
0x29d: {  	v1 =	vld [tilespmem:s3+$0xFFFFFFE0];
	_ =	sdelay $0x4  }
0x29e: {  	[tilespmem:s7+$0x8220] =	vst.add.f32.msk $0xffff, v1  }
0x29f: {  	v1 =	vld [tilespmem:s3+$0xFFFFFFF0];
	_ =	sdelay $0x4  }
0x2a0: {  	[tilespmem:s7+$0x8230] =	vst.add.f32.msk $0xffff, v1  }
0x2a1: {  	v1 =	vld [tilespmem:s3+$0x0];
	_ =	sdelay $0x4  }
0x2a2: {  	[tilespmem:s7+$0x8240] =	vst.add.f32.msk $0xffff, v1  }
0x2a3: {  	v1 =	vld [tilespmem:s3+$0x10];
	_ =	sdelay $0x4  }
0x2a4: {  	[tilespmem:s7+$0x8250] =	vst.add.f32.msk $0xffff, v1  }
0x2a5: {  	v1 =	vld [tilespmem:s3+$0x20];
	_ =	sdelay $0x4  }
0x2a6: {  	[tilespmem:s7+$0x8260] =	vst.add.f32.msk $0xffff, v1  }
0x2a7: {  	v1 =	vld [tilespmem:s3+$0x30];
	_ =	sdelay $0x1  }
.Ltmp6:
0x2a8: {  	(pc) =	sbr.rel @p2 .LBB2_13-.Ltmp6, $3  }
0x2a9: {  	_ =	sdelay $0x1  }
0x2aa: {  	s14 =	sadd.s32 $0x1, s14;
	[tilespmem:s7+$0x8270] =	vst.add.f32.msk $0xffff, v1  }
0x2ab: {  	s19 =	sadd.s32 $0xFFFFFFFF, s19;
	v1 =	vld [tilespmem:s14+$0x0]  }
.LBB2_14:
0x2ac: {  	_ =	sdelay $0x3  }
0x2ad: {  	(v2sf) =	vpush v1, $0x0;
	_ =	sdelay $0xa  }
0x2ae: {  	s3 =	sadd.s32 @p1 $0x80, s3  }
0x2af: {  	s0 =	smov.u32 @p1 s3  }
0x2b0: {  	v1 =	vld [tilespmem:s0+$0xFFFFFFC0];
	_ =	sdelay $0x1  }
0x2b1: {  	s30 =	spop (v2sf)  }
0x2b2: {  	s3 =	sshll.u32 s30, $0x9  }
0x2b3: {  	s3 =	sshra.s32 s3, $0x2  }
0x2b4: {  	[tilespmem:s3+$0x8200] =	vst.add.f32.msk $0xffff, v1  }
0x2b5: {  	v1 =	vld [tilespmem:s0+$0xFFFFFFD0];
	_ =	sdelay $0x4  }
0x2b6: {  	[tilespmem:s3+$0x8210] =	vst.add.f32.msk $0xffff, v1  }
0x2b7: {  	v1 =	vld [tilespmem:s0+$0xFFFFFFE0];
	_ =	sdelay $0x4  }
0x2b8: {  	[tilespmem:s3+$0x8220] =	vst.add.f32.msk $0xffff, v1  }
0x2b9: {  	v1 =	vld [tilespmem:s0+$0xFFFFFFF0];
	_ =	sdelay $0x4  }
0x2ba: {  	[tilespmem:s3+$0x8230] =	vst.add.f32.msk $0xffff, v1  }
0x2bb: {  	v1 =	vld [tilespmem:s0+$0x0];
	_ =	sdelay $0x4  }
0x2bc: {  	[tilespmem:s3+$0x8240] =	vst.add.f32.msk $0xffff, v1  }
0x2bd: {  	v1 =	vld [tilespmem:s0+$0x10];
	_ =	sdelay $0x4  }
0x2be: {  	[tilespmem:s3+$0x8250] =	vst.add.f32.msk $0xffff, v1  }
0x2bf: {  	v1 =	vld [tilespmem:s0+$0x20];
	_ =	sdelay $0x4  }
0x2c0: {  	[tilespmem:s3+$0x8260] =	vst.add.f32.msk $0xffff, v1  }
0x2c1: {  	v1 =	vld [tilespmem:s0+$0x30];
	_ =	sdelay $0x3  }
0x2c2: {  	s21 =	sadd.s32 $0x1, s21  }
0x2c3: {  	s31 =	simm.s32 $0x8200;
	p1 =	sne.s32 s21, s13;
	[tilespmem:s3+$0x8270] =	vst.add.f32.msk $0xffff, v1  }
0x2c4: {  	[hbm4b:s12+s4] =	stream.linear.scatter [tilespmem:s31], [sflag:$0x3], $0x10000, $0x38;
	[tilespmem:$0x18200] =	vst v63  }
.Ltmp7:
0x2c5: {  	_ = 	snop;
	(pc) =	sbr.rel @p1 .LBB2_1-.Ltmp7, $4  }
.Ltmp8:
0x2c6: {  	_ = 	snop;
	(pc) =	sbr.rel @!p1 .LBB2_15-.Ltmp8, $4  }
0x2c7: {  	_ =	swait.ge [sflag:s20], $0x10000  }
0x2c8: {  	[sflag:s20] =	ssyncset.done $0x0  }
0x2c9: {  	[sflag:s20] =	ssyncadd.s32 $0xFFFF0000  }
0x2ca: {  	_ = 	snop  }
.LBB2_10:
.Ltmp9:
0x2cb: {  	(pc) =	sbr.rel .LBB2_14-.Ltmp9, $2  }
0x2cc: {  	_ =	sdelay $0x2  }
0x2cd: {  	s3 =	simm.s32 $0x40  }
.LBB2_12:
.Ltmp10:
0x2ce: {  	(pc) =	sbr.rel .LBB2_14-.Ltmp10, $2  }
0x2cf: {  	_ =	sdelay $0x2  }
0x2d0: {  	s3 =	simm.s32 $0x40  }
.LBB2_15:
0x2d1: {  	_ =	sfence.sel $0x180000  }
0x2d2: {  	[bflag:$0x0] =	sbarrier.arrive $0xFFFF  }
0x2d3: {  	_ =	strace $0x90000047  }
0x2d4: {  	s0 =	stileid.u32;
	[bflag:$0x2] =	sbarrier.arrive $0xFFFF  }
0x2d5: {  	p0 =	sne.s32 s0, $0x0;
	s0 =	rddreg [dreg:$0x3]  }
0x2d6: {  	s0 =	sadd.s32 @!p0 $0x100000, s0  }
0x2d7: {  	[sflag:s0] =	ssyncadd.tile.s32 @!p0 $0x1;
	_ =	shalt  }
.Lfunc_end2:
_tile_overlayer_lowered:
.L_overlay_start_2:
0x2d8: {  	(tag) =	ssettag $0x2  }
0x2d9: {  	s0 =	rddreg [dreg:$0x0];
	s2 =	stileid.u32  }
0x2da: {  	s1 =	rddreg [dreg:$0x1];
	p0 =	sne.s32 s2, $0x0  }
0x2db: {  	s3 =	rddreg [dreg:$0x2];
	[bflag:$0x3] =	sbarrier.arrive $0xFFFF;
	s2 =	simm.s32 @!p0 $0x1C03  }
0x2dc: {  	[timem:s3], [sflag:s2] =	dma.local @!p0 [hbm:s0], s1  }
0x2dd: {  	s0 =	simm.s32 @!p0 $0x3  }
0x2de: {  	_ =	swait.ge @!p0 [sflag:s0], s1  }
0x2df: {  	s1 =	ssub.s32 @!p0 $0x0, s1;
	[sflag:s0] =	ssyncset.done @!p0 $0x0  }
0x2e0: {  	[sflag:s0] =	ssyncadd.s32 @!p0 s1  }
0x2e1: {  	[bflag:$0x3] =	sbarrier.arrive $0xFFFF  }
0x2e2: {  	_ =	shalt  }

</sc_bundles>
